<compile_context>
chip_gen: v7x
topology: tpu7x:2x2x1
jax: 0.10.2.dev20260603
libtpu: 0.0.44.dev20260713+nightly
codegen_flags: <defaults>
</compile_context>

<pallas_src>
import functools
import numpy as np
import jax
import jax.numpy as jnp
from jax import lax
from jax.experimental import pallas as pl
from jax.experimental.pallas import tpu as pltpu
from jax.experimental.pallas import tpu_sc as plsc

LANES = 16
NUM_WORKERS = 32


def _sinusoidal_pe_np(seq_len, d_model):
    pos = np.arange(seq_len, dtype=np.float32)[:, None]
    div = np.exp(
        np.arange(0, d_model, 2, dtype=np.float32) * (-np.log(10000.0) / d_model)
    )
    pe = np.zeros((seq_len, d_model), dtype=np.float32)
    pe[:, 0::2] = np.sin(pos * div)
    pe[:, 1::2] = np.cos(pos * div)
    return pe


NBUF = 10
CHUNK = 40


@functools.partial(jax.jit, static_argnames=("n", "s", "d"))
def _embed_pe(table, ids_flat, pe, *, n, s, d):
    mesh = plsc.VectorSubcoreMesh(core_axis_name="c", subcore_axis_name="s")
    n_per_w = n // NUM_WORKERS
    nchunk = n_per_w // CHUNK

    @functools.partial(
        pl.kernel,
        out_type=jax.ShapeDtypeStruct((n, d), jnp.float32),
        mesh=mesh,
        scratch_types=[
            pltpu.VMEM((s, d), jnp.float32),
            pltpu.VMEM((n_per_w,), jnp.int32),
        ]
        + [pltpu.VMEM((CHUNK, d), jnp.float32) for _ in range(NBUF)]
        + [pltpu.SemaphoreType.DMA for _ in range(2 * NBUF)],
    )
    def k(table_hbm, idx_hbm, pe_hbm, out_hbm, pe_v, idx_v, *bufs_sems):
        bufs = bufs_sems[:NBUF]
        g_sems = bufs_sems[NBUF : 2 * NBUF]
        s_sems = bufs_sems[2 * NBUF :]
        wid = lax.axis_index("s") * 2 + lax.axis_index("c")
        base = wid * n_per_w
        pltpu.sync_copy(pe_hbm, pe_v)
        pltpu.sync_copy(idx_hbm.at[pl.ds(base, n_per_w)], idx_v)

        def add_pe(buf, pe_off):
            @plsc.parallel_loop(0, CHUNK, unroll=4)
            def _(r):
                for c in range(d // LANES):
                    ck = pl.ds(c * LANES, LANES)
                    plsc.addupdate(
                        buf.at[pl.ds(r, 1), ck],
                        pe_v.at[pl.ds(pe_off + r, 1), ck][...],
                    )

        def issue_gather(c, b):
            pltpu.async_copy(
                table_hbm.at[idx_v.at[pl.ds(c * CHUNK, CHUNK)]],
                bufs[b],
                g_sems[b],
            )

        def wait_gather(b):
            pltpu.make_async_copy(
                table_hbm.at[idx_v.at[pl.ds(0, CHUNK)]], bufs[b], g_sems[b]
            ).wait()

        def wait_store(b):
            pltpu.make_async_copy(
                bufs[b], out_hbm.at[pl.ds(0, CHUNK)], s_sems[b]
            ).wait()

        for b in range(NBUF):
            issue_gather(b, b)

        @pl.loop(0, nchunk, step=NBUF)
        def _(j):
            for b in range(NBUF):
                c = j + b
                wait_gather(b)
                pe_off = lax.rem(c * CHUNK, s)
                add_pe(bufs[b], pe_off)
                pltpu.async_copy(
                    bufs[b],
                    out_hbm.at[pl.ds(base + c * CHUNK, CHUNK)],
                    s_sems[b],
                )
                bp = (b - 1) % NBUF
                cp = c - 1

                @pl.when(jnp.logical_and(cp >= 0, cp + NBUF < nchunk))
                def _():
                    wait_store(bp)
                    issue_gather(cp + NBUF, bp)

        for b in range(NBUF):
            wait_store(b)

    return k(table, ids_flat, pe)


def kernel(token_ids, table):
    b, s = token_ids.shape
    v, d = table.shape
    ids_flat = token_ids.reshape(b * s).astype(jnp.int32)
    pe = jnp.asarray(_sinusoidal_pe_np(s, d))
    out = _embed_pe(table, ids_flat, pe, n=b * s, s=s, d=d)
    return out.reshape(b, s, d)

# --- scband reference (transcript-rebuilt; emitter-appended) ---
"""Pipeline reference for scband-embedding-with-pe-43009802502218 (READ-ONLY COPY).

The authoritative reference and input builder live on the scoring server;
editing this copy changes nothing except your own understanding.
"""

import jax, jax.numpy as jnp
import numpy as np

VOCAB = 100000
EMBED_DIM = 128
MAX_LEN = 5000
BATCH = 1024
SEQ = 200

def _sinusoidal_pe(max_len, d_model):
    pos = np.arange(max_len, dtype=np.float32)[:, None]
    div = np.exp(np.arange(0, d_model, 2, dtype=np.float32) * (-np.log(10000.0) / d_model))
    pe = np.zeros((max_len, d_model), dtype=np.float32)
    pe[:, 0::2] = np.sin(pos * div)
    pe[:, 1::2] = np.cos(pos * div)
    return jnp.asarray(pe)

def setup_inputs(seed: int = 0) -> dict:
    key = jax.random.key(seed)
    k1, k2 = jax.random.split(key)
    token_ids = jax.random.randint(k1, (BATCH, SEQ), 0, VOCAB, dtype=jnp.int64 if jax.config.jax_enable_x64 else jnp.int32)
    table = jax.random.normal(k2, (VOCAB, EMBED_DIM), dtype=jnp.float32)
    return {"token_ids": token_ids, "table": table}

def reference(token_ids, table):
    # token embedding lookup (gather)
    x = jnp.take(table, token_ids, axis=0)  # [B, S, D]
    # positional encoding (fixed sinusoidal buffer, added to embeddings)
    pe = _sinusoidal_pe(MAX_LEN, EMBED_DIM)
    seq_len = x.shape[1]
    x = x + pe[None, :seq_len, :]
    return x

if __name__ == "__main__":
    import jax
    _d = setup_inputs()
    print(jax.jit(kernel)(*tuple(_d.values())))

</pallas_src>

<mosaic_0001>
#map = affine_map<(d0, d1) -> (0, 0)>
#map1 = affine_map<(d0, d1) -> (0)>
module attributes {stable_mosaic.version = 14 : i64} {
  func.func @k(%arg0: i32, %arg1: i32, %arg2: memref<100000x128xf32, #tpu.memory_space<hbm>>, %arg3: memref<204800xi32, #tpu.memory_space<hbm>>, %arg4: memref<200x128xf32, #tpu.memory_space<hbm>>, %arg5: memref<204800x128xf32, #tpu.memory_space<hbm>>, %arg6: memref<200x128xf32, #tpu.memory_space<vmem>>, %arg7: memref<6400xi32, #tpu.memory_space<vmem>>, %arg8: memref<40x128xf32, #tpu.memory_space<vmem>>, %arg9: memref<40x128xf32, #tpu.memory_space<vmem>>, %arg10: memref<40x128xf32, #tpu.memory_space<vmem>>, %arg11: memref<40x128xf32, #tpu.memory_space<vmem>>, %arg12: memref<40x128xf32, #tpu.memory_space<vmem>>, %arg13: memref<40x128xf32, #tpu.memory_space<vmem>>, %arg14: memref<40x128xf32, #tpu.memory_space<vmem>>, %arg15: memref<40x128xf32, #tpu.memory_space<vmem>>, %arg16: memref<40x128xf32, #tpu.memory_space<vmem>>, %arg17: memref<40x128xf32, #tpu.memory_space<vmem>>, %arg18: memref<!tpu.dma_semaphore, #tpu.memory_space<semaphore_mem>>, %arg19: memref<!tpu.dma_semaphore, #tpu.memory_space<semaphore_mem>>, %arg20: memref<!tpu.dma_semaphore, #tpu.memory_space<semaphore_mem>>, %arg21: memref<!tpu.dma_semaphore, #tpu.memory_space<semaphore_mem>>, %arg22: memref<!tpu.dma_semaphore, #tpu.memory_space<semaphore_mem>>, %arg23: memref<!tpu.dma_semaphore, #tpu.memory_space<semaphore_mem>>, %arg24: memref<!tpu.dma_semaphore, #tpu.memory_space<semaphore_mem>>, %arg25: memref<!tpu.dma_semaphore, #tpu.memory_space<semaphore_mem>>, %arg26: memref<!tpu.dma_semaphore, #tpu.memory_space<semaphore_mem>>, %arg27: memref<!tpu.dma_semaphore, #tpu.memory_space<semaphore_mem>>, %arg28: memref<!tpu.dma_semaphore, #tpu.memory_space<semaphore_mem>>, %arg29: memref<!tpu.dma_semaphore, #tpu.memory_space<semaphore_mem>>, %arg30: memref<!tpu.dma_semaphore, #tpu.memory_space<semaphore_mem>>, %arg31: memref<!tpu.dma_semaphore, #tpu.memory_space<semaphore_mem>>, %arg32: memref<!tpu.dma_semaphore, #tpu.memory_space<semaphore_mem>>, %arg33: memref<!tpu.dma_semaphore, #tpu.memory_space<semaphore_mem>>, %arg34: memref<!tpu.dma_semaphore, #tpu.memory_space<semaphore_mem>>, %arg35: memref<!tpu.dma_semaphore, #tpu.memory_space<semaphore_mem>>, %arg36: memref<!tpu.dma_semaphore, #tpu.memory_space<semaphore_mem>>, %arg37: memref<!tpu.dma_semaphore, #tpu.memory_space<semaphore_mem>>) attributes {dimension_semantics = [#tpu.dimension_semantics<core_parallel>, #tpu.dimension_semantics<subcore_parallel>], iteration_bounds = array<i64: 2, 16>, scalar_prefetch = 0 : i64, scratch_operands = 32 : i64, tpu.core_type = #tpu.core_type<sc_vector_subcore>, window_params = [{transform_indices = #map}, {transform_indices = #map1}, {transform_indices = #map}, {transform_indices = #map}]} {
    %mul3A = arith.constant 2 : i32
    %mul3A_0 = arith.muli %arg1, %mul3A : i32
    %add3A = arith.addi %mul3A_0, %arg0 : i32
    %mul3A_1 = arith.constant 6400 : i32
    %mul3A_2 = arith.muli %add3A, %mul3A_1 : i32
    "tpu.region"() ({
      %run_scoped3A = tpu.sem_alloc : memref<!tpu.dma_semaphore, #tpu.memory_space<semaphore_mem>>
      tpu.enqueue_dma source(%arg4 : memref<200x128xf32, #tpu.memory_space<hbm>>) target(%arg6 : memref<200x128xf32, #tpu.memory_space<vmem>>) target_semaphore(%run_scoped3A : memref<!tpu.dma_semaphore, #tpu.memory_space<semaphore_mem>>)
      tpu.wait_dma2 semaphore(%run_scoped3A : memref<!tpu.dma_semaphore, #tpu.memory_space<semaphore_mem>>) src(%arg4 : memref<200x128xf32, #tpu.memory_space<hbm>>) dst(%arg6 : memref<200x128xf32, #tpu.memory_space<vmem>>)
      tpu.yield
    }) : () -> ()
    "tpu.region"() ({
      %run_scoped3A = tpu.sem_alloc : memref<!tpu.dma_semaphore, #tpu.memory_space<semaphore_mem>>
      %dma_start3A_115 = tpu.memref_slice %arg3[%mul3A_2] : memref<204800xi32, #tpu.memory_space<hbm>> -> memref<6400xi32, #tpu.memory_space<hbm>>
      %dma_start3A_116 = tpu.memref_slice %arg3[%mul3A_2] : memref<204800xi32, #tpu.memory_space<hbm>> -> memref<6400xi32, #tpu.memory_space<hbm>>
      tpu.enqueue_dma source(%dma_start3A_116 : memref<6400xi32, #tpu.memory_space<hbm>>) target(%arg7 : memref<6400xi32, #tpu.memory_space<vmem>>) target_semaphore(%run_scoped3A : memref<!tpu.dma_semaphore, #tpu.memory_space<semaphore_mem>>)
      %dma_wait3A_117 = tpu.memref_slice %arg3[%mul3A_2] : memref<204800xi32, #tpu.memory_space<hbm>> -> memref<6400xi32, #tpu.memory_space<hbm>>
      %dma_wait3A_118 = tpu.memref_slice %arg3[%mul3A_2] : memref<204800xi32, #tpu.memory_space<hbm>> -> memref<6400xi32, #tpu.memory_space<hbm>>
      tpu.wait_dma2 semaphore(%run_scoped3A : memref<!tpu.dma_semaphore, #tpu.memory_space<semaphore_mem>>) src(%dma_wait3A_118 : memref<6400xi32, #tpu.memory_space<hbm>>) dst(%arg7 : memref<6400xi32, #tpu.memory_space<vmem>>)
      tpu.yield
    }) : () -> ()
    %dma_start3A = arith.constant 0 : i32
    %dma_start3A_3 = tpu.memref_slice %arg7[%dma_start3A] : memref<6400xi32, #tpu.memory_space<vmem>> -> memref<40xi32, #tpu.memory_space<vmem>>
    %dma_start3A_4 = arith.constant 0 : i32
    %dma_start3A_5 = arith.constant 0 : i32
    %dma_start3A_6 = tpu.memref_slice %arg2[%dma_start3A_4, %dma_start3A_5] : memref<100000x128xf32, #tpu.memory_space<hbm>> -> memref<100000x128xf32, #tpu.memory_space<hbm>>
    tpu.enqueue_indirect_dma source(%dma_start3A_6 : memref<100000x128xf32, #tpu.memory_space<hbm>>) target(%arg8 : memref<40x128xf32, #tpu.memory_space<vmem>>) offsets(%dma_start3A_3 : memref<40xi32, #tpu.memory_space<vmem>>) semaphore(%arg18 : memref<!tpu.dma_semaphore, #tpu.memory_space<semaphore_mem>>)
    %dma_start3A_7 = arith.constant 40 : i32
    %dma_start3A_8 = tpu.memref_slice %arg7[%dma_start3A_7] : memref<6400xi32, #tpu.memory_space<vmem>> -> memref<40xi32, #tpu.memory_space<vmem>>
    %dma_start3A_9 = arith.constant 0 : i32
    %dma_start3A_10 = arith.constant 0 : i32
    %dma_start3A_11 = tpu.memref_slice %arg2[%dma_start3A_9, %dma_start3A_10] : memref<100000x128xf32, #tpu.memory_space<hbm>> -> memref<100000x128xf32, #tpu.memory_space<hbm>>
    tpu.enqueue_indirect_dma source(%dma_start3A_11 : memref<100000x128xf32, #tpu.memory_space<hbm>>) target(%arg9 : memref<40x128xf32, #tpu.memory_space<vmem>>) offsets(%dma_start3A_8 : memref<40xi32, #tpu.memory_space<vmem>>) semaphore(%arg19 : memref<!tpu.dma_semaphore, #tpu.memory_space<semaphore_mem>>)
    %dma_start3A_12 = arith.constant 80 : i32
    %dma_start3A_13 = tpu.memref_slice %arg7[%dma_start3A_12] : memref<6400xi32, #tpu.memory_space<vmem>> -> memref<40xi32, #tpu.memory_space<vmem>>
    %dma_start3A_14 = arith.constant 0 : i32
    %dma_start3A_15 = arith.constant 0 : i32
    %dma_start3A_16 = tpu.memref_slice %arg2[%dma_start3A_14, %dma_start3A_15] : memref<100000x128xf32, #tpu.memory_space<hbm>> -> memref<100000x128xf32, #tpu.memory_space<hbm>>
    tpu.enqueue_indirect_dma source(%dma_start3A_16 : memref<100000x128xf32, #tpu.memory_space<hbm>>) target(%arg10 : memref<40x128xf32, #tpu.memory_space<vmem>>) offsets(%dma_start3A_13 : memref<40xi32, #tpu.memory_space<vmem>>) semaphore(%arg20 : memref<!tpu.dma_semaphore, #tpu.memory_space<semaphore_mem>>)
    %dma_start3A_17 = arith.constant 120 : i32
    %dma_start3A_18 = tpu.memref_slice %arg7[%dma_start3A_17] : memref<6400xi32, #tpu.memory_space<vmem>> -> memref<40xi32, #tpu.memory_space<vmem>>
    %dma_start3A_19 = arith.constant 0 : i32
    %dma_start3A_20 = arith.constant 0 : i32
    %dma_start3A_21 = tpu.memref_slice %arg2[%dma_start3A_19, %dma_start3A_20] : memref<100000x128xf32, #tpu.memory_space<hbm>> -> memref<100000x128xf32, #tpu.memory_space<hbm>>
    tpu.enqueue_indirect_dma source(%dma_start3A_21 : memref<100000x128xf32, #tpu.memory_space<hbm>>) target(%arg11 : memref<40x128xf32, #tpu.memory_space<vmem>>) offsets(%dma_start3A_18 : memref<40xi32, #tpu.memory_space<vmem>>) semaphore(%arg21 : memref<!tpu.dma_semaphore, #tpu.memory_space<semaphore_mem>>)
    %dma_start3A_22 = arith.constant 160 : i32
    %dma_start3A_23 = tpu.memref_slice %arg7[%dma_start3A_22] : memref<6400xi32, #tpu.memory_space<vmem>> -> memref<40xi32, #tpu.memory_space<vmem>>
    %dma_start3A_24 = arith.constant 0 : i32
    %dma_start3A_25 = arith.constant 0 : i32
    %dma_start3A_26 = tpu.memref_slice %arg2[%dma_start3A_24, %dma_start3A_25] : memref<100000x128xf32, #tpu.memory_space<hbm>> -> memref<100000x128xf32, #tpu.memory_space<hbm>>
    tpu.enqueue_indirect_dma source(%dma_start3A_26 : memref<100000x128xf32, #tpu.memory_space<hbm>>) target(%arg12 : memref<40x128xf32, #tpu.memory_space<vmem>>) offsets(%dma_start3A_23 : memref<40xi32, #tpu.memory_space<vmem>>) semaphore(%arg22 : memref<!tpu.dma_semaphore, #tpu.memory_space<semaphore_mem>>)
    %dma_start3A_27 = arith.constant 200 : i32
    %dma_start3A_28 = tpu.memref_slice %arg7[%dma_start3A_27] : memref<6400xi32, #tpu.memory_space<vmem>> -> memref<40xi32, #tpu.memory_space<vmem>>
    %dma_start3A_29 = arith.constant 0 : i32
    %dma_start3A_30 = arith.constant 0 : i32
    %dma_start3A_31 = tpu.memref_slice %arg2[%dma_start3A_29, %dma_start3A_30] : memref<100000x128xf32, #tpu.memory_space<hbm>> -> memref<100000x128xf32, #tpu.memory_space<hbm>>
    tpu.enqueue_indirect_dma source(%dma_start3A_31 : memref<100000x128xf32, #tpu.memory_space<hbm>>) target(%arg13 : memref<40x128xf32, #tpu.memory_space<vmem>>) offsets(%dma_start3A_28 : memref<40xi32, #tpu.memory_space<vmem>>) semaphore(%arg23 : memref<!tpu.dma_semaphore, #tpu.memory_space<semaphore_mem>>)
    %dma_start3A_32 = arith.constant 240 : i32
    %dma_start3A_33 = tpu.memref_slice %arg7[%dma_start3A_32] : memref<6400xi32, #tpu.memory_space<vmem>> -> memref<40xi32, #tpu.memory_space<vmem>>
    %dma_start3A_34 = arith.constant 0 : i32
    %dma_start3A_35 = arith.constant 0 : i32
    %dma_start3A_36 = tpu.memref_slice %arg2[%dma_start3A_34, %dma_start3A_35] : memref<100000x128xf32, #tpu.memory_space<hbm>> -> memref<100000x128xf32, #tpu.memory_space<hbm>>
    tpu.enqueue_indirect_dma source(%dma_start3A_36 : memref<100000x128xf32, #tpu.memory_space<hbm>>) target(%arg14 : memref<40x128xf32, #tpu.memory_space<vmem>>) offsets(%dma_start3A_33 : memref<40xi32, #tpu.memory_space<vmem>>) semaphore(%arg24 : memref<!tpu.dma_semaphore, #tpu.memory_space<semaphore_mem>>)
    %dma_start3A_37 = arith.constant 280 : i32
    %dma_start3A_38 = tpu.memref_slice %arg7[%dma_start3A_37] : memref<6400xi32, #tpu.memory_space<vmem>> -> memref<40xi32, #tpu.memory_space<vmem>>
    %dma_start3A_39 = arith.constant 0 : i32
    %dma_start3A_40 = arith.constant 0 : i32
    %dma_start3A_41 = tpu.memref_slice %arg2[%dma_start3A_39, %dma_start3A_40] : memref<100000x128xf32, #tpu.memory_space<hbm>> -> memref<100000x128xf32, #tpu.memory_space<hbm>>
    tpu.enqueue_indirect_dma source(%dma_start3A_41 : memref<100000x128xf32, #tpu.memory_space<hbm>>) target(%arg15 : memref<40x128xf32, #tpu.memory_space<vmem>>) offsets(%dma_start3A_38 : memref<40xi32, #tpu.memory_space<vmem>>) semaphore(%arg25 : memref<!tpu.dma_semaphore, #tpu.memory_space<semaphore_mem>>)
    %dma_start3A_42 = arith.constant 320 : i32
    %dma_start3A_43 = tpu.memref_slice %arg7[%dma_start3A_42] : memref<6400xi32, #tpu.memory_space<vmem>> -> memref<40xi32, #tpu.memory_space<vmem>>
    %dma_start3A_44 = arith.constant 0 : i32
    %dma_start3A_45 = arith.constant 0 : i32
    %dma_start3A_46 = tpu.memref_slice %arg2[%dma_start3A_44, %dma_start3A_45] : memref<100000x128xf32, #tpu.memory_space<hbm>> -> memref<100000x128xf32, #tpu.memory_space<hbm>>
    tpu.enqueue_indirect_dma source(%dma_start3A_46 : memref<100000x128xf32, #tpu.memory_space<hbm>>) target(%arg16 : memref<40x128xf32, #tpu.memory_space<vmem>>) offsets(%dma_start3A_43 : memref<40xi32, #tpu.memory_space<vmem>>) semaphore(%arg26 : memref<!tpu.dma_semaphore, #tpu.memory_space<semaphore_mem>>)
    %dma_start3A_47 = arith.constant 360 : i32
    %dma_start3A_48 = tpu.memref_slice %arg7[%dma_start3A_47] : memref<6400xi32, #tpu.memory_space<vmem>> -> memref<40xi32, #tpu.memory_space<vmem>>
    %dma_start3A_49 = arith.constant 0 : i32
    %dma_start3A_50 = arith.constant 0 : i32
    %dma_start3A_51 = tpu.memref_slice %arg2[%dma_start3A_49, %dma_start3A_50] : memref<100000x128xf32, #tpu.memory_space<hbm>> -> memref<100000x128xf32, #tpu.memory_space<hbm>>
    tpu.enqueue_indirect_dma source(%dma_start3A_51 : memref<100000x128xf32, #tpu.memory_space<hbm>>) target(%arg17 : memref<40x128xf32, #tpu.memory_space<vmem>>) offsets(%dma_start3A_48 : memref<40xi32, #tpu.memory_space<vmem>>) semaphore(%arg27 : memref<!tpu.dma_semaphore, #tpu.memory_space<semaphore_mem>>)
    %scan3A = arith.constant 0 : i32
    %scan3A_52 = arith.constant 16 : i32
    %scan3A_53 = arith.addi %scan3A, %scan3A_52 : i32
    %scan3A_54 = arith.constant 1 : i32
    scf.for %scan3A_115 = %scan3A to %scan3A_53 step %scan3A_54  : i32 {
      %mul3A_116 = arith.constant 10 : i32
      %mul3A_117 = arith.muli %scan3A_115, %mul3A_116 : i32
      %add3A_118 = arith.constant 0 : i32
      %add3A_119 = arith.addi %add3A_118, %mul3A_117 : i32
      %add3A_120 = arith.constant 0 : i32
      %add3A_121 = arith.addi %add3A_119, %add3A_120 : i32
      %dma_wait3A_122 = arith.constant 0 : i32
      %dma_wait3A_123 = tpu.memref_slice %arg7[%dma_wait3A_122] : memref<6400xi32, #tpu.memory_space<vmem>> -> memref<40xi32, #tpu.memory_space<vmem>>
      %dma_wait3A_124 = arith.constant 0 : i32
      %dma_wait3A_125 = arith.constant 0 : i32
      %dma_wait3A_126 = tpu.memref_slice %arg2[%dma_wait3A_124, %dma_wait3A_125] : memref<100000x128xf32, #tpu.memory_space<hbm>> -> memref<100000x128xf32, #tpu.memory_space<hbm>>
      tpu.wait_indirect_dma semaphore(%arg18 : memref<!tpu.dma_semaphore, #tpu.memory_space<semaphore_mem>>) src(%dma_wait3A_126 : memref<100000x128xf32, #tpu.memory_space<hbm>>) dst(%arg8 : memref<40x128xf32, #tpu.memory_space<vmem>>)
      %mul3A_127 = arith.constant 40 : i32
      %mul3A_128 = arith.muli %add3A_121, %mul3A_127 : i32
      %rem3A = arith.constant 200 : i32
      %rem3A_129 = arith.remsi %mul3A_128, %rem3A : i32
      %parallel_loop3A = arith.constant 0 : i32
      %parallel_loop3A_130 = arith.constant 40 : i32
      %parallel_loop3A_131 = arith.constant 1 : i32
      scf.for %parallel_loop3A_442 = %parallel_loop3A to %parallel_loop3A_130 step %parallel_loop3A_131  : i32 {
        %parallel_loop3A_443 = arith.addi %rem3A_129, %parallel_loop3A_442 : i32
        %parallel_loop3A_444 = arith.index_cast %parallel_loop3A_443 : i32 to index
        %parallel_loop3A_445 = arith.constant 0 : index
        %parallel_loop3A_446 = tpu.vector_load %arg6[%parallel_loop3A_444, %parallel_loop3A_445] {strides = array<i32>} : memref<200x128xf32, #tpu.memory_space<vmem>>, vector<1x16xf32>,
        %parallel_loop3A_447 = vector.shape_cast %parallel_loop3A_446 : vector<1x16xf32> to vector<1x16xf32>
        %parallel_loop3A_448 = arith.index_cast %parallel_loop3A_442 : i32 to index
        %parallel_loop3A_449 = arith.constant 0 : index
        %parallel_loop3A_450 = tpu.vector_load %arg8[%parallel_loop3A_448, %parallel_loop3A_449] {strides = array<i32>} : memref<40x128xf32, #tpu.memory_space<vmem>>, vector<1x16xf32>,
        %parallel_loop3A_451 = vector.shape_cast %parallel_loop3A_450 : vector<1x16xf32> to vector<1x16xf32>
        %parallel_loop3A_452 = vector.shape_cast %parallel_loop3A_447 : vector<1x16xf32> to vector<1x16xf32>
        tpu.vector_store %arg8[%parallel_loop3A_448, %parallel_loop3A_449], %parallel_loop3A_452 {add = true, strides = array<i32>} : memref<40x128xf32, #tpu.memory_space<vmem>>, vector<1x16xf32>,
        %parallel_loop3A_453 = arith.addi %rem3A_129, %parallel_loop3A_442 : i32
        %parallel_loop3A_454 = arith.index_cast %parallel_loop3A_453 : i32 to index
        %parallel_loop3A_455 = arith.constant 16 : index
        %parallel_loop3A_456 = tpu.vector_load %arg6[%parallel_loop3A_454, %parallel_loop3A_455] {strides = array<i32>} : memref<200x128xf32, #tpu.memory_space<vmem>>, vector<1x16xf32>,
        %parallel_loop3A_457 = vector.shape_cast %parallel_loop3A_456 : vector<1x16xf32> to vector<1x16xf32>
        %parallel_loop3A_458 = arith.index_cast %parallel_loop3A_442 : i32 to index
        %parallel_loop3A_459 = arith.constant 16 : index
        %parallel_loop3A_460 = tpu.vector_load %arg8[%parallel_loop3A_458, %parallel_loop3A_459] {strides = array<i32>} : memref<40x128xf32, #tpu.memory_space<vmem>>, vector<1x16xf32>,
        %parallel_loop3A_461 = vector.shape_cast %parallel_loop3A_460 : vector<1x16xf32> to vector<1x16xf32>
        %parallel_loop3A_462 = vector.shape_cast %parallel_loop3A_457 : vector<1x16xf32> to vector<1x16xf32>
        tpu.vector_store %arg8[%parallel_loop3A_458, %parallel_loop3A_459], %parallel_loop3A_462 {add = true, strides = array<i32>} : memref<40x128xf32, #tpu.memory_space<vmem>>, vector<1x16xf32>,
        %parallel_loop3A_463 = arith.addi %rem3A_129, %parallel_loop3A_442 : i32
        %parallel_loop3A_464 = arith.index_cast %parallel_loop3A_463 : i32 to index
        %parallel_loop3A_465 = arith.constant 32 : index
        %parallel_loop3A_466 = tpu.vector_load %arg6[%parallel_loop3A_464, %parallel_loop3A_465] {strides = array<i32>} : memref<200x128xf32, #tpu.memory_space<vmem>>, vector<1x16xf32>,
        %parallel_loop3A_467 = vector.shape_cast %parallel_loop3A_466 : vector<1x16xf32> to vector<1x16xf32>
        %parallel_loop3A_468 = arith.index_cast %parallel_loop3A_442 : i32 to index
        %parallel_loop3A_469 = arith.constant 32 : index
        %parallel_loop3A_470 = tpu.vector_load %arg8[%parallel_loop3A_468, %parallel_loop3A_469] {strides = array<i32>} : memref<40x128xf32, #tpu.memory_space<vmem>>, vector<1x16xf32>,
        %parallel_loop3A_471 = vector.shape_cast %parallel_loop3A_470 : vector<1x16xf32> to vector<1x16xf32>
        %parallel_loop3A_472 = vector.shape_cast %parallel_loop3A_467 : vector<1x16xf32> to vector<1x16xf32>
        tpu.vector_store %arg8[%parallel_loop3A_468, %parallel_loop3A_469], %parallel_loop3A_472 {add = true, strides = array<i32>} : memref<40x128xf32, #tpu.memory_space<vmem>>, vector<1x16xf32>,
        %parallel_loop3A_473 = arith.addi %rem3A_129, %parallel_loop3A_442 : i32
        %parallel_loop3A_474 = arith.index_cast %parallel_loop3A_473 : i32 to index
        %parallel_loop3A_475 = arith.constant 48 : index
        %parallel_loop3A_476 = tpu.vector_load %arg6[%parallel_loop3A_474, %parallel_loop3A_475] {strides = array<i32>} : memref<200x128xf32, #tpu.memory_space<vmem>>, vector<1x16xf32>,
        %parallel_loop3A_477 = vector.shape_cast %parallel_loop3A_476 : vector<1x16xf32> to vector<1x16xf32>
        %parallel_loop3A_478 = arith.index_cast %parallel_loop3A_442 : i32 to index
        %parallel_loop3A_479 = arith.constant 48 : index
        %parallel_loop3A_480 = tpu.vector_load %arg8[%parallel_loop3A_478, %parallel_loop3A_479] {strides = array<i32>} : memref<40x128xf32, #tpu.memory_space<vmem>>, vector<1x16xf32>,
        %parallel_loop3A_481 = vector.shape_cast %parallel_loop3A_480 : vector<1x16xf32> to vector<1x16xf32>
        %parallel_loop3A_482 = vector.shape_cast %parallel_loop3A_477 : vector<1x16xf32> to vector<1x16xf32>
        tpu.vector_store %arg8[%parallel_loop3A_478, %parallel_loop3A_479], %parallel_loop3A_482 {add = true, strides = array<i32>} : memref<40x128xf32, #tpu.memory_space<vmem>>, vector<1x16xf32>,
        %parallel_loop3A_483 = arith.addi %rem3A_129, %parallel_loop3A_442 : i32
        %parallel_loop3A_484 = arith.index_cast %parallel_loop3A_483 : i32 to index
        %parallel_loop3A_485 = arith.constant 64 : index
        %parallel_loop3A_486 = tpu.vector_load %arg6[%parallel_loop3A_484, %parallel_loop3A_485] {strides = array<i32>} : memref<200x128xf32, #tpu.memory_space<vmem>>, vector<1x16xf32>,
        %parallel_loop3A_487 = vector.shape_cast %parallel_loop3A_486 : vector<1x16xf32> to vector<1x16xf32>
        %parallel_loop3A_488 = arith.index_cast %parallel_loop3A_442 : i32 to index
        %parallel_loop3A_489 = arith.constant 64 : index
        %parallel_loop3A_490 = tpu.vector_load %arg8[%parallel_loop3A_488, %parallel_loop3A_489] {strides = array<i32>} : memref<40x128xf32, #tpu.memory_space<vmem>>, vector<1x16xf32>,
        %parallel_loop3A_491 = vector.shape_cast %parallel_loop3A_490 : vector<1x16xf32> to vector<1x16xf32>
        %parallel_loop3A_492 = vector.shape_cast %parallel_loop3A_487 : vector<1x16xf32> to vector<1x16xf32>
        tpu.vector_store %arg8[%parallel_loop3A_488, %parallel_loop3A_489], %parallel_loop3A_492 {add = true, strides = array<i32>} : memref<40x128xf32, #tpu.memory_space<vmem>>, vector<1x16xf32>,
        %parallel_loop3A_493 = arith.addi %rem3A_129, %parallel_loop3A_442 : i32
        %parallel_loop3A_494 = arith.index_cast %parallel_loop3A_493 : i32 to index
        %parallel_loop3A_495 = arith.constant 80 : index
        %parallel_loop3A_496 = tpu.vector_load %arg6[%parallel_loop3A_494, %parallel_loop3A_495] {strides = array<i32>} : memref<200x128xf32, #tpu.memory_space<vmem>>, vector<1x16xf32>,
        %parallel_loop3A_497 = vector.shape_cast %parallel_loop3A_496 : vector<1x16xf32> to vector<1x16xf32>
        %parallel_loop3A_498 = arith.index_cast %parallel_loop3A_442 : i32 to index
        %parallel_loop3A_499 = arith.constant 80 : index
        %parallel_loop3A_500 = tpu.vector_load %arg8[%parallel_loop3A_498, %parallel_loop3A_499] {strides = array<i32>} : memref<40x128xf32, #tpu.memory_space<vmem>>, vector<1x16xf32>,
        %parallel_loop3A_501 = vector.shape_cast %parallel_loop3A_500 : vector<1x16xf32> to vector<1x16xf32>
        %parallel_loop3A_502 = vector.shape_cast %parallel_loop3A_497 : vector<1x16xf32> to vector<1x16xf32>
        tpu.vector_store %arg8[%parallel_loop3A_498, %parallel_loop3A_499], %parallel_loop3A_502 {add = true, strides = array<i32>} : memref<40x128xf32, #tpu.memory_space<vmem>>, vector<1x16xf32>,
        %parallel_loop3A_503 = arith.addi %rem3A_129, %parallel_loop3A_442 : i32
        %parallel_loop3A_504 = arith.index_cast %parallel_loop3A_503 : i32 to index
        %parallel_loop3A_505 = arith.constant 96 : index
        %parallel_loop3A_506 = tpu.vector_load %arg6[%parallel_loop3A_504, %parallel_loop3A_505] {strides = array<i32>} : memref<200x128xf32, #tpu.memory_space<vmem>>, vector<1x16xf32>,
        %parallel_loop3A_507 = vector.shape_cast %parallel_loop3A_506 : vector<1x16xf32> to vector<1x16xf32>
        %parallel_loop3A_508 = arith.index_cast %parallel_loop3A_442 : i32 to index
        %parallel_loop3A_509 = arith.constant 96 : index
        %parallel_loop3A_510 = tpu.vector_load %arg8[%parallel_loop3A_508, %parallel_loop3A_509] {strides = array<i32>} : memref<40x128xf32, #tpu.memory_space<vmem>>, vector<1x16xf32>,
        %parallel_loop3A_511 = vector.shape_cast %parallel_loop3A_510 : vector<1x16xf32> to vector<1x16xf32>
        %parallel_loop3A_512 = vector.shape_cast %parallel_loop3A_507 : vector<1x16xf32> to vector<1x16xf32>
        tpu.vector_store %arg8[%parallel_loop3A_508, %parallel_loop3A_509], %parallel_loop3A_512 {add = true, strides = array<i32>} : memref<40x128xf32, #tpu.memory_space<vmem>>, vector<1x16xf32>,
        %parallel_loop3A_513 = arith.addi %rem3A_129, %parallel_loop3A_442 : i32
        %parallel_loop3A_514 = arith.index_cast %parallel_loop3A_513 : i32 to index
        %parallel_loop3A_515 = arith.constant 112 : index
        %parallel_loop3A_516 = tpu.vector_load %arg6[%parallel_loop3A_514, %parallel_loop3A_515] {strides = array<i32>} : memref<200x128xf32, #tpu.memory_space<vmem>>, vector<1x16xf32>,
        %parallel_loop3A_517 = vector.shape_cast %parallel_loop3A_516 : vector<1x16xf32> to vector<1x16xf32>
        %parallel_loop3A_518 = arith.index_cast %parallel_loop3A_442 : i32 to index
        %parallel_loop3A_519 = arith.constant 112 : index
        %parallel_loop3A_520 = tpu.vector_load %arg8[%parallel_loop3A_518, %parallel_loop3A_519] {strides = array<i32>} : memref<40x128xf32, #tpu.memory_space<vmem>>, vector<1x16xf32>,
        %parallel_loop3A_521 = vector.shape_cast %parallel_loop3A_520 : vector<1x16xf32> to vector<1x16xf32>
        %parallel_loop3A_522 = vector.shape_cast %parallel_loop3A_517 : vector<1x16xf32> to vector<1x16xf32>
        tpu.vector_store %arg8[%parallel_loop3A_518, %parallel_loop3A_519], %parallel_loop3A_522 {add = true, strides = array<i32>} : memref<40x128xf32, #tpu.memory_space<vmem>>, vector<1x16xf32>,
      } {sc.loop_unroll_factor = 4 : i64, sc.parallel_access}
      %mul3A_132 = arith.constant 40 : i32
      %mul3A_133 = arith.muli %add3A_121, %mul3A_132 : i32
      %add3A_134 = arith.addi %mul3A_2, %mul3A_133 : i32
      %dma_start3A_135 = arith.constant 0 : i32
      %dma_start3A_136 = tpu.memref_slice %arg5[%add3A_134, %dma_start3A_135] : memref<204800x128xf32, #tpu.memory_space<hbm>> -> memref<40x128xf32, #tpu.memory_space<hbm>>
      %dma_start3A_137 = arith.constant 0 : i32
      %dma_start3A_138 = tpu.memref_slice %arg5[%add3A_134, %dma_start3A_137] : memref<204800x128xf32, #tpu.memory_space<hbm>> -> memref<40x128xf32, #tpu.memory_space<hbm>>
      tpu.enqueue_dma source(%arg8 : memref<40x128xf32, #tpu.memory_space<vmem>>) target(%dma_start3A_138 : memref<40x128xf32, #tpu.memory_space<hbm>>) target_semaphore(%arg28 : memref<!tpu.dma_semaphore, #tpu.memory_space<semaphore_mem>>)
      %sub3A = arith.constant 1 : i32
      %sub3A_139 = arith.subi %add3A_121, %sub3A : i32
      %ge3A = arith.constant 0 : i32
      %ge3A_140 = arith.cmpi sge, %sub3A_139, %ge3A : i32
      %add3A_141 = arith.constant 10 : i32
      %add3A_142 = arith.addi %sub3A_139, %add3A_141 : i32
      %lt3A = arith.constant 160 : i32
      %lt3A_143 = arith.cmpi slt, %add3A_142, %lt3A : i32
      %and3A = arith.andi %ge3A_140, %lt3A_143 : i1
      %convert_element_type3A = arith.extui %and3A : i1 to i32
      %cond3A = arith.constant 0 : i32
      %cond3A_144 = arith.cmpi ne, %convert_element_type3A, %cond3A : i32
      scf.if %cond3A_144 {
        %dma_wait3A_442 = arith.constant 0 : i32
        %dma_wait3A_443 = arith.constant 0 : i32
        %dma_wait3A_444 = tpu.memref_slice %arg5[%dma_wait3A_442, %dma_wait3A_443] : memref<204800x128xf32, #tpu.memory_space<hbm>> -> memref<40x128xf32, #tpu.memory_space<hbm>>
        %dma_wait3A_445 = arith.constant 0 : i32
        %dma_wait3A_446 = arith.constant 0 : i32
        %dma_wait3A_447 = tpu.memref_slice %arg5[%dma_wait3A_445, %dma_wait3A_446] : memref<204800x128xf32, #tpu.memory_space<hbm>> -> memref<40x128xf32, #tpu.memory_space<hbm>>
        tpu.wait_dma2 semaphore(%arg37 : memref<!tpu.dma_semaphore, #tpu.memory_space<semaphore_mem>>) src(%arg17 : memref<40x128xf32, #tpu.memory_space<vmem>>) dst(%dma_wait3A_447 : memref<40x128xf32, #tpu.memory_space<hbm>>)
        %add3A_448 = arith.constant 10 : i32
        %add3A_449 = arith.addi %sub3A_139, %add3A_448 : i32
        %mul3A_450 = arith.constant 40 : i32
        %mul3A_451 = arith.muli %add3A_449, %mul3A_450 : i32
        %dma_start3A_452 = tpu.memref_slice %arg7[%mul3A_451] : memref<6400xi32, #tpu.memory_space<vmem>> -> memref<40xi32, #tpu.memory_space<vmem>>
        %dma_start3A_453 = arith.constant 0 : i32
        %dma_start3A_454 = arith.constant 0 : i32
        %dma_start3A_455 = tpu.memref_slice %arg2[%dma_start3A_453, %dma_start3A_454] : memref<100000x128xf32, #tpu.memory_space<hbm>> -> memref<100000x128xf32, #tpu.memory_space<hbm>>
        tpu.enqueue_indirect_dma source(%dma_start3A_455 : memref<100000x128xf32, #tpu.memory_space<hbm>>) target(%arg17 : memref<40x128xf32, #tpu.memory_space<vmem>>) offsets(%dma_start3A_452 : memref<40xi32, #tpu.memory_space<vmem>>) semaphore(%arg27 : memref<!tpu.dma_semaphore, #tpu.memory_space<semaphore_mem>>)
      } else {
      }
      %add3A_145 = arith.constant 1 : i32
      %add3A_146 = arith.addi %add3A_119, %add3A_145 : i32
      %dma_wait3A_147 = arith.constant 0 : i32
      %dma_wait3A_148 = tpu.memref_slice %arg7[%dma_wait3A_147] : memref<6400xi32, #tpu.memory_space<vmem>> -> memref<40xi32, #tpu.memory_space<vmem>>
      %dma_wait3A_149 = arith.constant 0 : i32
      %dma_wait3A_150 = arith.constant 0 : i32
      %dma_wait3A_151 = tpu.memref_slice %arg2[%dma_wait3A_149, %dma_wait3A_150] : memref<100000x128xf32, #tpu.memory_space<hbm>> -> memref<100000x128xf32, #tpu.memory_space<hbm>>
      tpu.wait_indirect_dma semaphore(%arg19 : memref<!tpu.dma_semaphore, #tpu.memory_space<semaphore_mem>>) src(%dma_wait3A_151 : memref<100000x128xf32, #tpu.memory_space<hbm>>) dst(%arg9 : memref<40x128xf32, #tpu.memory_space<vmem>>)
      %mul3A_152 = arith.constant 40 : i32
      %mul3A_153 = arith.muli %add3A_146, %mul3A_152 : i32
      %rem3A_154 = arith.constant 200 : i32
      %rem3A_155 = arith.remsi %mul3A_153, %rem3A_154 : i32
      %parallel_loop3A_156 = arith.constant 0 : i32
      %parallel_loop3A_157 = arith.constant 40 : i32
      %parallel_loop3A_158 = arith.constant 1 : i32
      scf.for %parallel_loop3A_442 = %parallel_loop3A_156 to %parallel_loop3A_157 step %parallel_loop3A_158  : i32 {
        %parallel_loop3A_443 = arith.addi %rem3A_155, %parallel_loop3A_442 : i32
        %parallel_loop3A_444 = arith.index_cast %parallel_loop3A_443 : i32 to index
        %parallel_loop3A_445 = arith.constant 0 : index
        %parallel_loop3A_446 = tpu.vector_load %arg6[%parallel_loop3A_444, %parallel_loop3A_445] {strides = array<i32>} : memref<200x128xf32, #tpu.memory_space<vmem>>, vector<1x16xf32>,
        %parallel_loop3A_447 = vector.shape_cast %parallel_loop3A_446 : vector<1x16xf32> to vector<1x16xf32>
        %parallel_loop3A_448 = arith.index_cast %parallel_loop3A_442 : i32 to index
        %parallel_loop3A_449 = arith.constant 0 : index
        %parallel_loop3A_450 = tpu.vector_load %arg9[%parallel_loop3A_448, %parallel_loop3A_449] {strides = array<i32>} : memref<40x128xf32, #tpu.memory_space<vmem>>, vector<1x16xf32>,
        %parallel_loop3A_451 = vector.shape_cast %parallel_loop3A_450 : vector<1x16xf32> to vector<1x16xf32>
        %parallel_loop3A_452 = vector.shape_cast %parallel_loop3A_447 : vector<1x16xf32> to vector<1x16xf32>
        tpu.vector_store %arg9[%parallel_loop3A_448, %parallel_loop3A_449], %parallel_loop3A_452 {add = true, strides = array<i32>} : memref<40x128xf32, #tpu.memory_space<vmem>>, vector<1x16xf32>,
        %parallel_loop3A_453 = arith.addi %rem3A_155, %parallel_loop3A_442 : i32
        %parallel_loop3A_454 = arith.index_cast %parallel_loop3A_453 : i32 to index
        %parallel_loop3A_455 = arith.constant 16 : index
        %parallel_loop3A_456 = tpu.vector_load %arg6[%parallel_loop3A_454, %parallel_loop3A_455] {strides = array<i32>} : memref<200x128xf32, #tpu.memory_space<vmem>>, vector<1x16xf32>,
        %parallel_loop3A_457 = vector.shape_cast %parallel_loop3A_456 : vector<1x16xf32> to vector<1x16xf32>
        %parallel_loop3A_458 = arith.index_cast %parallel_loop3A_442 : i32 to index
        %parallel_loop3A_459 = arith.constant 16 : index
        %parallel_loop3A_460 = tpu.vector_load %arg9[%parallel_loop3A_458, %parallel_loop3A_459] {strides = array<i32>} : memref<40x128xf32, #tpu.memory_space<vmem>>, vector<1x16xf32>,
        %parallel_loop3A_461 = vector.shape_cast %parallel_loop3A_460 : vector<1x16xf32> to vector<1x16xf32>
        %parallel_loop3A_462 = vector.shape_cast %parallel_loop3A_457 : vector<1x16xf32> to vector<1x16xf32>
        tpu.vector_store %arg9[%parallel_loop3A_458, %parallel_loop3A_459], %parallel_loop3A_462 {add = true, strides = array<i32>} : memref<40x128xf32, #tpu.memory_space<vmem>>, vector<1x16xf32>,
        %parallel_loop3A_463 = arith.addi %rem3A_155, %parallel_loop3A_442 : i32
        %parallel_loop3A_464 = arith.index_cast %parallel_loop3A_463 : i32 to index
        %parallel_loop3A_465 = arith.constant 32 : index
        %parallel_loop3A_466 = tpu.vector_load %arg6[%parallel_loop3A_464, %parallel_loop3A_465] {strides = array<i32>} : memref<200x128xf32, #tpu.memory_space<vmem>>, vector<1x16xf32>,
        %parallel_loop3A_467 = vector.shape_cast %parallel_loop3A_466 : vector<1x16xf32> to vector<1x16xf32>
        %parallel_loop3A_468 = arith.index_cast %parallel_loop3A_442 : i32 to index
        %parallel_loop3A_469 = arith.constant 32 : index
        %parallel_loop3A_470 = tpu.vector_load %arg9[%parallel_loop3A_468, %parallel_loop3A_469] {strides = array<i32>} : memref<40x128xf32, #tpu.memory_space<vmem>>, vector<1x16xf32>,
        %parallel_loop3A_471 = vector.shape_cast %parallel_loop3A_470 : vector<1x16xf32> to vector<1x16xf32>
        %parallel_loop3A_472 = vector.shape_cast %parallel_loop3A_467 : vector<1x16xf32> to vector<1x16xf32>
        tpu.vector_store %arg9[%parallel_loop3A_468, %parallel_loop3A_469], %parallel_loop3A_472 {add = true, strides = array<i32>} : memref<40x128xf32, #tpu.memory_space<vmem>>, vector<1x16xf32>,
        %parallel_loop3A_473 = arith.addi %rem3A_155, %parallel_loop3A_442 : i32
        %parallel_loop3A_474 = arith.index_cast %parallel_loop3A_473 : i32 to index
        %parallel_loop3A_475 = arith.constant 48 : index
        %parallel_loop3A_476 = tpu.vector_load %arg6[%parallel_loop3A_474, %parallel_loop3A_475] {strides = array<i32>} : memref<200x128xf32, #tpu.memory_space<vmem>>, vector<1x16xf32>,
        %parallel_loop3A_477 = vector.shape_cast %parallel_loop3A_476 : vector<1x16xf32> to vector<1x16xf32>
        %parallel_loop3A_478 = arith.index_cast %parallel_loop3A_442 : i32 to index
        %parallel_loop3A_479 = arith.constant 48 : index
        %parallel_loop3A_480 = tpu.vector_load %arg9[%parallel_loop3A_478, %parallel_loop3A_479] {strides = array<i32>} : memref<40x128xf32, #tpu.memory_space<vmem>>, vector<1x16xf32>,
        %parallel_loop3A_481 = vector.shape_cast %parallel_loop3A_480 : vector<1x16xf32> to vector<1x16xf32>
        %parallel_loop3A_482 = vector.shape_cast %parallel_loop3A_477 : vector<1x16xf32> to vector<1x16xf32>
        tpu.vector_store %arg9[%parallel_loop3A_478, %parallel_loop3A_479], %parallel_loop3A_482 {add = true, strides = array<i32>} : memref<40x128xf32, #tpu.memory_space<vmem>>, vector<1x16xf32>,
        %parallel_loop3A_483 = arith.addi %rem3A_155, %parallel_loop3A_442 : i32
        %parallel_loop3A_484 = arith.index_cast %parallel_loop3A_483 : i32 to index
        %parallel_loop3A_485 = arith.constant 64 : index
        %parallel_loop3A_486 = tpu.vector_load %arg6[%parallel_loop3A_484, %parallel_loop3A_485] {strides = array<i32>} : memref<200x128xf32, #tpu.memory_space<vmem>>, vector<1x16xf32>,
        %parallel_loop3A_487 = vector.shape_cast %parallel_loop3A_486 : vector<1x16xf32> to vector<1x16xf32>
        %parallel_loop3A_488 = arith.index_cast %parallel_loop3A_442 : i32 to index
        %parallel_loop3A_489 = arith.constant 64 : index
        %parallel_loop3A_490 = tpu.vector_load %arg9[%parallel_loop3A_488, %parallel_loop3A_489] {strides = array<i32>} : memref<40x128xf32, #tpu.memory_space<vmem>>, vector<1x16xf32>,
        %parallel_loop3A_491 = vector.shape_cast %parallel_loop3A_490 : vector<1x16xf32> to vector<1x16xf32>
        %parallel_loop3A_492 = vector.shape_cast %parallel_loop3A_487 : vector<1x16xf32> to vector<1x16xf32>
        tpu.vector_store %arg9[%parallel_loop3A_488, %parallel_loop3A_489], %parallel_loop3A_492 {add = true, strides = array<i32>} : memref<40x128xf32, #tpu.memory_space<vmem>>, vector<1x16xf32>,
        %parallel_loop3A_493 = arith.addi %rem3A_155, %parallel_loop3A_442 : i32
        %parallel_loop3A_494 = arith.index_cast %parallel_loop3A_493 : i32 to index
        %parallel_loop3A_495 = arith.constant 80 : index
        %parallel_loop3A_496 = tpu.vector_load %arg6[%parallel_loop3A_494, %parallel_loop3A_495] {strides = array<i32>} : memref<200x128xf32, #tpu.memory_space<vmem>>, vector<1x16xf32>,
        %parallel_loop3A_497 = vector.shape_cast %parallel_loop3A_496 : vector<1x16xf32> to vector<1x16xf32>
        %parallel_loop3A_498 = arith.index_cast %parallel_loop3A_442 : i32 to index
        %parallel_loop3A_499 = arith.constant 80 : index
        %parallel_loop3A_500 = tpu.vector_load %arg9[%parallel_loop3A_498, %parallel_loop3A_499] {strides = array<i32>} : memref<40x128xf32, #tpu.memory_space<vmem>>, vector<1x16xf32>,
        %parallel_loop3A_501 = vector.shape_cast %parallel_loop3A_500 : vector<1x16xf32> to vector<1x16xf32>
        %parallel_loop3A_502 = vector.shape_cast %parallel_loop3A_497 : vector<1x16xf32> to vector<1x16xf32>
        tpu.vector_store %arg9[%parallel_loop3A_498, %parallel_loop3A_499], %parallel_loop3A_502 {add = true, strides = array<i32>} : memref<40x128xf32, #tpu.memory_space<vmem>>, vector<1x16xf32>,
        %parallel_loop3A_503 = arith.addi %rem3A_155, %parallel_loop3A_442 : i32
        %parallel_loop3A_504 = arith.index_cast %parallel_loop3A_503 : i32 to index
        %parallel_loop3A_505 = arith.constant 96 : index
        %parallel_loop3A_506 = tpu.vector_load %arg6[%parallel_loop3A_504, %parallel_loop3A_505] {strides = array<i32>} : memref<200x128xf32, #tpu.memory_space<vmem>>, vector<1x16xf32>,
        %parallel_loop3A_507 = vector.shape_cast %parallel_loop3A_506 : vector<1x16xf32> to vector<1x16xf32>
        %parallel_loop3A_508 = arith.index_cast %parallel_loop3A_442 : i32 to index
        %parallel_loop3A_509 = arith.constant 96 : index
        %parallel_loop3A_510 = tpu.vector_load %arg9[%parallel_loop3A_508, %parallel_loop3A_509] {strides = array<i32>} : memref<40x128xf32, #tpu.memory_space<vmem>>, vector<1x16xf32>,
        %parallel_loop3A_511 = vector.shape_cast %parallel_loop3A_510 : vector<1x16xf32> to vector<1x16xf32>
        %parallel_loop3A_512 = vector.shape_cast %parallel_loop3A_507 : vector<1x16xf32> to vector<1x16xf32>
        tpu.vector_store %arg9[%parallel_loop3A_508, %parallel_loop3A_509], %parallel_loop3A_512 {add = true, strides = array<i32>} : memref<40x128xf32, #tpu.memory_space<vmem>>, vector<1x16xf32>,
        %parallel_loop3A_513 = arith.addi %rem3A_155, %parallel_loop3A_442 : i32
        %parallel_loop3A_514 = arith.index_cast %parallel_loop3A_513 : i32 to index
        %parallel_loop3A_515 = arith.constant 112 : index
        %parallel_loop3A_516 = tpu.vector_load %arg6[%parallel_loop3A_514, %parallel_loop3A_515] {strides = array<i32>} : memref<200x128xf32, #tpu.memory_space<vmem>>, vector<1x16xf32>,
        %parallel_loop3A_517 = vector.shape_cast %parallel_loop3A_516 : vector<1x16xf32> to vector<1x16xf32>
        %parallel_loop3A_518 = arith.index_cast %parallel_loop3A_442 : i32 to index
        %parallel_loop3A_519 = arith.constant 112 : index
        %parallel_loop3A_520 = tpu.vector_load %arg9[%parallel_loop3A_518, %parallel_loop3A_519] {strides = array<i32>} : memref<40x128xf32, #tpu.memory_space<vmem>>, vector<1x16xf32>,
        %parallel_loop3A_521 = vector.shape_cast %parallel_loop3A_520 : vector<1x16xf32> to vector<1x16xf32>
        %parallel_loop3A_522 = vector.shape_cast %parallel_loop3A_517 : vector<1x16xf32> to vector<1x16xf32>
        tpu.vector_store %arg9[%parallel_loop3A_518, %parallel_loop3A_519], %parallel_loop3A_522 {add = true, strides = array<i32>} : memref<40x128xf32, #tpu.memory_space<vmem>>, vector<1x16xf32>,
      } {sc.loop_unroll_factor = 4 : i64, sc.parallel_access}
      %mul3A_159 = arith.constant 40 : i32
      %mul3A_160 = arith.muli %add3A_146, %mul3A_159 : i32
      %add3A_161 = arith.addi %mul3A_2, %mul3A_160 : i32
      %dma_start3A_162 = arith.constant 0 : i32
      %dma_start3A_163 = tpu.memref_slice %arg5[%add3A_161, %dma_start3A_162] : memref<204800x128xf32, #tpu.memory_space<hbm>> -> memref<40x128xf32, #tpu.memory_space<hbm>>
      %dma_start3A_164 = arith.constant 0 : i32
      %dma_start3A_165 = tpu.memref_slice %arg5[%add3A_161, %dma_start3A_164] : memref<204800x128xf32, #tpu.memory_space<hbm>> -> memref<40x128xf32, #tpu.memory_space<hbm>>
      tpu.enqueue_dma source(%arg9 : memref<40x128xf32, #tpu.memory_space<vmem>>) target(%dma_start3A_165 : memref<40x128xf32, #tpu.memory_space<hbm>>) target_semaphore(%arg29 : memref<!tpu.dma_semaphore, #tpu.memory_space<semaphore_mem>>)
      %sub3A_166 = arith.constant 1 : i32
      %sub3A_167 = arith.subi %add3A_146, %sub3A_166 : i32
      %ge3A_168 = arith.constant 0 : i32
      %ge3A_169 = arith.cmpi sge, %sub3A_167, %ge3A_168 : i32
      %add3A_170 = arith.constant 10 : i32
      %add3A_171 = arith.addi %sub3A_167, %add3A_170 : i32
      %lt3A_172 = arith.constant 160 : i32
      %lt3A_173 = arith.cmpi slt, %add3A_171, %lt3A_172 : i32
      %and3A_174 = arith.andi %ge3A_169, %lt3A_173 : i1
      %convert_element_type3A_175 = arith.extui %and3A_174 : i1 to i32
      %cond3A_176 = arith.constant 0 : i32
      %cond3A_177 = arith.cmpi ne, %convert_element_type3A_175, %cond3A_176 : i32
      scf.if %cond3A_177 {
        %dma_wait3A_442 = arith.constant 0 : i32
        %dma_wait3A_443 = arith.constant 0 : i32
        %dma_wait3A_444 = tpu.memref_slice %arg5[%dma_wait3A_442, %dma_wait3A_443] : memref<204800x128xf32, #tpu.memory_space<hbm>> -> memref<40x128xf32, #tpu.memory_space<hbm>>
        %dma_wait3A_445 = arith.constant 0 : i32
        %dma_wait3A_446 = arith.constant 0 : i32
        %dma_wait3A_447 = tpu.memref_slice %arg5[%dma_wait3A_445, %dma_wait3A_446] : memref<204800x128xf32, #tpu.memory_space<hbm>> -> memref<40x128xf32, #tpu.memory_space<hbm>>
        tpu.wait_dma2 semaphore(%arg28 : memref<!tpu.dma_semaphore, #tpu.memory_space<semaphore_mem>>) src(%arg8 : memref<40x128xf32, #tpu.memory_space<vmem>>) dst(%dma_wait3A_447 : memref<40x128xf32, #tpu.memory_space<hbm>>)
        %add3A_448 = arith.constant 10 : i32
        %add3A_449 = arith.addi %sub3A_167, %add3A_448 : i32
        %mul3A_450 = arith.constant 40 : i32
        %mul3A_451 = arith.muli %add3A_449, %mul3A_450 : i32
        %dma_start3A_452 = tpu.memref_slice %arg7[%mul3A_451] : memref<6400xi32, #tpu.memory_space<vmem>> -> memref<40xi32, #tpu.memory_space<vmem>>
        %dma_start3A_453 = arith.constant 0 : i32
        %dma_start3A_454 = arith.constant 0 : i32
        %dma_start3A_455 = tpu.memref_slice %arg2[%dma_start3A_453, %dma_start3A_454] : memref<100000x128xf32, #tpu.memory_space<hbm>> -> memref<100000x128xf32, #tpu.memory_space<hbm>>
        tpu.enqueue_indirect_dma source(%dma_start3A_455 : memref<100000x128xf32, #tpu.memory_space<hbm>>) target(%arg8 : memref<40x128xf32, #tpu.memory_space<vmem>>) offsets(%dma_start3A_452 : memref<40xi32, #tpu.memory_space<vmem>>) semaphore(%arg18 : memref<!tpu.dma_semaphore, #tpu.memory_space<semaphore_mem>>)
      } else {
      }
      %add3A_178 = arith.constant 2 : i32
      %add3A_179 = arith.addi %add3A_119, %add3A_178 : i32
      %dma_wait3A_180 = arith.constant 0 : i32
      %dma_wait3A_181 = tpu.memref_slice %arg7[%dma_wait3A_180] : memref<6400xi32, #tpu.memory_space<vmem>> -> memref<40xi32, #tpu.memory_space<vmem>>
      %dma_wait3A_182 = arith.constant 0 : i32
      %dma_wait3A_183 = arith.constant 0 : i32
      %dma_wait3A_184 = tpu.memref_slice %arg2[%dma_wait3A_182, %dma_wait3A_183] : memref<100000x128xf32, #tpu.memory_space<hbm>> -> memref<100000x128xf32, #tpu.memory_space<hbm>>
      tpu.wait_indirect_dma semaphore(%arg20 : memref<!tpu.dma_semaphore, #tpu.memory_space<semaphore_mem>>) src(%dma_wait3A_184 : memref<100000x128xf32, #tpu.memory_space<hbm>>) dst(%arg10 : memref<40x128xf32, #tpu.memory_space<vmem>>)
      %mul3A_185 = arith.constant 40 : i32
      %mul3A_186 = arith.muli %add3A_179, %mul3A_185 : i32
      %rem3A_187 = arith.constant 200 : i32
      %rem3A_188 = arith.remsi %mul3A_186, %rem3A_187 : i32
      %parallel_loop3A_189 = arith.constant 0 : i32
      %parallel_loop3A_190 = arith.constant 40 : i32
      %parallel_loop3A_191 = arith.constant 1 : i32
      scf.for %parallel_loop3A_442 = %parallel_loop3A_189 to %parallel_loop3A_190 step %parallel_loop3A_191  : i32 {
        %parallel_loop3A_443 = arith.addi %rem3A_188, %parallel_loop3A_442 : i32
        %parallel_loop3A_444 = arith.index_cast %parallel_loop3A_443 : i32 to index
        %parallel_loop3A_445 = arith.constant 0 : index
        %parallel_loop3A_446 = tpu.vector_load %arg6[%parallel_loop3A_444, %parallel_loop3A_445] {strides = array<i32>} : memref<200x128xf32, #tpu.memory_space<vmem>>, vector<1x16xf32>,
        %parallel_loop3A_447 = vector.shape_cast %parallel_loop3A_446 : vector<1x16xf32> to vector<1x16xf32>
        %parallel_loop3A_448 = arith.index_cast %parallel_loop3A_442 : i32 to index
        %parallel_loop3A_449 = arith.constant 0 : index
        %parallel_loop3A_450 = tpu.vector_load %arg10[%parallel_loop3A_448, %parallel_loop3A_449] {strides = array<i32>} : memref<40x128xf32, #tpu.memory_space<vmem>>, vector<1x16xf32>,
        %parallel_loop3A_451 = vector.shape_cast %parallel_loop3A_450 : vector<1x16xf32> to vector<1x16xf32>
        %parallel_loop3A_452 = vector.shape_cast %parallel_loop3A_447 : vector<1x16xf32> to vector<1x16xf32>
        tpu.vector_store %arg10[%parallel_loop3A_448, %parallel_loop3A_449], %parallel_loop3A_452 {add = true, strides = array<i32>} : memref<40x128xf32, #tpu.memory_space<vmem>>, vector<1x16xf32>,
        %parallel_loop3A_453 = arith.addi %rem3A_188, %parallel_loop3A_442 : i32
        %parallel_loop3A_454 = arith.index_cast %parallel_loop3A_453 : i32 to index
        %parallel_loop3A_455 = arith.constant 16 : index
        %parallel_loop3A_456 = tpu.vector_load %arg6[%parallel_loop3A_454, %parallel_loop3A_455] {strides = array<i32>} : memref<200x128xf32, #tpu.memory_space<vmem>>, vector<1x16xf32>,
        %parallel_loop3A_457 = vector.shape_cast %parallel_loop3A_456 : vector<1x16xf32> to vector<1x16xf32>
        %parallel_loop3A_458 = arith.index_cast %parallel_loop3A_442 : i32 to index
        %parallel_loop3A_459 = arith.constant 16 : index
        %parallel_loop3A_460 = tpu.vector_load %arg10[%parallel_loop3A_458, %parallel_loop3A_459] {strides = array<i32>} : memref<40x128xf32, #tpu.memory_space<vmem>>, vector<1x16xf32>,
        %parallel_loop3A_461 = vector.shape_cast %parallel_loop3A_460 : vector<1x16xf32> to vector<1x16xf32>
        %parallel_loop3A_462 = vector.shape_cast %parallel_loop3A_457 : vector<1x16xf32> to vector<1x16xf32>
        tpu.vector_store %arg10[%parallel_loop3A_458, %parallel_loop3A_459], %parallel_loop3A_462 {add = true, strides = array<i32>} : memref<40x128xf32, #tpu.memory_space<vmem>>, vector<1x16xf32>,
        %parallel_loop3A_463 = arith.addi %rem3A_188, %parallel_loop3A_442 : i32
        %parallel_loop3A_464 = arith.index_cast %parallel_loop3A_463 : i32 to index
        %parallel_loop3A_465 = arith.constant 32 : index
        %parallel_loop3A_466 = tpu.vector_load %arg6[%parallel_loop3A_464, %parallel_loop3A_465] {strides = array<i32>} : memref<200x128xf32, #tpu.memory_space<vmem>>, vector<1x16xf32>,
        %parallel_loop3A_467 = vector.shape_cast %parallel_loop3A_466 : vector<1x16xf32> to vector<1x16xf32>
        %parallel_loop3A_468 = arith.index_cast %parallel_loop3A_442 : i32 to index
        %parallel_loop3A_469 = arith.constant 32 : index
        %parallel_loop3A_470 = tpu.vector_load %arg10[%parallel_loop3A_468, %parallel_loop3A_469] {strides = array<i32>} : memref<40x128xf32, #tpu.memory_space<vmem>>, vector<1x16xf32>,
        %parallel_loop3A_471 = vector.shape_cast %parallel_loop3A_470 : vector<1x16xf32> to vector<1x16xf32>
        %parallel_loop3A_472 = vector.shape_cast %parallel_loop3A_467 : vector<1x16xf32> to vector<1x16xf32>
        tpu.vector_store %arg10[%parallel_loop3A_468, %parallel_loop3A_469], %parallel_loop3A_472 {add = true, strides = array<i32>} : memref<40x128xf32, #tpu.memory_space<vmem>>, vector<1x16xf32>,
        %parallel_loop3A_473 = arith.addi %rem3A_188, %parallel_loop3A_442 : i32
        %parallel_loop3A_474 = arith.index_cast %parallel_loop3A_473 : i32 to index
        %parallel_loop3A_475 = arith.constant 48 : index
        %parallel_loop3A_476 = tpu.vector_load %arg6[%parallel_loop3A_474, %parallel_loop3A_475] {strides = array<i32>} : memref<200x128xf32, #tpu.memory_space<vmem>>, vector<1x16xf32>,
        %parallel_loop3A_477 = vector.shape_cast %parallel_loop3A_476 : vector<1x16xf32> to vector<1x16xf32>
        %parallel_loop3A_478 = arith.index_cast %parallel_loop3A_442 : i32 to index
        %parallel_loop3A_479 = arith.constant 48 : index
        %parallel_loop3A_480 = tpu.vector_load %arg10[%parallel_loop3A_478, %parallel_loop3A_479] {strides = array<i32>} : memref<40x128xf32, #tpu.memory_space<vmem>>, vector<1x16xf32>,
        %parallel_loop3A_481 = vector.shape_cast %parallel_loop3A_480 : vector<1x16xf32> to vector<1x16xf32>
        %parallel_loop3A_482 = vector.shape_cast %parallel_loop3A_477 : vector<1x16xf32> to vector<1x16xf32>
        tpu.vector_store %arg10[%parallel_loop3A_478, %parallel_loop3A_479], %parallel_loop3A_482 {add = true, strides = array<i32>} : memref<40x128xf32, #tpu.memory_space<vmem>>, vector<1x16xf32>,
        %parallel_loop3A_483 = arith.addi %rem3A_188, %parallel_loop3A_442 : i32
        %parallel_loop3A_484 = arith.index_cast %parallel_loop3A_483 : i32 to index
        %parallel_loop3A_485 = arith.constant 64 : index
        %parallel_loop3A_486 = tpu.vector_load %arg6[%parallel_loop3A_484, %parallel_loop3A_485] {strides = array<i32>} : memref<200x128xf32, #tpu.memory_space<vmem>>, vector<1x16xf32>,
        %parallel_loop3A_487 = vector.shape_cast %parallel_loop3A_486 : vector<1x16xf32> to vector<1x16xf32>
        %parallel_loop3A_488 = arith.index_cast %parallel_loop3A_442 : i32 to index
        %parallel_loop3A_489 = arith.constant 64 : index
        %parallel_loop3A_490 = tpu.vector_load %arg10[%parallel_loop3A_488, %parallel_loop3A_489] {strides = array<i32>} : memref<40x128xf32, #tpu.memory_space<vmem>>, vector<1x16xf32>,
        %parallel_loop3A_491 = vector.shape_cast %parallel_loop3A_490 : vector<1x16xf32> to vector<1x16xf32>
        %parallel_loop3A_492 = vector.shape_cast %parallel_loop3A_487 : vector<1x16xf32> to vector<1x16xf32>
        tpu.vector_store %arg10[%parallel_loop3A_488, %parallel_loop3A_489], %parallel_loop3A_492 {add = true, strides = array<i32>} : memref<40x128xf32, #tpu.memory_space<vmem>>, vector<1x16xf32>,
        %parallel_loop3A_493 = arith.addi %rem3A_188, %parallel_loop3A_442 : i32
        %parallel_loop3A_494 = arith.index_cast %parallel_loop3A_493 : i32 to index
        %parallel_loop3A_495 = arith.constant 80 : index
        %parallel_loop3A_496 = tpu.vector_load %arg6[%parallel_loop3A_494, %parallel_loop3A_495] {strides = array<i32>} : memref<200x128xf32, #tpu.memory_space<vmem>>, vector<1x16xf32>,
        %parallel_loop3A_497 = vector.shape_cast %parallel_loop3A_496 : vector<1x16xf32> to vector<1x16xf32>
        %parallel_loop3A_498 = arith.index_cast %parallel_loop3A_442 : i32 to index
        %parallel_loop3A_499 = arith.constant 80 : index
        %parallel_loop3A_500 = tpu.vector_load %arg10[%parallel_loop3A_498, %parallel_loop3A_499] {strides = array<i32>} : memref<40x128xf32, #tpu.memory_space<vmem>>, vector<1x16xf32>,
        %parallel_loop3A_501 = vector.shape_cast %parallel_loop3A_500 : vector<1x16xf32> to vector<1x16xf32>
        %parallel_loop3A_502 = vector.shape_cast %parallel_loop3A_497 : vector<1x16xf32> to vector<1x16xf32>
        tpu.vector_store %arg10[%parallel_loop3A_498, %parallel_loop3A_499], %parallel_loop3A_502 {add = true, strides = array<i32>} : memref<40x128xf32, #tpu.memory_space<vmem>>, vector<1x16xf32>,
        %parallel_loop3A_503 = arith.addi %rem3A_188, %parallel_loop3A_442 : i32
        %parallel_loop3A_504 = arith.index_cast %parallel_loop3A_503 : i32 to index
        %parallel_loop3A_505 = arith.constant 96 : index
        %parallel_loop3A_506 = tpu.vector_load %arg6[%parallel_loop3A_504, %parallel_loop3A_505] {strides = array<i32>} : memref<200x128xf32, #tpu.memory_space<vmem>>, vector<1x16xf32>,
        %parallel_loop3A_507 = vector.shape_cast %parallel_loop3A_506 : vector<1x16xf32> to vector<1x16xf32>
        %parallel_loop3A_508 = arith.index_cast %parallel_loop3A_442 : i32 to index
        %parallel_loop3A_509 = arith.constant 96 : index
        %parallel_loop3A_510 = tpu.vector_load %arg10[%parallel_loop3A_508, %parallel_loop3A_509] {strides = array<i32>} : memref<40x128xf32, #tpu.memory_space<vmem>>, vector<1x16xf32>,
        %parallel_loop3A_511 = vector.shape_cast %parallel_loop3A_510 : vector<1x16xf32> to vector<1x16xf32>
        %parallel_loop3A_512 = vector.shape_cast %parallel_loop3A_507 : vector<1x16xf32> to vector<1x16xf32>
        tpu.vector_store %arg10[%parallel_loop3A_508, %parallel_loop3A_509], %parallel_loop3A_512 {add = true, strides = array<i32>} : memref<40x128xf32, #tpu.memory_space<vmem>>, vector<1x16xf32>,
        %parallel_loop3A_513 = arith.addi %rem3A_188, %parallel_loop3A_442 : i32
        %parallel_loop3A_514 = arith.index_cast %parallel_loop3A_513 : i32 to index
        %parallel_loop3A_515 = arith.constant 112 : index
        %parallel_loop3A_516 = tpu.vector_load %arg6[%parallel_loop3A_514, %parallel_loop3A_515] {strides = array<i32>} : memref<200x128xf32, #tpu.memory_space<vmem>>, vector<1x16xf32>,
        %parallel_loop3A_517 = vector.shape_cast %parallel_loop3A_516 : vector<1x16xf32> to vector<1x16xf32>
        %parallel_loop3A_518 = arith.index_cast %parallel_loop3A_442 : i32 to index
        %parallel_loop3A_519 = arith.constant 112 : index
        %parallel_loop3A_520 = tpu.vector_load %arg10[%parallel_loop3A_518, %parallel_loop3A_519] {strides = array<i32>} : memref<40x128xf32, #tpu.memory_space<vmem>>, vector<1x16xf32>,
        %parallel_loop3A_521 = vector.shape_cast %parallel_loop3A_520 : vector<1x16xf32> to vector<1x16xf32>
        %parallel_loop3A_522 = vector.shape_cast %parallel_loop3A_517 : vector<1x16xf32> to vector<1x16xf32>
        tpu.vector_store %arg10[%parallel_loop3A_518, %parallel_loop3A_519], %parallel_loop3A_522 {add = true, strides = array<i32>} : memref<40x128xf32, #tpu.memory_space<vmem>>, vector<1x16xf32>,
      } {sc.loop_unroll_factor = 4 : i64, sc.parallel_access}
      %mul3A_192 = arith.constant 40 : i32
      %mul3A_193 = arith.muli %add3A_179, %mul3A_192 : i32
      %add3A_194 = arith.addi %mul3A_2, %mul3A_193 : i32
      %dma_start3A_195 = arith.constant 0 : i32
      %dma_start3A_196 = tpu.memref_slice %arg5[%add3A_194, %dma_start3A_195] : memref<204800x128xf32, #tpu.memory_space<hbm>> -> memref<40x128xf32, #tpu.memory_space<hbm>>
      %dma_start3A_197 = arith.constant 0 : i32
      %dma_start3A_198 = tpu.memref_slice %arg5[%add3A_194, %dma_start3A_197] : memref<204800x128xf32, #tpu.memory_space<hbm>> -> memref<40x128xf32, #tpu.memory_space<hbm>>
      tpu.enqueue_dma source(%arg10 : memref<40x128xf32, #tpu.memory_space<vmem>>) target(%dma_start3A_198 : memref<40x128xf32, #tpu.memory_space<hbm>>) target_semaphore(%arg30 : memref<!tpu.dma_semaphore, #tpu.memory_space<semaphore_mem>>)
      %sub3A_199 = arith.constant 1 : i32
      %sub3A_200 = arith.subi %add3A_179, %sub3A_199 : i32
      %ge3A_201 = arith.constant 0 : i32
      %ge3A_202 = arith.cmpi sge, %sub3A_200, %ge3A_201 : i32
      %add3A_203 = arith.constant 10 : i32
      %add3A_204 = arith.addi %sub3A_200, %add3A_203 : i32
      %lt3A_205 = arith.constant 160 : i32
      %lt3A_206 = arith.cmpi slt, %add3A_204, %lt3A_205 : i32
      %and3A_207 = arith.andi %ge3A_202, %lt3A_206 : i1
      %convert_element_type3A_208 = arith.extui %and3A_207 : i1 to i32
      %cond3A_209 = arith.constant 0 : i32
      %cond3A_210 = arith.cmpi ne, %convert_element_type3A_208, %cond3A_209 : i32
      scf.if %cond3A_210 {
        %dma_wait3A_442 = arith.constant 0 : i32
        %dma_wait3A_443 = arith.constant 0 : i32
        %dma_wait3A_444 = tpu.memref_slice %arg5[%dma_wait3A_442, %dma_wait3A_443] : memref<204800x128xf32, #tpu.memory_space<hbm>> -> memref<40x128xf32, #tpu.memory_space<hbm>>
        %dma_wait3A_445 = arith.constant 0 : i32
        %dma_wait3A_446 = arith.constant 0 : i32
        %dma_wait3A_447 = tpu.memref_slice %arg5[%dma_wait3A_445, %dma_wait3A_446] : memref<204800x128xf32, #tpu.memory_space<hbm>> -> memref<40x128xf32, #tpu.memory_space<hbm>>
        tpu.wait_dma2 semaphore(%arg29 : memref<!tpu.dma_semaphore, #tpu.memory_space<semaphore_mem>>) src(%arg9 : memref<40x128xf32, #tpu.memory_space<vmem>>) dst(%dma_wait3A_447 : memref<40x128xf32, #tpu.memory_space<hbm>>)
        %add3A_448 = arith.constant 10 : i32
        %add3A_449 = arith.addi %sub3A_200, %add3A_448 : i32
        %mul3A_450 = arith.constant 40 : i32
        %mul3A_451 = arith.muli %add3A_449, %mul3A_450 : i32
        %dma_start3A_452 = tpu.memref_slice %arg7[%mul3A_451] : memref<6400xi32, #tpu.memory_space<vmem>> -> memref<40xi32, #tpu.memory_space<vmem>>
        %dma_start3A_453 = arith.constant 0 : i32
        %dma_start3A_454 = arith.constant 0 : i32
        %dma_start3A_455 = tpu.memref_slice %arg2[%dma_start3A_453, %dma_start3A_454] : memref<100000x128xf32, #tpu.memory_space<hbm>> -> memref<100000x128xf32, #tpu.memory_space<hbm>>
        tpu.enqueue_indirect_dma source(%dma_start3A_455 : memref<100000x128xf32, #tpu.memory_space<hbm>>) target(%arg9 : memref<40x128xf32, #tpu.memory_space<vmem>>) offsets(%dma_start3A_452 : memref<40xi32, #tpu.memory_space<vmem>>) semaphore(%arg19 : memref<!tpu.dma_semaphore, #tpu.memory_space<semaphore_mem>>)
      } else {
      }
      %add3A_211 = arith.constant 3 : i32
      %add3A_212 = arith.addi %add3A_119, %add3A_211 : i32
      %dma_wait3A_213 = arith.constant 0 : i32
      %dma_wait3A_214 = tpu.memref_slice %arg7[%dma_wait3A_213] : memref<6400xi32, #tpu.memory_space<vmem>> -> memref<40xi32, #tpu.memory_space<vmem>>
      %dma_wait3A_215 = arith.constant 0 : i32
      %dma_wait3A_216 = arith.constant 0 : i32
      %dma_wait3A_217 = tpu.memref_slice %arg2[%dma_wait3A_215, %dma_wait3A_216] : memref<100000x128xf32, #tpu.memory_space<hbm>> -> memref<100000x128xf32, #tpu.memory_space<hbm>>
      tpu.wait_indirect_dma semaphore(%arg21 : memref<!tpu.dma_semaphore, #tpu.memory_space<semaphore_mem>>) src(%dma_wait3A_217 : memref<100000x128xf32, #tpu.memory_space<hbm>>) dst(%arg11 : memref<40x128xf32, #tpu.memory_space<vmem>>)
      %mul3A_218 = arith.constant 40 : i32
      %mul3A_219 = arith.muli %add3A_212, %mul3A_218 : i32
      %rem3A_220 = arith.constant 200 : i32
      %rem3A_221 = arith.remsi %mul3A_219, %rem3A_220 : i32
      %parallel_loop3A_222 = arith.constant 0 : i32
      %parallel_loop3A_223 = arith.constant 40 : i32
      %parallel_loop3A_224 = arith.constant 1 : i32
      scf.for %parallel_loop3A_442 = %parallel_loop3A_222 to %parallel_loop3A_223 step %parallel_loop3A_224  : i32 {
        %parallel_loop3A_443 = arith.addi %rem3A_221, %parallel_loop3A_442 : i32
        %parallel_loop3A_444 = arith.index_cast %parallel_loop3A_443 : i32 to index
        %parallel_loop3A_445 = arith.constant 0 : index
        %parallel_loop3A_446 = tpu.vector_load %arg6[%parallel_loop3A_444, %parallel_loop3A_445] {strides = array<i32>} : memref<200x128xf32, #tpu.memory_space<vmem>>, vector<1x16xf32>,
        %parallel_loop3A_447 = vector.shape_cast %parallel_loop3A_446 : vector<1x16xf32> to vector<1x16xf32>
        %parallel_loop3A_448 = arith.index_cast %parallel_loop3A_442 : i32 to index
        %parallel_loop3A_449 = arith.constant 0 : index
        %parallel_loop3A_450 = tpu.vector_load %arg11[%parallel_loop3A_448, %parallel_loop3A_449] {strides = array<i32>} : memref<40x128xf32, #tpu.memory_space<vmem>>, vector<1x16xf32>,
        %parallel_loop3A_451 = vector.shape_cast %parallel_loop3A_450 : vector<1x16xf32> to vector<1x16xf32>
        %parallel_loop3A_452 = vector.shape_cast %parallel_loop3A_447 : vector<1x16xf32> to vector<1x16xf32>
        tpu.vector_store %arg11[%parallel_loop3A_448, %parallel_loop3A_449], %parallel_loop3A_452 {add = true, strides = array<i32>} : memref<40x128xf32, #tpu.memory_space<vmem>>, vector<1x16xf32>,
        %parallel_loop3A_453 = arith.addi %rem3A_221, %parallel_loop3A_442 : i32
        %parallel_loop3A_454 = arith.index_cast %parallel_loop3A_453 : i32 to index
        %parallel_loop3A_455 = arith.constant 16 : index
        %parallel_loop3A_456 = tpu.vector_load %arg6[%parallel_loop3A_454, %parallel_loop3A_455] {strides = array<i32>} : memref<200x128xf32, #tpu.memory_space<vmem>>, vector<1x16xf32>,
        %parallel_loop3A_457 = vector.shape_cast %parallel_loop3A_456 : vector<1x16xf32> to vector<1x16xf32>
        %parallel_loop3A_458 = arith.index_cast %parallel_loop3A_442 : i32 to index
        %parallel_loop3A_459 = arith.constant 16 : index
        %parallel_loop3A_460 = tpu.vector_load %arg11[%parallel_loop3A_458, %parallel_loop3A_459] {strides = array<i32>} : memref<40x128xf32, #tpu.memory_space<vmem>>, vector<1x16xf32>,
        %parallel_loop3A_461 = vector.shape_cast %parallel_loop3A_460 : vector<1x16xf32> to vector<1x16xf32>
        %parallel_loop3A_462 = vector.shape_cast %parallel_loop3A_457 : vector<1x16xf32> to vector<1x16xf32>
        tpu.vector_store %arg11[%parallel_loop3A_458, %parallel_loop3A_459], %parallel_loop3A_462 {add = true, strides = array<i32>} : memref<40x128xf32, #tpu.memory_space<vmem>>, vector<1x16xf32>,
        %parallel_loop3A_463 = arith.addi %rem3A_221, %parallel_loop3A_442 : i32
        %parallel_loop3A_464 = arith.index_cast %parallel_loop3A_463 : i32 to index
        %parallel_loop3A_465 = arith.constant 32 : index
        %parallel_loop3A_466 = tpu.vector_load %arg6[%parallel_loop3A_464, %parallel_loop3A_465] {strides = array<i32>} : memref<200x128xf32, #tpu.memory_space<vmem>>, vector<1x16xf32>,
        %parallel_loop3A_467 = vector.shape_cast %parallel_loop3A_466 : vector<1x16xf32> to vector<1x16xf32>
        %parallel_loop3A_468 = arith.index_cast %parallel_loop3A_442 : i32 to index
        %parallel_loop3A_469 = arith.constant 32 : index
        %parallel_loop3A_470 = tpu.vector_load %arg11[%parallel_loop3A_468, %parallel_loop3A_469] {strides = array<i32>} : memref<40x128xf32, #tpu.memory_space<vmem>>, vector<1x16xf32>,
        %parallel_loop3A_471 = vector.shape_cast %parallel_loop3A_470 : vector<1x16xf32> to vector<1x16xf32>
        %parallel_loop3A_472 = vector.shape_cast %parallel_loop3A_467 : vector<1x16xf32> to vector<1x16xf32>
        tpu.vector_store %arg11[%parallel_loop3A_468, %parallel_loop3A_469], %parallel_loop3A_472 {add = true, strides = array<i32>} : memref<40x128xf32, #tpu.memory_space<vmem>>, vector<1x16xf32>,
        %parallel_loop3A_473 = arith.addi %rem3A_221, %parallel_loop3A_442 : i32
        %parallel_loop3A_474 = arith.index_cast %parallel_loop3A_473 : i32 to index
        %parallel_loop3A_475 = arith.constant 48 : index
        %parallel_loop3A_476 = tpu.vector_load %arg6[%parallel_loop3A_474, %parallel_loop3A_475] {strides = array<i32>} : memref<200x128xf32, #tpu.memory_space<vmem>>, vector<1x16xf32>,
        %parallel_loop3A_477 = vector.shape_cast %parallel_loop3A_476 : vector<1x16xf32> to vector<1x16xf32>
        %parallel_loop3A_478 = arith.index_cast %parallel_loop3A_442 : i32 to index
        %parallel_loop3A_479 = arith.constant 48 : index
        %parallel_loop3A_480 = tpu.vector_load %arg11[%parallel_loop3A_478, %parallel_loop3A_479] {strides = array<i32>} : memref<40x128xf32, #tpu.memory_space<vmem>>, vector<1x16xf32>,
        %parallel_loop3A_481 = vector.shape_cast %parallel_loop3A_480 : vector<1x16xf32> to vector<1x16xf32>
        %parallel_loop3A_482 = vector.shape_cast %parallel_loop3A_477 : vector<1x16xf32> to vector<1x16xf32>
        tpu.vector_store %arg11[%parallel_loop3A_478, %parallel_loop3A_479], %parallel_loop3A_482 {add = true, strides = array<i32>} : memref<40x128xf32, #tpu.memory_space<vmem>>, vector<1x16xf32>,
        %parallel_loop3A_483 = arith.addi %rem3A_221, %parallel_loop3A_442 : i32
        %parallel_loop3A_484 = arith.index_cast %parallel_loop3A_483 : i32 to index
        %parallel_loop3A_485 = arith.constant 64 : index
        %parallel_loop3A_486 = tpu.vector_load %arg6[%parallel_loop3A_484, %parallel_loop3A_485] {strides = array<i32>} : memref<200x128xf32, #tpu.memory_space<vmem>>, vector<1x16xf32>,
        %parallel_loop3A_487 = vector.shape_cast %parallel_loop3A_486 : vector<1x16xf32> to vector<1x16xf32>
        %parallel_loop3A_488 = arith.index_cast %parallel_loop3A_442 : i32 to index
        %parallel_loop3A_489 = arith.constant 64 : index
        %parallel_loop3A_490 = tpu.vector_load %arg11[%parallel_loop3A_488, %parallel_loop3A_489] {strides = array<i32>} : memref<40x128xf32, #tpu.memory_space<vmem>>, vector<1x16xf32>,
        %parallel_loop3A_491 = vector.shape_cast %parallel_loop3A_490 : vector<1x16xf32> to vector<1x16xf32>
        %parallel_loop3A_492 = vector.shape_cast %parallel_loop3A_487 : vector<1x16xf32> to vector<1x16xf32>
        tpu.vector_store %arg11[%parallel_loop3A_488, %parallel_loop3A_489], %parallel_loop3A_492 {add = true, strides = array<i32>} : memref<40x128xf32, #tpu.memory_space<vmem>>, vector<1x16xf32>,
        %parallel_loop3A_493 = arith.addi %rem3A_221, %parallel_loop3A_442 : i32
        %parallel_loop3A_494 = arith.index_cast %parallel_loop3A_493 : i32 to index
        %parallel_loop3A_495 = arith.constant 80 : index
        %parallel_loop3A_496 = tpu.vector_load %arg6[%parallel_loop3A_494, %parallel_loop3A_495] {strides = array<i32>} : memref<200x128xf32, #tpu.memory_space<vmem>>, vector<1x16xf32>,
        %parallel_loop3A_497 = vector.shape_cast %parallel_loop3A_496 : vector<1x16xf32> to vector<1x16xf32>
        %parallel_loop3A_498 = arith.index_cast %parallel_loop3A_442 : i32 to index
        %parallel_loop3A_499 = arith.constant 80 : index
        %parallel_loop3A_500 = tpu.vector_load %arg11[%parallel_loop3A_498, %parallel_loop3A_499] {strides = array<i32>} : memref<40x128xf32, #tpu.memory_space<vmem>>, vector<1x16xf32>,
        %parallel_loop3A_501 = vector.shape_cast %parallel_loop3A_500 : vector<1x16xf32> to vector<1x16xf32>
        %parallel_loop3A_502 = vector.shape_cast %parallel_loop3A_497 : vector<1x16xf32> to vector<1x16xf32>
        tpu.vector_store %arg11[%parallel_loop3A_498, %parallel_loop3A_499], %parallel_loop3A_502 {add = true, strides = array<i32>} : memref<40x128xf32, #tpu.memory_space<vmem>>, vector<1x16xf32>,
        %parallel_loop3A_503 = arith.addi %rem3A_221, %parallel_loop3A_442 : i32
        %parallel_loop3A_504 = arith.index_cast %parallel_loop3A_503 : i32 to index
        %parallel_loop3A_505 = arith.constant 96 : index
        %parallel_loop3A_506 = tpu.vector_load %arg6[%parallel_loop3A_504, %parallel_loop3A_505] {strides = array<i32>} : memref<200x128xf32, #tpu.memory_space<vmem>>, vector<1x16xf32>,
        %parallel_loop3A_507 = vector.shape_cast %parallel_loop3A_506 : vector<1x16xf32> to vector<1x16xf32>
        %parallel_loop3A_508 = arith.index_cast %parallel_loop3A_442 : i32 to index
        %parallel_loop3A_509 = arith.constant 96 : index
        %parallel_loop3A_510 = tpu.vector_load %arg11[%parallel_loop3A_508, %parallel_loop3A_509] {strides = array<i32>} : memref<40x128xf32, #tpu.memory_space<vmem>>, vector<1x16xf32>,
        %parallel_loop3A_511 = vector.shape_cast %parallel_loop3A_510 : vector<1x16xf32> to vector<1x16xf32>
        %parallel_loop3A_512 = vector.shape_cast %parallel_loop3A_507 : vector<1x16xf32> to vector<1x16xf32>
        tpu.vector_store %arg11[%parallel_loop3A_508, %parallel_loop3A_509], %parallel_loop3A_512 {add = true, strides = array<i32>} : memref<40x128xf32, #tpu.memory_space<vmem>>, vector<1x16xf32>,
        %parallel_loop3A_513 = arith.addi %rem3A_221, %parallel_loop3A_442 : i32
        %parallel_loop3A_514 = arith.index_cast %parallel_loop3A_513 : i32 to index
        %parallel_loop3A_515 = arith.constant 112 : index
        %parallel_loop3A_516 = tpu.vector_load %arg6[%parallel_loop3A_514, %parallel_loop3A_515] {strides = array<i32>} : memref<200x128xf32, #tpu.memory_space<vmem>>, vector<1x16xf32>,
        %parallel_loop3A_517 = vector.shape_cast %parallel_loop3A_516 : vector<1x16xf32> to vector<1x16xf32>
        %parallel_loop3A_518 = arith.index_cast %parallel_loop3A_442 : i32 to index
        %parallel_loop3A_519 = arith.constant 112 : index
        %parallel_loop3A_520 = tpu.vector_load %arg11[%parallel_loop3A_518, %parallel_loop3A_519] {strides = array<i32>} : memref<40x128xf32, #tpu.memory_space<vmem>>, vector<1x16xf32>,
        %parallel_loop3A_521 = vector.shape_cast %parallel_loop3A_520 : vector<1x16xf32> to vector<1x16xf32>
        %parallel_loop3A_522 = vector.shape_cast %parallel_loop3A_517 : vector<1x16xf32> to vector<1x16xf32>
        tpu.vector_store %arg11[%parallel_loop3A_518, %parallel_loop3A_519], %parallel_loop3A_522 {add = true, strides = array<i32>} : memref<40x128xf32, #tpu.memory_space<vmem>>, vector<1x16xf32>,
      } {sc.loop_unroll_factor = 4 : i64, sc.parallel_access}
      %mul3A_225 = arith.constant 40 : i32
      %mul3A_226 = arith.muli %add3A_212, %mul3A_225 : i32
      %add3A_227 = arith.addi %mul3A_2, %mul3A_226 : i32
      %dma_start3A_228 = arith.constant 0 : i32
      %dma_start3A_229 = tpu.memref_slice %arg5[%add3A_227, %dma_start3A_228] : memref<204800x128xf32, #tpu.memory_space<hbm>> -> memref<40x128xf32, #tpu.memory_space<hbm>>
      %dma_start3A_230 = arith.constant 0 : i32
      %dma_start3A_231 = tpu.memref_slice %arg5[%add3A_227, %dma_start3A_230] : memref<204800x128xf32, #tpu.memory_space<hbm>> -> memref<40x128xf32, #tpu.memory_space<hbm>>
      tpu.enqueue_dma source(%arg11 : memref<40x128xf32, #tpu.memory_space<vmem>>) target(%dma_start3A_231 : memref<40x128xf32, #tpu.memory_space<hbm>>) target_semaphore(%arg31 : memref<!tpu.dma_semaphore, #tpu.memory_space<semaphore_mem>>)
      %sub3A_232 = arith.constant 1 : i32
      %sub3A_233 = arith.subi %add3A_212, %sub3A_232 : i32
      %ge3A_234 = arith.constant 0 : i32
      %ge3A_235 = arith.cmpi sge, %sub3A_233, %ge3A_234 : i32
      %add3A_236 = arith.constant 10 : i32
      %add3A_237 = arith.addi %sub3A_233, %add3A_236 : i32
      %lt3A_238 = arith.constant 160 : i32
      %lt3A_239 = arith.cmpi slt, %add3A_237, %lt3A_238 : i32
      %and3A_240 = arith.andi %ge3A_235, %lt3A_239 : i1
      %convert_element_type3A_241 = arith.extui %and3A_240 : i1 to i32
      %cond3A_242 = arith.constant 0 : i32
      %cond3A_243 = arith.cmpi ne, %convert_element_type3A_241, %cond3A_242 : i32
      scf.if %cond3A_243 {
        %dma_wait3A_442 = arith.constant 0 : i32
        %dma_wait3A_443 = arith.constant 0 : i32
        %dma_wait3A_444 = tpu.memref_slice %arg5[%dma_wait3A_442, %dma_wait3A_443] : memref<204800x128xf32, #tpu.memory_space<hbm>> -> memref<40x128xf32, #tpu.memory_space<hbm>>
        %dma_wait3A_445 = arith.constant 0 : i32
        %dma_wait3A_446 = arith.constant 0 : i32
        %dma_wait3A_447 = tpu.memref_slice %arg5[%dma_wait3A_445, %dma_wait3A_446] : memref<204800x128xf32, #tpu.memory_space<hbm>> -> memref<40x128xf32, #tpu.memory_space<hbm>>
        tpu.wait_dma2 semaphore(%arg30 : memref<!tpu.dma_semaphore, #tpu.memory_space<semaphore_mem>>) src(%arg10 : memref<40x128xf32, #tpu.memory_space<vmem>>) dst(%dma_wait3A_447 : memref<40x128xf32, #tpu.memory_space<hbm>>)
        %add3A_448 = arith.constant 10 : i32
        %add3A_449 = arith.addi %sub3A_233, %add3A_448 : i32
        %mul3A_450 = arith.constant 40 : i32
        %mul3A_451 = arith.muli %add3A_449, %mul3A_450 : i32
        %dma_start3A_452 = tpu.memref_slice %arg7[%mul3A_451] : memref<6400xi32, #tpu.memory_space<vmem>> -> memref<40xi32, #tpu.memory_space<vmem>>
        %dma_start3A_453 = arith.constant 0 : i32
        %dma_start3A_454 = arith.constant 0 : i32
        %dma_start3A_455 = tpu.memref_slice %arg2[%dma_start3A_453, %dma_start3A_454] : memref<100000x128xf32, #tpu.memory_space<hbm>> -> memref<100000x128xf32, #tpu.memory_space<hbm>>
        tpu.enqueue_indirect_dma source(%dma_start3A_455 : memref<100000x128xf32, #tpu.memory_space<hbm>>) target(%arg10 : memref<40x128xf32, #tpu.memory_space<vmem>>) offsets(%dma_start3A_452 : memref<40xi32, #tpu.memory_space<vmem>>) semaphore(%arg20 : memref<!tpu.dma_semaphore, #tpu.memory_space<semaphore_mem>>)
      } else {
      }
      %add3A_244 = arith.constant 4 : i32
      %add3A_245 = arith.addi %add3A_119, %add3A_244 : i32
      %dma_wait3A_246 = arith.constant 0 : i32
      %dma_wait3A_247 = tpu.memref_slice %arg7[%dma_wait3A_246] : memref<6400xi32, #tpu.memory_space<vmem>> -> memref<40xi32, #tpu.memory_space<vmem>>
      %dma_wait3A_248 = arith.constant 0 : i32
      %dma_wait3A_249 = arith.constant 0 : i32
      %dma_wait3A_250 = tpu.memref_slice %arg2[%dma_wait3A_248, %dma_wait3A_249] : memref<100000x128xf32, #tpu.memory_space<hbm>> -> memref<100000x128xf32, #tpu.memory_space<hbm>>
      tpu.wait_indirect_dma semaphore(%arg22 : memref<!tpu.dma_semaphore, #tpu.memory_space<semaphore_mem>>) src(%dma_wait3A_250 : memref<100000x128xf32, #tpu.memory_space<hbm>>) dst(%arg12 : memref<40x128xf32, #tpu.memory_space<vmem>>)
      %mul3A_251 = arith.constant 40 : i32
      %mul3A_252 = arith.muli %add3A_245, %mul3A_251 : i32
      %rem3A_253 = arith.constant 200 : i32
      %rem3A_254 = arith.remsi %mul3A_252, %rem3A_253 : i32
      %parallel_loop3A_255 = arith.constant 0 : i32
      %parallel_loop3A_256 = arith.constant 40 : i32
      %parallel_loop3A_257 = arith.constant 1 : i32
      scf.for %parallel_loop3A_442 = %parallel_loop3A_255 to %parallel_loop3A_256 step %parallel_loop3A_257  : i32 {
        %parallel_loop3A_443 = arith.addi %rem3A_254, %parallel_loop3A_442 : i32
        %parallel_loop3A_444 = arith.index_cast %parallel_loop3A_443 : i32 to index
        %parallel_loop3A_445 = arith.constant 0 : index
        %parallel_loop3A_446 = tpu.vector_load %arg6[%parallel_loop3A_444, %parallel_loop3A_445] {strides = array<i32>} : memref<200x128xf32, #tpu.memory_space<vmem>>, vector<1x16xf32>,
        %parallel_loop3A_447 = vector.shape_cast %parallel_loop3A_446 : vector<1x16xf32> to vector<1x16xf32>
        %parallel_loop3A_448 = arith.index_cast %parallel_loop3A_442 : i32 to index
        %parallel_loop3A_449 = arith.constant 0 : index
        %parallel_loop3A_450 = tpu.vector_load %arg12[%parallel_loop3A_448, %parallel_loop3A_449] {strides = array<i32>} : memref<40x128xf32, #tpu.memory_space<vmem>>, vector<1x16xf32>,
        %parallel_loop3A_451 = vector.shape_cast %parallel_loop3A_450 : vector<1x16xf32> to vector<1x16xf32>
        %parallel_loop3A_452 = vector.shape_cast %parallel_loop3A_447 : vector<1x16xf32> to vector<1x16xf32>
        tpu.vector_store %arg12[%parallel_loop3A_448, %parallel_loop3A_449], %parallel_loop3A_452 {add = true, strides = array<i32>} : memref<40x128xf32, #tpu.memory_space<vmem>>, vector<1x16xf32>,
        %parallel_loop3A_453 = arith.addi %rem3A_254, %parallel_loop3A_442 : i32
        %parallel_loop3A_454 = arith.index_cast %parallel_loop3A_453 : i32 to index
        %parallel_loop3A_455 = arith.constant 16 : index
        %parallel_loop3A_456 = tpu.vector_load %arg6[%parallel_loop3A_454, %parallel_loop3A_455] {strides = array<i32>} : memref<200x128xf32, #tpu.memory_space<vmem>>, vector<1x16xf32>,
        %parallel_loop3A_457 = vector.shape_cast %parallel_loop3A_456 : vector<1x16xf32> to vector<1x16xf32>
        %parallel_loop3A_458 = arith.index_cast %parallel_loop3A_442 : i32 to index
        %parallel_loop3A_459 = arith.constant 16 : index
        %parallel_loop3A_460 = tpu.vector_load %arg12[%parallel_loop3A_458, %parallel_loop3A_459] {strides = array<i32>} : memref<40x128xf32, #tpu.memory_space<vmem>>, vector<1x16xf32>,
        %parallel_loop3A_461 = vector.shape_cast %parallel_loop3A_460 : vector<1x16xf32> to vector<1x16xf32>
        %parallel_loop3A_462 = vector.shape_cast %parallel_loop3A_457 : vector<1x16xf32> to vector<1x16xf32>
        tpu.vector_store %arg12[%parallel_loop3A_458, %parallel_loop3A_459], %parallel_loop3A_462 {add = true, strides = array<i32>} : memref<40x128xf32, #tpu.memory_space<vmem>>, vector<1x16xf32>,
        %parallel_loop3A_463 = arith.addi %rem3A_254, %parallel_loop3A_442 : i32
        %parallel_loop3A_464 = arith.index_cast %parallel_loop3A_463 : i32 to index
        %parallel_loop3A_465 = arith.constant 32 : index
        %parallel_loop3A_466 = tpu.vector_load %arg6[%parallel_loop3A_464, %parallel_loop3A_465] {strides = array<i32>} : memref<200x128xf32, #tpu.memory_space<vmem>>, vector<1x16xf32>,
        %parallel_loop3A_467 = vector.shape_cast %parallel_loop3A_466 : vector<1x16xf32> to vector<1x16xf32>
        %parallel_loop3A_468 = arith.index_cast %parallel_loop3A_442 : i32 to index
        %parallel_loop3A_469 = arith.constant 32 : index
        %parallel_loop3A_470 = tpu.vector_load %arg12[%parallel_loop3A_468, %parallel_loop3A_469] {strides = array<i32>} : memref<40x128xf32, #tpu.memory_space<vmem>>, vector<1x16xf32>,
        %parallel_loop3A_471 = vector.shape_cast %parallel_loop3A_470 : vector<1x16xf32> to vector<1x16xf32>
        %parallel_loop3A_472 = vector.shape_cast %parallel_loop3A_467 : vector<1x16xf32> to vector<1x16xf32>
        tpu.vector_store %arg12[%parallel_loop3A_468, %parallel_loop3A_469], %parallel_loop3A_472 {add = true, strides = array<i32>} : memref<40x128xf32, #tpu.memory_space<vmem>>, vector<1x16xf32>,
        %parallel_loop3A_473 = arith.addi %rem3A_254, %parallel_loop3A_442 : i32
        %parallel_loop3A_474 = arith.index_cast %parallel_loop3A_473 : i32 to index
        %parallel_loop3A_475 = arith.constant 48 : index
        %parallel_loop3A_476 = tpu.vector_load %arg6[%parallel_loop3A_474, %parallel_loop3A_475] {strides = array<i32>} : memref<200x128xf32, #tpu.memory_space<vmem>>, vector<1x16xf32>,
        %parallel_loop3A_477 = vector.shape_cast %parallel_loop3A_476 : vector<1x16xf32> to vector<1x16xf32>
        %parallel_loop3A_478 = arith.index_cast %parallel_loop3A_442 : i32 to index
        %parallel_loop3A_479 = arith.constant 48 : index
        %parallel_loop3A_480 = tpu.vector_load %arg12[%parallel_loop3A_478, %parallel_loop3A_479] {strides = array<i32>} : memref<40x128xf32, #tpu.memory_space<vmem>>, vector<1x16xf32>,
        %parallel_loop3A_481 = vector.shape_cast %parallel_loop3A_480 : vector<1x16xf32> to vector<1x16xf32>
        %parallel_loop3A_482 = vector.shape_cast %parallel_loop3A_477 : vector<1x16xf32> to vector<1x16xf32>
        tpu.vector_store %arg12[%parallel_loop3A_478, %parallel_loop3A_479], %parallel_loop3A_482 {add = true, strides = array<i32>} : memref<40x128xf32, #tpu.memory_space<vmem>>, vector<1x16xf32>,
        %parallel_loop3A_483 = arith.addi %rem3A_254, %parallel_loop3A_442 : i32
        %parallel_loop3A_484 = arith.index_cast %parallel_loop3A_483 : i32 to index
        %parallel_loop3A_485 = arith.constant 64 : index
        %parallel_loop3A_486 = tpu.vector_load %arg6[%parallel_loop3A_484, %parallel_loop3A_485] {strides = array<i32>} : memref<200x128xf32, #tpu.memory_space<vmem>>, vector<1x16xf32>,
        %parallel_loop3A_487 = vector.shape_cast %parallel_loop3A_486 : vector<1x16xf32> to vector<1x16xf32>
        %parallel_loop3A_488 = arith.index_cast %parallel_loop3A_442 : i32 to index
        %parallel_loop3A_489 = arith.constant 64 : index
        %parallel_loop3A_490 = tpu.vector_load %arg12[%parallel_loop3A_488, %parallel_loop3A_489] {strides = array<i32>} : memref<40x128xf32, #tpu.memory_space<vmem>>, vector<1x16xf32>,
        %parallel_loop3A_491 = vector.shape_cast %parallel_loop3A_490 : vector<1x16xf32> to vector<1x16xf32>
        %parallel_loop3A_492 = vector.shape_cast %parallel_loop3A_487 : vector<1x16xf32> to vector<1x16xf32>
        tpu.vector_store %arg12[%parallel_loop3A_488, %parallel_loop3A_489], %parallel_loop3A_492 {add = true, strides = array<i32>} : memref<40x128xf32, #tpu.memory_space<vmem>>, vector<1x16xf32>,
        %parallel_loop3A_493 = arith.addi %rem3A_254, %parallel_loop3A_442 : i32
        %parallel_loop3A_494 = arith.index_cast %parallel_loop3A_493 : i32 to index
        %parallel_loop3A_495 = arith.constant 80 : index
        %parallel_loop3A_496 = tpu.vector_load %arg6[%parallel_loop3A_494, %parallel_loop3A_495] {strides = array<i32>} : memref<200x128xf32, #tpu.memory_space<vmem>>, vector<1x16xf32>,
        %parallel_loop3A_497 = vector.shape_cast %parallel_loop3A_496 : vector<1x16xf32> to vector<1x16xf32>
        %parallel_loop3A_498 = arith.index_cast %parallel_loop3A_442 : i32 to index
        %parallel_loop3A_499 = arith.constant 80 : index
        %parallel_loop3A_500 = tpu.vector_load %arg12[%parallel_loop3A_498, %parallel_loop3A_499] {strides = array<i32>} : memref<40x128xf32, #tpu.memory_space<vmem>>, vector<1x16xf32>,
        %parallel_loop3A_501 = vector.shape_cast %parallel_loop3A_500 : vector<1x16xf32> to vector<1x16xf32>
        %parallel_loop3A_502 = vector.shape_cast %parallel_loop3A_497 : vector<1x16xf32> to vector<1x16xf32>
        tpu.vector_store %arg12[%parallel_loop3A_498, %parallel_loop3A_499], %parallel_loop3A_502 {add = true, strides = array<i32>} : memref<40x128xf32, #tpu.memory_space<vmem>>, vector<1x16xf32>,
        %parallel_loop3A_503 = arith.addi %rem3A_254, %parallel_loop3A_442 : i32
        %parallel_loop3A_504 = arith.index_cast %parallel_loop3A_503 : i32 to index
        %parallel_loop3A_505 = arith.constant 96 : index
        %parallel_loop3A_506 = tpu.vector_load %arg6[%parallel_loop3A_504, %parallel_loop3A_505] {strides = array<i32>} : memref<200x128xf32, #tpu.memory_space<vmem>>, vector<1x16xf32>,
        %parallel_loop3A_507 = vector.shape_cast %parallel_loop3A_506 : vector<1x16xf32> to vector<1x16xf32>
        %parallel_loop3A_508 = arith.index_cast %parallel_loop3A_442 : i32 to index
        %parallel_loop3A_509 = arith.constant 96 : index
        %parallel_loop3A_510 = tpu.vector_load %arg12[%parallel_loop3A_508, %parallel_loop3A_509] {strides = array<i32>} : memref<40x128xf32, #tpu.memory_space<vmem>>, vector<1x16xf32>,
        %parallel_loop3A_511 = vector.shape_cast %parallel_loop3A_510 : vector<1x16xf32> to vector<1x16xf32>
        %parallel_loop3A_512 = vector.shape_cast %parallel_loop3A_507 : vector<1x16xf32> to vector<1x16xf32>
        tpu.vector_store %arg12[%parallel_loop3A_508, %parallel_loop3A_509], %parallel_loop3A_512 {add = true, strides = array<i32>} : memref<40x128xf32, #tpu.memory_space<vmem>>, vector<1x16xf32>,
        %parallel_loop3A_513 = arith.addi %rem3A_254, %parallel_loop3A_442 : i32
        %parallel_loop3A_514 = arith.index_cast %parallel_loop3A_513 : i32 to index
        %parallel_loop3A_515 = arith.constant 112 : index
        %parallel_loop3A_516 = tpu.vector_load %arg6[%parallel_loop3A_514, %parallel_loop3A_515] {strides = array<i32>} : memref<200x128xf32, #tpu.memory_space<vmem>>, vector<1x16xf32>,
        %parallel_loop3A_517 = vector.shape_cast %parallel_loop3A_516 : vector<1x16xf32> to vector<1x16xf32>
        %parallel_loop3A_518 = arith.index_cast %parallel_loop3A_442 : i32 to index
        %parallel_loop3A_519 = arith.constant 112 : index
        %parallel_loop3A_520 = tpu.vector_load %arg12[%parallel_loop3A_518, %parallel_loop3A_519] {strides = array<i32>} : memref<40x128xf32, #tpu.memory_space<vmem>>, vector<1x16xf32>,
        %parallel_loop3A_521 = vector.shape_cast %parallel_loop3A_520 : vector<1x16xf32> to vector<1x16xf32>
        %parallel_loop3A_522 = vector.shape_cast %parallel_loop3A_517 : vector<1x16xf32> to vector<1x16xf32>
        tpu.vector_store %arg12[%parallel_loop3A_518, %parallel_loop3A_519], %parallel_loop3A_522 {add = true, strides = array<i32>} : memref<40x128xf32, #tpu.memory_space<vmem>>, vector<1x16xf32>,
      } {sc.loop_unroll_factor = 4 : i64, sc.parallel_access}
      %mul3A_258 = arith.constant 40 : i32
      %mul3A_259 = arith.muli %add3A_245, %mul3A_258 : i32
      %add3A_260 = arith.addi %mul3A_2, %mul3A_259 : i32
      %dma_start3A_261 = arith.constant 0 : i32
      %dma_start3A_262 = tpu.memref_slice %arg5[%add3A_260, %dma_start3A_261] : memref<204800x128xf32, #tpu.memory_space<hbm>> -> memref<40x128xf32, #tpu.memory_space<hbm>>
      %dma_start3A_263 = arith.constant 0 : i32
      %dma_start3A_264 = tpu.memref_slice %arg5[%add3A_260, %dma_start3A_263] : memref<204800x128xf32, #tpu.memory_space<hbm>> -> memref<40x128xf32, #tpu.memory_space<hbm>>
      tpu.enqueue_dma source(%arg12 : memref<40x128xf32, #tpu.memory_space<vmem>>) target(%dma_start3A_264 : memref<40x128xf32, #tpu.memory_space<hbm>>) target_semaphore(%arg32 : memref<!tpu.dma_semaphore, #tpu.memory_space<semaphore_mem>>)
      %sub3A_265 = arith.constant 1 : i32
      %sub3A_266 = arith.subi %add3A_245, %sub3A_265 : i32
      %ge3A_267 = arith.constant 0 : i32
      %ge3A_268 = arith.cmpi sge, %sub3A_266, %ge3A_267 : i32
      %add3A_269 = arith.constant 10 : i32
      %add3A_270 = arith.addi %sub3A_266, %add3A_269 : i32
      %lt3A_271 = arith.constant 160 : i32
      %lt3A_272 = arith.cmpi slt, %add3A_270, %lt3A_271 : i32
      %and3A_273 = arith.andi %ge3A_268, %lt3A_272 : i1
      %convert_element_type3A_274 = arith.extui %and3A_273 : i1 to i32
      %cond3A_275 = arith.constant 0 : i32
      %cond3A_276 = arith.cmpi ne, %convert_element_type3A_274, %cond3A_275 : i32
      scf.if %cond3A_276 {
        %dma_wait3A_442 = arith.constant 0 : i32
        %dma_wait3A_443 = arith.constant 0 : i32
        %dma_wait3A_444 = tpu.memref_slice %arg5[%dma_wait3A_442, %dma_wait3A_443] : memref<204800x128xf32, #tpu.memory_space<hbm>> -> memref<40x128xf32, #tpu.memory_space<hbm>>
        %dma_wait3A_445 = arith.constant 0 : i32
        %dma_wait3A_446 = arith.constant 0 : i32
        %dma_wait3A_447 = tpu.memref_slice %arg5[%dma_wait3A_445, %dma_wait3A_446] : memref<204800x128xf32, #tpu.memory_space<hbm>> -> memref<40x128xf32, #tpu.memory_space<hbm>>
        tpu.wait_dma2 semaphore(%arg31 : memref<!tpu.dma_semaphore, #tpu.memory_space<semaphore_mem>>) src(%arg11 : memref<40x128xf32, #tpu.memory_space<vmem>>) dst(%dma_wait3A_447 : memref<40x128xf32, #tpu.memory_space<hbm>>)
        %add3A_448 = arith.constant 10 : i32
        %add3A_449 = arith.addi %sub3A_266, %add3A_448 : i32
        %mul3A_450 = arith.constant 40 : i32
        %mul3A_451 = arith.muli %add3A_449, %mul3A_450 : i32
        %dma_start3A_452 = tpu.memref_slice %arg7[%mul3A_451] : memref<6400xi32, #tpu.memory_space<vmem>> -> memref<40xi32, #tpu.memory_space<vmem>>
        %dma_start3A_453 = arith.constant 0 : i32
        %dma_start3A_454 = arith.constant 0 : i32
        %dma_start3A_455 = tpu.memref_slice %arg2[%dma_start3A_453, %dma_start3A_454] : memref<100000x128xf32, #tpu.memory_space<hbm>> -> memref<100000x128xf32, #tpu.memory_space<hbm>>
        tpu.enqueue_indirect_dma source(%dma_start3A_455 : memref<100000x128xf32, #tpu.memory_space<hbm>>) target(%arg11 : memref<40x128xf32, #tpu.memory_space<vmem>>) offsets(%dma_start3A_452 : memref<40xi32, #tpu.memory_space<vmem>>) semaphore(%arg21 : memref<!tpu.dma_semaphore, #tpu.memory_space<semaphore_mem>>)
      } else {
      }
      %add3A_277 = arith.constant 5 : i32
      %add3A_278 = arith.addi %add3A_119, %add3A_277 : i32
      %dma_wait3A_279 = arith.constant 0 : i32
      %dma_wait3A_280 = tpu.memref_slice %arg7[%dma_wait3A_279] : memref<6400xi32, #tpu.memory_space<vmem>> -> memref<40xi32, #tpu.memory_space<vmem>>
      %dma_wait3A_281 = arith.constant 0 : i32
      %dma_wait3A_282 = arith.constant 0 : i32
      %dma_wait3A_283 = tpu.memref_slice %arg2[%dma_wait3A_281, %dma_wait3A_282] : memref<100000x128xf32, #tpu.memory_space<hbm>> -> memref<100000x128xf32, #tpu.memory_space<hbm>>
      tpu.wait_indirect_dma semaphore(%arg23 : memref<!tpu.dma_semaphore, #tpu.memory_space<semaphore_mem>>) src(%dma_wait3A_283 : memref<100000x128xf32, #tpu.memory_space<hbm>>) dst(%arg13 : memref<40x128xf32, #tpu.memory_space<vmem>>)
      %mul3A_284 = arith.constant 40 : i32
      %mul3A_285 = arith.muli %add3A_278, %mul3A_284 : i32
      %rem3A_286 = arith.constant 200 : i32
      %rem3A_287 = arith.remsi %mul3A_285, %rem3A_286 : i32
      %parallel_loop3A_288 = arith.constant 0 : i32
      %parallel_loop3A_289 = arith.constant 40 : i32
      %parallel_loop3A_290 = arith.constant 1 : i32
      scf.for %parallel_loop3A_442 = %parallel_loop3A_288 to %parallel_loop3A_289 step %parallel_loop3A_290  : i32 {
        %parallel_loop3A_443 = arith.addi %rem3A_287, %parallel_loop3A_442 : i32
        %parallel_loop3A_444 = arith.index_cast %parallel_loop3A_443 : i32 to index
        %parallel_loop3A_445 = arith.constant 0 : index
        %parallel_loop3A_446 = tpu.vector_load %arg6[%parallel_loop3A_444, %parallel_loop3A_445] {strides = array<i32>} : memref<200x128xf32, #tpu.memory_space<vmem>>, vector<1x16xf32>,
        %parallel_loop3A_447 = vector.shape_cast %parallel_loop3A_446 : vector<1x16xf32> to vector<1x16xf32>
        %parallel_loop3A_448 = arith.index_cast %parallel_loop3A_442 : i32 to index
        %parallel_loop3A_449 = arith.constant 0 : index
        %parallel_loop3A_450 = tpu.vector_load %arg13[%parallel_loop3A_448, %parallel_loop3A_449] {strides = array<i32>} : memref<40x128xf32, #tpu.memory_space<vmem>>, vector<1x16xf32>,
        %parallel_loop3A_451 = vector.shape_cast %parallel_loop3A_450 : vector<1x16xf32> to vector<1x16xf32>
        %parallel_loop3A_452 = vector.shape_cast %parallel_loop3A_447 : vector<1x16xf32> to vector<1x16xf32>
        tpu.vector_store %arg13[%parallel_loop3A_448, %parallel_loop3A_449], %parallel_loop3A_452 {add = true, strides = array<i32>} : memref<40x128xf32, #tpu.memory_space<vmem>>, vector<1x16xf32>,
        %parallel_loop3A_453 = arith.addi %rem3A_287, %parallel_loop3A_442 : i32
        %parallel_loop3A_454 = arith.index_cast %parallel_loop3A_453 : i32 to index
        %parallel_loop3A_455 = arith.constant 16 : index
        %parallel_loop3A_456 = tpu.vector_load %arg6[%parallel_loop3A_454, %parallel_loop3A_455] {strides = array<i32>} : memref<200x128xf32, #tpu.memory_space<vmem>>, vector<1x16xf32>,
        %parallel_loop3A_457 = vector.shape_cast %parallel_loop3A_456 : vector<1x16xf32> to vector<1x16xf32>
        %parallel_loop3A_458 = arith.index_cast %parallel_loop3A_442 : i32 to index
        %parallel_loop3A_459 = arith.constant 16 : index
        %parallel_loop3A_460 = tpu.vector_load %arg13[%parallel_loop3A_458, %parallel_loop3A_459] {strides = array<i32>} : memref<40x128xf32, #tpu.memory_space<vmem>>, vector<1x16xf32>,
        %parallel_loop3A_461 = vector.shape_cast %parallel_loop3A_460 : vector<1x16xf32> to vector<1x16xf32>
        %parallel_loop3A_462 = vector.shape_cast %parallel_loop3A_457 : vector<1x16xf32> to vector<1x16xf32>
        tpu.vector_store %arg13[%parallel_loop3A_458, %parallel_loop3A_459], %parallel_loop3A_462 {add = true, strides = array<i32>} : memref<40x128xf32, #tpu.memory_space<vmem>>, vector<1x16xf32>,
        %parallel_loop3A_463 = arith.addi %rem3A_287, %parallel_loop3A_442 : i32
        %parallel_loop3A_464 = arith.index_cast %parallel_loop3A_463 : i32 to index
        %parallel_loop3A_465 = arith.constant 32 : index
        %parallel_loop3A_466 = tpu.vector_load %arg6[%parallel_loop3A_464, %parallel_loop3A_465] {strides = array<i32>} : memref<200x128xf32, #tpu.memory_space<vmem>>, vector<1x16xf32>,
        %parallel_loop3A_467 = vector.shape_cast %parallel_loop3A_466 : vector<1x16xf32> to vector<1x16xf32>
        %parallel_loop3A_468 = arith.index_cast %parallel_loop3A_442 : i32 to index
        %parallel_loop3A_469 = arith.constant 32 : index
        %parallel_loop3A_470 = tpu.vector_load %arg13[%parallel_loop3A_468, %parallel_loop3A_469] {strides = array<i32>} : memref<40x128xf32, #tpu.memory_space<vmem>>, vector<1x16xf32>,
        %parallel_loop3A_471 = vector.shape_cast %parallel_loop3A_470 : vector<1x16xf32> to vector<1x16xf32>
        %parallel_loop3A_472 = vector.shape_cast %parallel_loop3A_467 : vector<1x16xf32> to vector<1x16xf32>
        tpu.vector_store %arg13[%parallel_loop3A_468, %parallel_loop3A_469], %parallel_loop3A_472 {add = true, strides = array<i32>} : memref<40x128xf32, #tpu.memory_space<vmem>>, vector<1x16xf32>,
        %parallel_loop3A_473 = arith.addi %rem3A_287, %parallel_loop3A_442 : i32
        %parallel_loop3A_474 = arith.index_cast %parallel_loop3A_473 : i32 to index
        %parallel_loop3A_475 = arith.constant 48 : index
        %parallel_loop3A_476 = tpu.vector_load %arg6[%parallel_loop3A_474, %parallel_loop3A_475] {strides = array<i32>} : memref<200x128xf32, #tpu.memory_space<vmem>>, vector<1x16xf32>,
        %parallel_loop3A_477 = vector.shape_cast %parallel_loop3A_476 : vector<1x16xf32> to vector<1x16xf32>
        %parallel_loop3A_478 = arith.index_cast %parallel_loop3A_442 : i32 to index
        %parallel_loop3A_479 = arith.constant 48 : index
        %parallel_loop3A_480 = tpu.vector_load %arg13[%parallel_loop3A_478, %parallel_loop3A_479] {strides = array<i32>} : memref<40x128xf32, #tpu.memory_space<vmem>>, vector<1x16xf32>,
        %parallel_loop3A_481 = vector.shape_cast %parallel_loop3A_480 : vector<1x16xf32> to vector<1x16xf32>
        %parallel_loop3A_482 = vector.shape_cast %parallel_loop3A_477 : vector<1x16xf32> to vector<1x16xf32>
        tpu.vector_store %arg13[%parallel_loop3A_478, %parallel_loop3A_479], %parallel_loop3A_482 {add = true, strides = array<i32>} : memref<40x128xf32, #tpu.memory_space<vmem>>, vector<1x16xf32>,
        %parallel_loop3A_483 = arith.addi %rem3A_287, %parallel_loop3A_442 : i32
        %parallel_loop3A_484 = arith.index_cast %parallel_loop3A_483 : i32 to index
        %parallel_loop3A_485 = arith.constant 64 : index
        %parallel_loop3A_486 = tpu.vector_load %arg6[%parallel_loop3A_484, %parallel_loop3A_485] {strides = array<i32>} : memref<200x128xf32, #tpu.memory_space<vmem>>, vector<1x16xf32>,
        %parallel_loop3A_487 = vector.shape_cast %parallel_loop3A_486 : vector<1x16xf32> to vector<1x16xf32>
        %parallel_loop3A_488 = arith.index_cast %parallel_loop3A_442 : i32 to index
        %parallel_loop3A_489 = arith.constant 64 : index
        %parallel_loop3A_490 = tpu.vector_load %arg13[%parallel_loop3A_488, %parallel_loop3A_489] {strides = array<i32>} : memref<40x128xf32, #tpu.memory_space<vmem>>, vector<1x16xf32>,
        %parallel_loop3A_491 = vector.shape_cast %parallel_loop3A_490 : vector<1x16xf32> to vector<1x16xf32>
        %parallel_loop3A_492 = vector.shape_cast %parallel_loop3A_487 : vector<1x16xf32> to vector<1x16xf32>
        tpu.vector_store %arg13[%parallel_loop3A_488, %parallel_loop3A_489], %parallel_loop3A_492 {add = true, strides = array<i32>} : memref<40x128xf32, #tpu.memory_space<vmem>>, vector<1x16xf32>,
        %parallel_loop3A_493 = arith.addi %rem3A_287, %parallel_loop3A_442 : i32
        %parallel_loop3A_494 = arith.index_cast %parallel_loop3A_493 : i32 to index
        %parallel_loop3A_495 = arith.constant 80 : index
        %parallel_loop3A_496 = tpu.vector_load %arg6[%parallel_loop3A_494, %parallel_loop3A_495] {strides = array<i32>} : memref<200x128xf32, #tpu.memory_space<vmem>>, vector<1x16xf32>,
        %parallel_loop3A_497 = vector.shape_cast %parallel_loop3A_496 : vector<1x16xf32> to vector<1x16xf32>
        %parallel_loop3A_498 = arith.index_cast %parallel_loop3A_442 : i32 to index
        %parallel_loop3A_499 = arith.constant 80 : index
        %parallel_loop3A_500 = tpu.vector_load %arg13[%parallel_loop3A_498, %parallel_loop3A_499] {strides = array<i32>} : memref<40x128xf32, #tpu.memory_space<vmem>>, vector<1x16xf32>,
        %parallel_loop3A_501 = vector.shape_cast %parallel_loop3A_500 : vector<1x16xf32> to vector<1x16xf32>
        %parallel_loop3A_502 = vector.shape_cast %parallel_loop3A_497 : vector<1x16xf32> to vector<1x16xf32>
        tpu.vector_store %arg13[%parallel_loop3A_498, %parallel_loop3A_499], %parallel_loop3A_502 {add = true, strides = array<i32>} : memref<40x128xf32, #tpu.memory_space<vmem>>, vector<1x16xf32>,
        %parallel_loop3A_503 = arith.addi %rem3A_287, %parallel_loop3A_442 : i32
        %parallel_loop3A_504 = arith.index_cast %parallel_loop3A_503 : i32 to index
        %parallel_loop3A_505 = arith.constant 96 : index
        %parallel_loop3A_506 = tpu.vector_load %arg6[%parallel_loop3A_504, %parallel_loop3A_505] {strides = array<i32>} : memref<200x128xf32, #tpu.memory_space<vmem>>, vector<1x16xf32>,
        %parallel_loop3A_507 = vector.shape_cast %parallel_loop3A_506 : vector<1x16xf32> to vector<1x16xf32>
        %parallel_loop3A_508 = arith.index_cast %parallel_loop3A_442 : i32 to index
        %parallel_loop3A_509 = arith.constant 96 : index
        %parallel_loop3A_510 = tpu.vector_load %arg13[%parallel_loop3A_508, %parallel_loop3A_509] {strides = array<i32>} : memref<40x128xf32, #tpu.memory_space<vmem>>, vector<1x16xf32>,
        %parallel_loop3A_511 = vector.shape_cast %parallel_loop3A_510 : vector<1x16xf32> to vector<1x16xf32>
        %parallel_loop3A_512 = vector.shape_cast %parallel_loop3A_507 : vector<1x16xf32> to vector<1x16xf32>
        tpu.vector_store %arg13[%parallel_loop3A_508, %parallel_loop3A_509], %parallel_loop3A_512 {add = true, strides = array<i32>} : memref<40x128xf32, #tpu.memory_space<vmem>>, vector<1x16xf32>,
        %parallel_loop3A_513 = arith.addi %rem3A_287, %parallel_loop3A_442 : i32
        %parallel_loop3A_514 = arith.index_cast %parallel_loop3A_513 : i32 to index
        %parallel_loop3A_515 = arith.constant 112 : index
        %parallel_loop3A_516 = tpu.vector_load %arg6[%parallel_loop3A_514, %parallel_loop3A_515] {strides = array<i32>} : memref<200x128xf32, #tpu.memory_space<vmem>>, vector<1x16xf32>,
        %parallel_loop3A_517 = vector.shape_cast %parallel_loop3A_516 : vector<1x16xf32> to vector<1x16xf32>
        %parallel_loop3A_518 = arith.index_cast %parallel_loop3A_442 : i32 to index
        %parallel_loop3A_519 = arith.constant 112 : index
        %parallel_loop3A_520 = tpu.vector_load %arg13[%parallel_loop3A_518, %parallel_loop3A_519] {strides = array<i32>} : memref<40x128xf32, #tpu.memory_space<vmem>>, vector<1x16xf32>,
        %parallel_loop3A_521 = vector.shape_cast %parallel_loop3A_520 : vector<1x16xf32> to vector<1x16xf32>
        %parallel_loop3A_522 = vector.shape_cast %parallel_loop3A_517 : vector<1x16xf32> to vector<1x16xf32>
        tpu.vector_store %arg13[%parallel_loop3A_518, %parallel_loop3A_519], %parallel_loop3A_522 {add = true, strides = array<i32>} : memref<40x128xf32, #tpu.memory_space<vmem>>, vector<1x16xf32>,
      } {sc.loop_unroll_factor = 4 : i64, sc.parallel_access}
      %mul3A_291 = arith.constant 40 : i32
      %mul3A_292 = arith.muli %add3A_278, %mul3A_291 : i32
      %add3A_293 = arith.addi %mul3A_2, %mul3A_292 : i32
      %dma_start3A_294 = arith.constant 0 : i32
      %dma_start3A_295 = tpu.memref_slice %arg5[%add3A_293, %dma_start3A_294] : memref<204800x128xf32, #tpu.memory_space<hbm>> -> memref<40x128xf32, #tpu.memory_space<hbm>>
      %dma_start3A_296 = arith.constant 0 : i32
      %dma_start3A_297 = tpu.memref_slice %arg5[%add3A_293, %dma_start3A_296] : memref<204800x128xf32, #tpu.memory_space<hbm>> -> memref<40x128xf32, #tpu.memory_space<hbm>>
      tpu.enqueue_dma source(%arg13 : memref<40x128xf32, #tpu.memory_space<vmem>>) target(%dma_start3A_297 : memref<40x128xf32, #tpu.memory_space<hbm>>) target_semaphore(%arg33 : memref<!tpu.dma_semaphore, #tpu.memory_space<semaphore_mem>>)
      %sub3A_298 = arith.constant 1 : i32
      %sub3A_299 = arith.subi %add3A_278, %sub3A_298 : i32
      %ge3A_300 = arith.constant 0 : i32
      %ge3A_301 = arith.cmpi sge, %sub3A_299, %ge3A_300 : i32
      %add3A_302 = arith.constant 10 : i32
      %add3A_303 = arith.addi %sub3A_299, %add3A_302 : i32
      %lt3A_304 = arith.constant 160 : i32
      %lt3A_305 = arith.cmpi slt, %add3A_303, %lt3A_304 : i32
      %and3A_306 = arith.andi %ge3A_301, %lt3A_305 : i1
      %convert_element_type3A_307 = arith.extui %and3A_306 : i1 to i32
      %cond3A_308 = arith.constant 0 : i32
      %cond3A_309 = arith.cmpi ne, %convert_element_type3A_307, %cond3A_308 : i32
      scf.if %cond3A_309 {
        %dma_wait3A_442 = arith.constant 0 : i32
        %dma_wait3A_443 = arith.constant 0 : i32
        %dma_wait3A_444 = tpu.memref_slice %arg5[%dma_wait3A_442, %dma_wait3A_443] : memref<204800x128xf32, #tpu.memory_space<hbm>> -> memref<40x128xf32, #tpu.memory_space<hbm>>
        %dma_wait3A_445 = arith.constant 0 : i32
        %dma_wait3A_446 = arith.constant 0 : i32
        %dma_wait3A_447 = tpu.memref_slice %arg5[%dma_wait3A_445, %dma_wait3A_446] : memref<204800x128xf32, #tpu.memory_space<hbm>> -> memref<40x128xf32, #tpu.memory_space<hbm>>
        tpu.wait_dma2 semaphore(%arg32 : memref<!tpu.dma_semaphore, #tpu.memory_space<semaphore_mem>>) src(%arg12 : memref<40x128xf32, #tpu.memory_space<vmem>>) dst(%dma_wait3A_447 : memref<40x128xf32, #tpu.memory_space<hbm>>)
        %add3A_448 = arith.constant 10 : i32
        %add3A_449 = arith.addi %sub3A_299, %add3A_448 : i32
        %mul3A_450 = arith.constant 40 : i32
        %mul3A_451 = arith.muli %add3A_449, %mul3A_450 : i32
        %dma_start3A_452 = tpu.memref_slice %arg7[%mul3A_451] : memref<6400xi32, #tpu.memory_space<vmem>> -> memref<40xi32, #tpu.memory_space<vmem>>
        %dma_start3A_453 = arith.constant 0 : i32
        %dma_start3A_454 = arith.constant 0 : i32
        %dma_start3A_455 = tpu.memref_slice %arg2[%dma_start3A_453, %dma_start3A_454] : memref<100000x128xf32, #tpu.memory_space<hbm>> -> memref<100000x128xf32, #tpu.memory_space<hbm>>
        tpu.enqueue_indirect_dma source(%dma_start3A_455 : memref<100000x128xf32, #tpu.memory_space<hbm>>) target(%arg12 : memref<40x128xf32, #tpu.memory_space<vmem>>) offsets(%dma_start3A_452 : memref<40xi32, #tpu.memory_space<vmem>>) semaphore(%arg22 : memref<!tpu.dma_semaphore, #tpu.memory_space<semaphore_mem>>)
      } else {
      }
      %add3A_310 = arith.constant 6 : i32
      %add3A_311 = arith.addi %add3A_119, %add3A_310 : i32
      %dma_wait3A_312 = arith.constant 0 : i32
      %dma_wait3A_313 = tpu.memref_slice %arg7[%dma_wait3A_312] : memref<6400xi32, #tpu.memory_space<vmem>> -> memref<40xi32, #tpu.memory_space<vmem>>
      %dma_wait3A_314 = arith.constant 0 : i32
      %dma_wait3A_315 = arith.constant 0 : i32
      %dma_wait3A_316 = tpu.memref_slice %arg2[%dma_wait3A_314, %dma_wait3A_315] : memref<100000x128xf32, #tpu.memory_space<hbm>> -> memref<100000x128xf32, #tpu.memory_space<hbm>>
      tpu.wait_indirect_dma semaphore(%arg24 : memref<!tpu.dma_semaphore, #tpu.memory_space<semaphore_mem>>) src(%dma_wait3A_316 : memref<100000x128xf32, #tpu.memory_space<hbm>>) dst(%arg14 : memref<40x128xf32, #tpu.memory_space<vmem>>)
      %mul3A_317 = arith.constant 40 : i32
      %mul3A_318 = arith.muli %add3A_311, %mul3A_317 : i32
      %rem3A_319 = arith.constant 200 : i32
      %rem3A_320 = arith.remsi %mul3A_318, %rem3A_319 : i32
      %parallel_loop3A_321 = arith.constant 0 : i32
      %parallel_loop3A_322 = arith.constant 40 : i32
      %parallel_loop3A_323 = arith.constant 1 : i32
      scf.for %parallel_loop3A_442 = %parallel_loop3A_321 to %parallel_loop3A_322 step %parallel_loop3A_323  : i32 {
        %parallel_loop3A_443 = arith.addi %rem3A_320, %parallel_loop3A_442 : i32
        %parallel_loop3A_444 = arith.index_cast %parallel_loop3A_443 : i32 to index
        %parallel_loop3A_445 = arith.constant 0 : index
        %parallel_loop3A_446 = tpu.vector_load %arg6[%parallel_loop3A_444, %parallel_loop3A_445] {strides = array<i32>} : memref<200x128xf32, #tpu.memory_space<vmem>>, vector<1x16xf32>,
        %parallel_loop3A_447 = vector.shape_cast %parallel_loop3A_446 : vector<1x16xf32> to vector<1x16xf32>
        %parallel_loop3A_448 = arith.index_cast %parallel_loop3A_442 : i32 to index
        %parallel_loop3A_449 = arith.constant 0 : index
        %parallel_loop3A_450 = tpu.vector_load %arg14[%parallel_loop3A_448, %parallel_loop3A_449] {strides = array<i32>} : memref<40x128xf32, #tpu.memory_space<vmem>>, vector<1x16xf32>,
        %parallel_loop3A_451 = vector.shape_cast %parallel_loop3A_450 : vector<1x16xf32> to vector<1x16xf32>
        %parallel_loop3A_452 = vector.shape_cast %parallel_loop3A_447 : vector<1x16xf32> to vector<1x16xf32>
        tpu.vector_store %arg14[%parallel_loop3A_448, %parallel_loop3A_449], %parallel_loop3A_452 {add = true, strides = array<i32>} : memref<40x128xf32, #tpu.memory_space<vmem>>, vector<1x16xf32>,
        %parallel_loop3A_453 = arith.addi %rem3A_320, %parallel_loop3A_442 : i32
        %parallel_loop3A_454 = arith.index_cast %parallel_loop3A_453 : i32 to index
        %parallel_loop3A_455 = arith.constant 16 : index
        %parallel_loop3A_456 = tpu.vector_load %arg6[%parallel_loop3A_454, %parallel_loop3A_455] {strides = array<i32>} : memref<200x128xf32, #tpu.memory_space<vmem>>, vector<1x16xf32>,
        %parallel_loop3A_457 = vector.shape_cast %parallel_loop3A_456 : vector<1x16xf32> to vector<1x16xf32>
        %parallel_loop3A_458 = arith.index_cast %parallel_loop3A_442 : i32 to index
        %parallel_loop3A_459 = arith.constant 16 : index
        %parallel_loop3A_460 = tpu.vector_load %arg14[%parallel_loop3A_458, %parallel_loop3A_459] {strides = array<i32>} : memref<40x128xf32, #tpu.memory_space<vmem>>, vector<1x16xf32>,
        %parallel_loop3A_461 = vector.shape_cast %parallel_loop3A_460 : vector<1x16xf32> to vector<1x16xf32>
        %parallel_loop3A_462 = vector.shape_cast %parallel_loop3A_457 : vector<1x16xf32> to vector<1x16xf32>
        tpu.vector_store %arg14[%parallel_loop3A_458, %parallel_loop3A_459], %parallel_loop3A_462 {add = true, strides = array<i32>} : memref<40x128xf32, #tpu.memory_space<vmem>>, vector<1x16xf32>,
        %parallel_loop3A_463 = arith.addi %rem3A_320, %parallel_loop3A_442 : i32
        %parallel_loop3A_464 = arith.index_cast %parallel_loop3A_463 : i32 to index
        %parallel_loop3A_465 = arith.constant 32 : index
        %parallel_loop3A_466 = tpu.vector_load %arg6[%parallel_loop3A_464, %parallel_loop3A_465] {strides = array<i32>} : memref<200x128xf32, #tpu.memory_space<vmem>>, vector<1x16xf32>,
        %parallel_loop3A_467 = vector.shape_cast %parallel_loop3A_466 : vector<1x16xf32> to vector<1x16xf32>
        %parallel_loop3A_468 = arith.index_cast %parallel_loop3A_442 : i32 to index
        %parallel_loop3A_469 = arith.constant 32 : index
        %parallel_loop3A_470 = tpu.vector_load %arg14[%parallel_loop3A_468, %parallel_loop3A_469] {strides = array<i32>} : memref<40x128xf32, #tpu.memory_space<vmem>>, vector<1x16xf32>,
        %parallel_loop3A_471 = vector.shape_cast %parallel_loop3A_470 : vector<1x16xf32> to vector<1x16xf32>
        %parallel_loop3A_472 = vector.shape_cast %parallel_loop3A_467 : vector<1x16xf32> to vector<1x16xf32>
        tpu.vector_store %arg14[%parallel_loop3A_468, %parallel_loop3A_469], %parallel_loop3A_472 {add = true, strides = array<i32>} : memref<40x128xf32, #tpu.memory_space<vmem>>, vector<1x16xf32>,
        %parallel_loop3A_473 = arith.addi %rem3A_320, %parallel_loop3A_442 : i32
        %parallel_loop3A_474 = arith.index_cast %parallel_loop3A_473 : i32 to index
        %parallel_loop3A_475 = arith.constant 48 : index
        %parallel_loop3A_476 = tpu.vector_load %arg6[%parallel_loop3A_474, %parallel_loop3A_475] {strides = array<i32>} : memref<200x128xf32, #tpu.memory_space<vmem>>, vector<1x16xf32>,
        %parallel_loop3A_477 = vector.shape_cast %parallel_loop3A_476 : vector<1x16xf32> to vector<1x16xf32>
        %parallel_loop3A_478 = arith.index_cast %parallel_loop3A_442 : i32 to index
        %parallel_loop3A_479 = arith.constant 48 : index
        %parallel_loop3A_480 = tpu.vector_load %arg14[%parallel_loop3A_478, %parallel_loop3A_479] {strides = array<i32>} : memref<40x128xf32, #tpu.memory_space<vmem>>, vector<1x16xf32>,
        %parallel_loop3A_481 = vector.shape_cast %parallel_loop3A_480 : vector<1x16xf32> to vector<1x16xf32>
        %parallel_loop3A_482 = vector.shape_cast %parallel_loop3A_477 : vector<1x16xf32> to vector<1x16xf32>
        tpu.vector_store %arg14[%parallel_loop3A_478, %parallel_loop3A_479], %parallel_loop3A_482 {add = true, strides = array<i32>} : memref<40x128xf32, #tpu.memory_space<vmem>>, vector<1x16xf32>,
        %parallel_loop3A_483 = arith.addi %rem3A_320, %parallel_loop3A_442 : i32
        %parallel_loop3A_484 = arith.index_cast %parallel_loop3A_483 : i32 to index
        %parallel_loop3A_485 = arith.constant 64 : index
        %parallel_loop3A_486 = tpu.vector_load %arg6[%parallel_loop3A_484, %parallel_loop3A_485] {strides = array<i32>} : memref<200x128xf32, #tpu.memory_space<vmem>>, vector<1x16xf32>,
        %parallel_loop3A_487 = vector.shape_cast %parallel_loop3A_486 : vector<1x16xf32> to vector<1x16xf32>
        %parallel_loop3A_488 = arith.index_cast %parallel_loop3A_442 : i32 to index
        %parallel_loop3A_489 = arith.constant 64 : index
        %parallel_loop3A_490 = tpu.vector_load %arg14[%parallel_loop3A_488, %parallel_loop3A_489] {strides = array<i32>} : memref<40x128xf32, #tpu.memory_space<vmem>>, vector<1x16xf32>,
        %parallel_loop3A_491 = vector.shape_cast %parallel_loop3A_490 : vector<1x16xf32> to vector<1x16xf32>
        %parallel_loop3A_492 = vector.shape_cast %parallel_loop3A_487 : vector<1x16xf32> to vector<1x16xf32>
        tpu.vector_store %arg14[%parallel_loop3A_488, %parallel_loop3A_489], %parallel_loop3A_492 {add = true, strides = array<i32>} : memref<40x128xf32, #tpu.memory_space<vmem>>, vector<1x16xf32>,
        %parallel_loop3A_493 = arith.addi %rem3A_320, %parallel_loop3A_442 : i32
        %parallel_loop3A_494 = arith.index_cast %parallel_loop3A_493 : i32 to index
        %parallel_loop3A_495 = arith.constant 80 : index
        %parallel_loop3A_496 = tpu.vector_load %arg6[%parallel_loop3A_494, %parallel_loop3A_495] {strides = array<i32>} : memref<200x128xf32, #tpu.memory_space<vmem>>, vector<1x16xf32>,
        %parallel_loop3A_497 = vector.shape_cast %parallel_loop3A_496 : vector<1x16xf32> to vector<1x16xf32>
        %parallel_loop3A_498 = arith.index_cast %parallel_loop3A_442 : i32 to index
        %parallel_loop3A_499 = arith.constant 80 : index
        %parallel_loop3A_500 = tpu.vector_load %arg14[%parallel_loop3A_498, %parallel_loop3A_499] {strides = array<i32>} : memref<40x128xf32, #tpu.memory_space<vmem>>, vector<1x16xf32>,
        %parallel_loop3A_501 = vector.shape_cast %parallel_loop3A_500 : vector<1x16xf32> to vector<1x16xf32>
        %parallel_loop3A_502 = vector.shape_cast %parallel_loop3A_497 : vector<1x16xf32> to vector<1x16xf32>
        tpu.vector_store %arg14[%parallel_loop3A_498, %parallel_loop3A_499], %parallel_loop3A_502 {add = true, strides = array<i32>} : memref<40x128xf32, #tpu.memory_space<vmem>>, vector<1x16xf32>,
        %parallel_loop3A_503 = arith.addi %rem3A_320, %parallel_loop3A_442 : i32
        %parallel_loop3A_504 = arith.index_cast %parallel_loop3A_503 : i32 to index
        %parallel_loop3A_505 = arith.constant 96 : index
        %parallel_loop3A_506 = tpu.vector_load %arg6[%parallel_loop3A_504, %parallel_loop3A_505] {strides = array<i32>} : memref<200x128xf32, #tpu.memory_space<vmem>>, vector<1x16xf32>,
        %parallel_loop3A_507 = vector.shape_cast %parallel_loop3A_506 : vector<1x16xf32> to vector<1x16xf32>
        %parallel_loop3A_508 = arith.index_cast %parallel_loop3A_442 : i32 to index
        %parallel_loop3A_509 = arith.constant 96 : index
        %parallel_loop3A_510 = tpu.vector_load %arg14[%parallel_loop3A_508, %parallel_loop3A_509] {strides = array<i32>} : memref<40x128xf32, #tpu.memory_space<vmem>>, vector<1x16xf32>,
        %parallel_loop3A_511 = vector.shape_cast %parallel_loop3A_510 : vector<1x16xf32> to vector<1x16xf32>
        %parallel_loop3A_512 = vector.shape_cast %parallel_loop3A_507 : vector<1x16xf32> to vector<1x16xf32>
        tpu.vector_store %arg14[%parallel_loop3A_508, %parallel_loop3A_509], %parallel_loop3A_512 {add = true, strides = array<i32>} : memref<40x128xf32, #tpu.memory_space<vmem>>, vector<1x16xf32>,
        %parallel_loop3A_513 = arith.addi %rem3A_320, %parallel_loop3A_442 : i32
        %parallel_loop3A_514 = arith.index_cast %parallel_loop3A_513 : i32 to index
        %parallel_loop3A_515 = arith.constant 112 : index
        %parallel_loop3A_516 = tpu.vector_load %arg6[%parallel_loop3A_514, %parallel_loop3A_515] {strides = array<i32>} : memref<200x128xf32, #tpu.memory_space<vmem>>, vector<1x16xf32>,
        %parallel_loop3A_517 = vector.shape_cast %parallel_loop3A_516 : vector<1x16xf32> to vector<1x16xf32>
        %parallel_loop3A_518 = arith.index_cast %parallel_loop3A_442 : i32 to index
        %parallel_loop3A_519 = arith.constant 112 : index
        %parallel_loop3A_520 = tpu.vector_load %arg14[%parallel_loop3A_518, %parallel_loop3A_519] {strides = array<i32>} : memref<40x128xf32, #tpu.memory_space<vmem>>, vector<1x16xf32>,
        %parallel_loop3A_521 = vector.shape_cast %parallel_loop3A_520 : vector<1x16xf32> to vector<1x16xf32>
        %parallel_loop3A_522 = vector.shape_cast %parallel_loop3A_517 : vector<1x16xf32> to vector<1x16xf32>
        tpu.vector_store %arg14[%parallel_loop3A_518, %parallel_loop3A_519], %parallel_loop3A_522 {add = true, strides = array<i32>} : memref<40x128xf32, #tpu.memory_space<vmem>>, vector<1x16xf32>,
      } {sc.loop_unroll_factor = 4 : i64, sc.parallel_access}
      %mul3A_324 = arith.constant 40 : i32
      %mul3A_325 = arith.muli %add3A_311, %mul3A_324 : i32
      %add3A_326 = arith.addi %mul3A_2, %mul3A_325 : i32
      %dma_start3A_327 = arith.constant 0 : i32
      %dma_start3A_328 = tpu.memref_slice %arg5[%add3A_326, %dma_start3A_327] : memref<204800x128xf32, #tpu.memory_space<hbm>> -> memref<40x128xf32, #tpu.memory_space<hbm>>
      %dma_start3A_329 = arith.constant 0 : i32
      %dma_start3A_330 = tpu.memref_slice %arg5[%add3A_326, %dma_start3A_329] : memref<204800x128xf32, #tpu.memory_space<hbm>> -> memref<40x128xf32, #tpu.memory_space<hbm>>
      tpu.enqueue_dma source(%arg14 : memref<40x128xf32, #tpu.memory_space<vmem>>) target(%dma_start3A_330 : memref<40x128xf32, #tpu.memory_space<hbm>>) target_semaphore(%arg34 : memref<!tpu.dma_semaphore, #tpu.memory_space<semaphore_mem>>)
      %sub3A_331 = arith.constant 1 : i32
      %sub3A_332 = arith.subi %add3A_311, %sub3A_331 : i32
      %ge3A_333 = arith.constant 0 : i32
      %ge3A_334 = arith.cmpi sge, %sub3A_332, %ge3A_333 : i32
      %add3A_335 = arith.constant 10 : i32
      %add3A_336 = arith.addi %sub3A_332, %add3A_335 : i32
      %lt3A_337 = arith.constant 160 : i32
      %lt3A_338 = arith.cmpi slt, %add3A_336, %lt3A_337 : i32
      %and3A_339 = arith.andi %ge3A_334, %lt3A_338 : i1
      %convert_element_type3A_340 = arith.extui %and3A_339 : i1 to i32
      %cond3A_341 = arith.constant 0 : i32
      %cond3A_342 = arith.cmpi ne, %convert_element_type3A_340, %cond3A_341 : i32
      scf.if %cond3A_342 {
        %dma_wait3A_442 = arith.constant 0 : i32
        %dma_wait3A_443 = arith.constant 0 : i32
        %dma_wait3A_444 = tpu.memref_slice %arg5[%dma_wait3A_442, %dma_wait3A_443] : memref<204800x128xf32, #tpu.memory_space<hbm>> -> memref<40x128xf32, #tpu.memory_space<hbm>>
        %dma_wait3A_445 = arith.constant 0 : i32
        %dma_wait3A_446 = arith.constant 0 : i32
        %dma_wait3A_447 = tpu.memref_slice %arg5[%dma_wait3A_445, %dma_wait3A_446] : memref<204800x128xf32, #tpu.memory_space<hbm>> -> memref<40x128xf32, #tpu.memory_space<hbm>>
        tpu.wait_dma2 semaphore(%arg33 : memref<!tpu.dma_semaphore, #tpu.memory_space<semaphore_mem>>) src(%arg13 : memref<40x128xf32, #tpu.memory_space<vmem>>) dst(%dma_wait3A_447 : memref<40x128xf32, #tpu.memory_space<hbm>>)
        %add3A_448 = arith.constant 10 : i32
        %add3A_449 = arith.addi %sub3A_332, %add3A_448 : i32
        %mul3A_450 = arith.constant 40 : i32
        %mul3A_451 = arith.muli %add3A_449, %mul3A_450 : i32
        %dma_start3A_452 = tpu.memref_slice %arg7[%mul3A_451] : memref<6400xi32, #tpu.memory_space<vmem>> -> memref<40xi32, #tpu.memory_space<vmem>>
        %dma_start3A_453 = arith.constant 0 : i32
        %dma_start3A_454 = arith.constant 0 : i32
        %dma_start3A_455 = tpu.memref_slice %arg2[%dma_start3A_453, %dma_start3A_454] : memref<100000x128xf32, #tpu.memory_space<hbm>> -> memref<100000x128xf32, #tpu.memory_space<hbm>>
        tpu.enqueue_indirect_dma source(%dma_start3A_455 : memref<100000x128xf32, #tpu.memory_space<hbm>>) target(%arg13 : memref<40x128xf32, #tpu.memory_space<vmem>>) offsets(%dma_start3A_452 : memref<40xi32, #tpu.memory_space<vmem>>) semaphore(%arg23 : memref<!tpu.dma_semaphore, #tpu.memory_space<semaphore_mem>>)
      } else {
      }
      %add3A_343 = arith.constant 7 : i32
      %add3A_344 = arith.addi %add3A_119, %add3A_343 : i32
      %dma_wait3A_345 = arith.constant 0 : i32
      %dma_wait3A_346 = tpu.memref_slice %arg7[%dma_wait3A_345] : memref<6400xi32, #tpu.memory_space<vmem>> -> memref<40xi32, #tpu.memory_space<vmem>>
      %dma_wait3A_347 = arith.constant 0 : i32
      %dma_wait3A_348 = arith.constant 0 : i32
      %dma_wait3A_349 = tpu.memref_slice %arg2[%dma_wait3A_347, %dma_wait3A_348] : memref<100000x128xf32, #tpu.memory_space<hbm>> -> memref<100000x128xf32, #tpu.memory_space<hbm>>
      tpu.wait_indirect_dma semaphore(%arg25 : memref<!tpu.dma_semaphore, #tpu.memory_space<semaphore_mem>>) src(%dma_wait3A_349 : memref<100000x128xf32, #tpu.memory_space<hbm>>) dst(%arg15 : memref<40x128xf32, #tpu.memory_space<vmem>>)
      %mul3A_350 = arith.constant 40 : i32
      %mul3A_351 = arith.muli %add3A_344, %mul3A_350 : i32
      %rem3A_352 = arith.constant 200 : i32
      %rem3A_353 = arith.remsi %mul3A_351, %rem3A_352 : i32
      %parallel_loop3A_354 = arith.constant 0 : i32
      %parallel_loop3A_355 = arith.constant 40 : i32
      %parallel_loop3A_356 = arith.constant 1 : i32
      scf.for %parallel_loop3A_442 = %parallel_loop3A_354 to %parallel_loop3A_355 step %parallel_loop3A_356  : i32 {
        %parallel_loop3A_443 = arith.addi %rem3A_353, %parallel_loop3A_442 : i32
        %parallel_loop3A_444 = arith.index_cast %parallel_loop3A_443 : i32 to index
        %parallel_loop3A_445 = arith.constant 0 : index
        %parallel_loop3A_446 = tpu.vector_load %arg6[%parallel_loop3A_444, %parallel_loop3A_445] {strides = array<i32>} : memref<200x128xf32, #tpu.memory_space<vmem>>, vector<1x16xf32>,
        %parallel_loop3A_447 = vector.shape_cast %parallel_loop3A_446 : vector<1x16xf32> to vector<1x16xf32>
        %parallel_loop3A_448 = arith.index_cast %parallel_loop3A_442 : i32 to index
        %parallel_loop3A_449 = arith.constant 0 : index
        %parallel_loop3A_450 = tpu.vector_load %arg15[%parallel_loop3A_448, %parallel_loop3A_449] {strides = array<i32>} : memref<40x128xf32, #tpu.memory_space<vmem>>, vector<1x16xf32>,
        %parallel_loop3A_451 = vector.shape_cast %parallel_loop3A_450 : vector<1x16xf32> to vector<1x16xf32>
        %parallel_loop3A_452 = vector.shape_cast %parallel_loop3A_447 : vector<1x16xf32> to vector<1x16xf32>
        tpu.vector_store %arg15[%parallel_loop3A_448, %parallel_loop3A_449], %parallel_loop3A_452 {add = true, strides = array<i32>} : memref<40x128xf32, #tpu.memory_space<vmem>>, vector<1x16xf32>,
        %parallel_loop3A_453 = arith.addi %rem3A_353, %parallel_loop3A_442 : i32
        %parallel_loop3A_454 = arith.index_cast %parallel_loop3A_453 : i32 to index
        %parallel_loop3A_455 = arith.constant 16 : index
        %parallel_loop3A_456 = tpu.vector_load %arg6[%parallel_loop3A_454, %parallel_loop3A_455] {strides = array<i32>} : memref<200x128xf32, #tpu.memory_space<vmem>>, vector<1x16xf32>,
        %parallel_loop3A_457 = vector.shape_cast %parallel_loop3A_456 : vector<1x16xf32> to vector<1x16xf32>
        %parallel_loop3A_458 = arith.index_cast %parallel_loop3A_442 : i32 to index
        %parallel_loop3A_459 = arith.constant 16 : index
        %parallel_loop3A_460 = tpu.vector_load %arg15[%parallel_loop3A_458, %parallel_loop3A_459] {strides = array<i32>} : memref<40x128xf32, #tpu.memory_space<vmem>>, vector<1x16xf32>,
        %parallel_loop3A_461 = vector.shape_cast %parallel_loop3A_460 : vector<1x16xf32> to vector<1x16xf32>
        %parallel_loop3A_462 = vector.shape_cast %parallel_loop3A_457 : vector<1x16xf32> to vector<1x16xf32>
        tpu.vector_store %arg15[%parallel_loop3A_458, %parallel_loop3A_459], %parallel_loop3A_462 {add = true, strides = array<i32>} : memref<40x128xf32, #tpu.memory_space<vmem>>, vector<1x16xf32>,
        %parallel_loop3A_463 = arith.addi %rem3A_353, %parallel_loop3A_442 : i32
        %parallel_loop3A_464 = arith.index_cast %parallel_loop3A_463 : i32 to index
        %parallel_loop3A_465 = arith.constant 32 : index
        %parallel_loop3A_466 = tpu.vector_load %arg6[%parallel_loop3A_464, %parallel_loop3A_465] {strides = array<i32>} : memref<200x128xf32, #tpu.memory_space<vmem>>, vector<1x16xf32>,
        %parallel_loop3A_467 = vector.shape_cast %parallel_loop3A_466 : vector<1x16xf32> to vector<1x16xf32>
        %parallel_loop3A_468 = arith.index_cast %parallel_loop3A_442 : i32 to index
        %parallel_loop3A_469 = arith.constant 32 : index
        %parallel_loop3A_470 = tpu.vector_load %arg15[%parallel_loop3A_468, %parallel_loop3A_469] {strides = array<i32>} : memref<40x128xf32, #tpu.memory_space<vmem>>, vector<1x16xf32>,
        %parallel_loop3A_471 = vector.shape_cast %parallel_loop3A_470 : vector<1x16xf32> to vector<1x16xf32>
        %parallel_loop3A_472 = vector.shape_cast %parallel_loop3A_467 : vector<1x16xf32> to vector<1x16xf32>
        tpu.vector_store %arg15[%parallel_loop3A_468, %parallel_loop3A_469], %parallel_loop3A_472 {add = true, strides = array<i32>} : memref<40x128xf32, #tpu.memory_space<vmem>>, vector<1x16xf32>,
        %parallel_loop3A_473 = arith.addi %rem3A_353, %parallel_loop3A_442 : i32
        %parallel_loop3A_474 = arith.index_cast %parallel_loop3A_473 : i32 to index
        %parallel_loop3A_475 = arith.constant 48 : index
        %parallel_loop3A_476 = tpu.vector_load %arg6[%parallel_loop3A_474, %parallel_loop3A_475] {strides = array<i32>} : memref<200x128xf32, #tpu.memory_space<vmem>>, vector<1x16xf32>,
        %parallel_loop3A_477 = vector.shape_cast %parallel_loop3A_476 : vector<1x16xf32> to vector<1x16xf32>
        %parallel_loop3A_478 = arith.index_cast %parallel_loop3A_442 : i32 to index
        %parallel_loop3A_479 = arith.constant 48 : index
        %parallel_loop3A_480 = tpu.vector_load %arg15[%parallel_loop3A_478, %parallel_loop3A_479] {strides = array<i32>} : memref<40x128xf32, #tpu.memory_space<vmem>>, vector<1x16xf32>,
        %parallel_loop3A_481 = vector.shape_cast %parallel_loop3A_480 : vector<1x16xf32> to vector<1x16xf32>
        %parallel_loop3A_482 = vector.shape_cast %parallel_loop3A_477 : vector<1x16xf32> to vector<1x16xf32>
        tpu.vector_store %arg15[%parallel_loop3A_478, %parallel_loop3A_479], %parallel_loop3A_482 {add = true, strides = array<i32>} : memref<40x128xf32, #tpu.memory_space<vmem>>, vector<1x16xf32>,
        %parallel_loop3A_483 = arith.addi %rem3A_353, %parallel_loop3A_442 : i32
        %parallel_loop3A_484 = arith.index_cast %parallel_loop3A_483 : i32 to index
        %parallel_loop3A_485 = arith.constant 64 : index
        %parallel_loop3A_486 = tpu.vector_load %arg6[%parallel_loop3A_484, %parallel_loop3A_485] {strides = array<i32>} : memref<200x128xf32, #tpu.memory_space<vmem>>, vector<1x16xf32>,
        %parallel_loop3A_487 = vector.shape_cast %parallel_loop3A_486 : vector<1x16xf32> to vector<1x16xf32>
        %parallel_loop3A_488 = arith.index_cast %parallel_loop3A_442 : i32 to index
        %parallel_loop3A_489 = arith.constant 64 : index
        %parallel_loop3A_490 = tpu.vector_load %arg15[%parallel_loop3A_488, %parallel_loop3A_489] {strides = array<i32>} : memref<40x128xf32, #tpu.memory_space<vmem>>, vector<1x16xf32>,
        %parallel_loop3A_491 = vector.shape_cast %parallel_loop3A_490 : vector<1x16xf32> to vector<1x16xf32>
        %parallel_loop3A_492 = vector.shape_cast %parallel_loop3A_487 : vector<1x16xf32> to vector<1x16xf32>
        tpu.vector_store %arg15[%parallel_loop3A_488, %parallel_loop3A_489], %parallel_loop3A_492 {add = true, strides = array<i32>} : memref<40x128xf32, #tpu.memory_space<vmem>>, vector<1x16xf32>,
        %parallel_loop3A_493 = arith.addi %rem3A_353, %parallel_loop3A_442 : i32
        %parallel_loop3A_494 = arith.index_cast %parallel_loop3A_493 : i32 to index
        %parallel_loop3A_495 = arith.constant 80 : index
        %parallel_loop3A_496 = tpu.vector_load %arg6[%parallel_loop3A_494, %parallel_loop3A_495] {strides = array<i32>} : memref<200x128xf32, #tpu.memory_space<vmem>>, vector<1x16xf32>,
        %parallel_loop3A_497 = vector.shape_cast %parallel_loop3A_496 : vector<1x16xf32> to vector<1x16xf32>
        %parallel_loop3A_498 = arith.index_cast %parallel_loop3A_442 : i32 to index
        %parallel_loop3A_499 = arith.constant 80 : index
        %parallel_loop3A_500 = tpu.vector_load %arg15[%parallel_loop3A_498, %parallel_loop3A_499] {strides = array<i32>} : memref<40x128xf32, #tpu.memory_space<vmem>>, vector<1x16xf32>,
        %parallel_loop3A_501 = vector.shape_cast %parallel_loop3A_500 : vector<1x16xf32> to vector<1x16xf32>
        %parallel_loop3A_502 = vector.shape_cast %parallel_loop3A_497 : vector<1x16xf32> to vector<1x16xf32>
        tpu.vector_store %arg15[%parallel_loop3A_498, %parallel_loop3A_499], %parallel_loop3A_502 {add = true, strides = array<i32>} : memref<40x128xf32, #tpu.memory_space<vmem>>, vector<1x16xf32>,
        %parallel_loop3A_503 = arith.addi %rem3A_353, %parallel_loop3A_442 : i32
        %parallel_loop3A_504 = arith.index_cast %parallel_loop3A_503 : i32 to index
        %parallel_loop3A_505 = arith.constant 96 : index
        %parallel_loop3A_506 = tpu.vector_load %arg6[%parallel_loop3A_504, %parallel_loop3A_505] {strides = array<i32>} : memref<200x128xf32, #tpu.memory_space<vmem>>, vector<1x16xf32>,
        %parallel_loop3A_507 = vector.shape_cast %parallel_loop3A_506 : vector<1x16xf32> to vector<1x16xf32>
        %parallel_loop3A_508 = arith.index_cast %parallel_loop3A_442 : i32 to index
        %parallel_loop3A_509 = arith.constant 96 : index
        %parallel_loop3A_510 = tpu.vector_load %arg15[%parallel_loop3A_508, %parallel_loop3A_509] {strides = array<i32>} : memref<40x128xf32, #tpu.memory_space<vmem>>, vector<1x16xf32>,
        %parallel_loop3A_511 = vector.shape_cast %parallel_loop3A_510 : vector<1x16xf32> to vector<1x16xf32>
        %parallel_loop3A_512 = vector.shape_cast %parallel_loop3A_507 : vector<1x16xf32> to vector<1x16xf32>
        tpu.vector_store %arg15[%parallel_loop3A_508, %parallel_loop3A_509], %parallel_loop3A_512 {add = true, strides = array<i32>} : memref<40x128xf32, #tpu.memory_space<vmem>>, vector<1x16xf32>,
        %parallel_loop3A_513 = arith.addi %rem3A_353, %parallel_loop3A_442 : i32
        %parallel_loop3A_514 = arith.index_cast %parallel_loop3A_513 : i32 to index
        %parallel_loop3A_515 = arith.constant 112 : index
        %parallel_loop3A_516 = tpu.vector_load %arg6[%parallel_loop3A_514, %parallel_loop3A_515] {strides = array<i32>} : memref<200x128xf32, #tpu.memory_space<vmem>>, vector<1x16xf32>,
        %parallel_loop3A_517 = vector.shape_cast %parallel_loop3A_516 : vector<1x16xf32> to vector<1x16xf32>
        %parallel_loop3A_518 = arith.index_cast %parallel_loop3A_442 : i32 to index
        %parallel_loop3A_519 = arith.constant 112 : index
        %parallel_loop3A_520 = tpu.vector_load %arg15[%parallel_loop3A_518, %parallel_loop3A_519] {strides = array<i32>} : memref<40x128xf32, #tpu.memory_space<vmem>>, vector<1x16xf32>,
        %parallel_loop3A_521 = vector.shape_cast %parallel_loop3A_520 : vector<1x16xf32> to vector<1x16xf32>
        %parallel_loop3A_522 = vector.shape_cast %parallel_loop3A_517 : vector<1x16xf32> to vector<1x16xf32>
        tpu.vector_store %arg15[%parallel_loop3A_518, %parallel_loop3A_519], %parallel_loop3A_522 {add = true, strides = array<i32>} : memref<40x128xf32, #tpu.memory_space<vmem>>, vector<1x16xf32>,
      } {sc.loop_unroll_factor = 4 : i64, sc.parallel_access}
      %mul3A_357 = arith.constant 40 : i32
      %mul3A_358 = arith.muli %add3A_344, %mul3A_357 : i32
      %add3A_359 = arith.addi %mul3A_2, %mul3A_358 : i32
      %dma_start3A_360 = arith.constant 0 : i32
      %dma_start3A_361 = tpu.memref_slice %arg5[%add3A_359, %dma_start3A_360] : memref<204800x128xf32, #tpu.memory_space<hbm>> -> memref<40x128xf32, #tpu.memory_space<hbm>>
      %dma_start3A_362 = arith.constant 0 : i32
      %dma_start3A_363 = tpu.memref_slice %arg5[%add3A_359, %dma_start3A_362] : memref<204800x128xf32, #tpu.memory_space<hbm>> -> memref<40x128xf32, #tpu.memory_space<hbm>>
      tpu.enqueue_dma source(%arg15 : memref<40x128xf32, #tpu.memory_space<vmem>>) target(%dma_start3A_363 : memref<40x128xf32, #tpu.memory_space<hbm>>) target_semaphore(%arg35 : memref<!tpu.dma_semaphore, #tpu.memory_space<semaphore_mem>>)
      %sub3A_364 = arith.constant 1 : i32
      %sub3A_365 = arith.subi %add3A_344, %sub3A_364 : i32
      %ge3A_366 = arith.constant 0 : i32
      %ge3A_367 = arith.cmpi sge, %sub3A_365, %ge3A_366 : i32
      %add3A_368 = arith.constant 10 : i32
      %add3A_369 = arith.addi %sub3A_365, %add3A_368 : i32
      %lt3A_370 = arith.constant 160 : i32
      %lt3A_371 = arith.cmpi slt, %add3A_369, %lt3A_370 : i32
      %and3A_372 = arith.andi %ge3A_367, %lt3A_371 : i1
      %convert_element_type3A_373 = arith.extui %and3A_372 : i1 to i32
      %cond3A_374 = arith.constant 0 : i32
      %cond3A_375 = arith.cmpi ne, %convert_element_type3A_373, %cond3A_374 : i32
      scf.if %cond3A_375 {
        %dma_wait3A_442 = arith.constant 0 : i32
        %dma_wait3A_443 = arith.constant 0 : i32
        %dma_wait3A_444 = tpu.memref_slice %arg5[%dma_wait3A_442, %dma_wait3A_443] : memref<204800x128xf32, #tpu.memory_space<hbm>> -> memref<40x128xf32, #tpu.memory_space<hbm>>
        %dma_wait3A_445 = arith.constant 0 : i32
        %dma_wait3A_446 = arith.constant 0 : i32
        %dma_wait3A_447 = tpu.memref_slice %arg5[%dma_wait3A_445, %dma_wait3A_446] : memref<204800x128xf32, #tpu.memory_space<hbm>> -> memref<40x128xf32, #tpu.memory_space<hbm>>
        tpu.wait_dma2 semaphore(%arg34 : memref<!tpu.dma_semaphore, #tpu.memory_space<semaphore_mem>>) src(%arg14 : memref<40x128xf32, #tpu.memory_space<vmem>>) dst(%dma_wait3A_447 : memref<40x128xf32, #tpu.memory_space<hbm>>)
        %add3A_448 = arith.constant 10 : i32
        %add3A_449 = arith.addi %sub3A_365, %add3A_448 : i32
        %mul3A_450 = arith.constant 40 : i32
        %mul3A_451 = arith.muli %add3A_449, %mul3A_450 : i32
        %dma_start3A_452 = tpu.memref_slice %arg7[%mul3A_451] : memref<6400xi32, #tpu.memory_space<vmem>> -> memref<40xi32, #tpu.memory_space<vmem>>
        %dma_start3A_453 = arith.constant 0 : i32
        %dma_start3A_454 = arith.constant 0 : i32
        %dma_start3A_455 = tpu.memref_slice %arg2[%dma_start3A_453, %dma_start3A_454] : memref<100000x128xf32, #tpu.memory_space<hbm>> -> memref<100000x128xf32, #tpu.memory_space<hbm>>
        tpu.enqueue_indirect_dma source(%dma_start3A_455 : memref<100000x128xf32, #tpu.memory_space<hbm>>) target(%arg14 : memref<40x128xf32, #tpu.memory_space<vmem>>) offsets(%dma_start3A_452 : memref<40xi32, #tpu.memory_space<vmem>>) semaphore(%arg24 : memref<!tpu.dma_semaphore, #tpu.memory_space<semaphore_mem>>)
      } else {
      }
      %add3A_376 = arith.constant 8 : i32
      %add3A_377 = arith.addi %add3A_119, %add3A_376 : i32
      %dma_wait3A_378 = arith.constant 0 : i32
      %dma_wait3A_379 = tpu.memref_slice %arg7[%dma_wait3A_378] : memref<6400xi32, #tpu.memory_space<vmem>> -> memref<40xi32, #tpu.memory_space<vmem>>
      %dma_wait3A_380 = arith.constant 0 : i32
      %dma_wait3A_381 = arith.constant 0 : i32
      %dma_wait3A_382 = tpu.memref_slice %arg2[%dma_wait3A_380, %dma_wait3A_381] : memref<100000x128xf32, #tpu.memory_space<hbm>> -> memref<100000x128xf32, #tpu.memory_space<hbm>>
      tpu.wait_indirect_dma semaphore(%arg26 : memref<!tpu.dma_semaphore, #tpu.memory_space<semaphore_mem>>) src(%dma_wait3A_382 : memref<100000x128xf32, #tpu.memory_space<hbm>>) dst(%arg16 : memref<40x128xf32, #tpu.memory_space<vmem>>)
      %mul3A_383 = arith.constant 40 : i32
      %mul3A_384 = arith.muli %add3A_377, %mul3A_383 : i32
      %rem3A_385 = arith.constant 200 : i32
      %rem3A_386 = arith.remsi %mul3A_384, %rem3A_385 : i32
      %parallel_loop3A_387 = arith.constant 0 : i32
      %parallel_loop3A_388 = arith.constant 40 : i32
      %parallel_loop3A_389 = arith.constant 1 : i32
      scf.for %parallel_loop3A_442 = %parallel_loop3A_387 to %parallel_loop3A_388 step %parallel_loop3A_389  : i32 {
        %parallel_loop3A_443 = arith.addi %rem3A_386, %parallel_loop3A_442 : i32
        %parallel_loop3A_444 = arith.index_cast %parallel_loop3A_443 : i32 to index
        %parallel_loop3A_445 = arith.constant 0 : index
        %parallel_loop3A_446 = tpu.vector_load %arg6[%parallel_loop3A_444, %parallel_loop3A_445] {strides = array<i32>} : memref<200x128xf32, #tpu.memory_space<vmem>>, vector<1x16xf32>,
        %parallel_loop3A_447 = vector.shape_cast %parallel_loop3A_446 : vector<1x16xf32> to vector<1x16xf32>
        %parallel_loop3A_448 = arith.index_cast %parallel_loop3A_442 : i32 to index
        %parallel_loop3A_449 = arith.constant 0 : index
        %parallel_loop3A_450 = tpu.vector_load %arg16[%parallel_loop3A_448, %parallel_loop3A_449] {strides = array<i32>} : memref<40x128xf32, #tpu.memory_space<vmem>>, vector<1x16xf32>,
        %parallel_loop3A_451 = vector.shape_cast %parallel_loop3A_450 : vector<1x16xf32> to vector<1x16xf32>
        %parallel_loop3A_452 = vector.shape_cast %parallel_loop3A_447 : vector<1x16xf32> to vector<1x16xf32>
        tpu.vector_store %arg16[%parallel_loop3A_448, %parallel_loop3A_449], %parallel_loop3A_452 {add = true, strides = array<i32>} : memref<40x128xf32, #tpu.memory_space<vmem>>, vector<1x16xf32>,
        %parallel_loop3A_453 = arith.addi %rem3A_386, %parallel_loop3A_442 : i32
        %parallel_loop3A_454 = arith.index_cast %parallel_loop3A_453 : i32 to index
        %parallel_loop3A_455 = arith.constant 16 : index
        %parallel_loop3A_456 = tpu.vector_load %arg6[%parallel_loop3A_454, %parallel_loop3A_455] {strides = array<i32>} : memref<200x128xf32, #tpu.memory_space<vmem>>, vector<1x16xf32>,
        %parallel_loop3A_457 = vector.shape_cast %parallel_loop3A_456 : vector<1x16xf32> to vector<1x16xf32>
        %parallel_loop3A_458 = arith.index_cast %parallel_loop3A_442 : i32 to index
        %parallel_loop3A_459 = arith.constant 16 : index
        %parallel_loop3A_460 = tpu.vector_load %arg16[%parallel_loop3A_458, %parallel_loop3A_459] {strides = array<i32>} : memref<40x128xf32, #tpu.memory_space<vmem>>, vector<1x16xf32>,
        %parallel_loop3A_461 = vector.shape_cast %parallel_loop3A_460 : vector<1x16xf32> to vector<1x16xf32>
        %parallel_loop3A_462 = vector.shape_cast %parallel_loop3A_457 : vector<1x16xf32> to vector<1x16xf32>
        tpu.vector_store %arg16[%parallel_loop3A_458, %parallel_loop3A_459], %parallel_loop3A_462 {add = true, strides = array<i32>} : memref<40x128xf32, #tpu.memory_space<vmem>>, vector<1x16xf32>,
        %parallel_loop3A_463 = arith.addi %rem3A_386, %parallel_loop3A_442 : i32
        %parallel_loop3A_464 = arith.index_cast %parallel_loop3A_463 : i32 to index
        %parallel_loop3A_465 = arith.constant 32 : index
        %parallel_loop3A_466 = tpu.vector_load %arg6[%parallel_loop3A_464, %parallel_loop3A_465] {strides = array<i32>} : memref<200x128xf32, #tpu.memory_space<vmem>>, vector<1x16xf32>,
        %parallel_loop3A_467 = vector.shape_cast %parallel_loop3A_466 : vector<1x16xf32> to vector<1x16xf32>
        %parallel_loop3A_468 = arith.index_cast %parallel_loop3A_442 : i32 to index
        %parallel_loop3A_469 = arith.constant 32 : index
        %parallel_loop3A_470 = tpu.vector_load %arg16[%parallel_loop3A_468, %parallel_loop3A_469] {strides = array<i32>} : memref<40x128xf32, #tpu.memory_space<vmem>>, vector<1x16xf32>,
        %parallel_loop3A_471 = vector.shape_cast %parallel_loop3A_470 : vector<1x16xf32> to vector<1x16xf32>
        %parallel_loop3A_472 = vector.shape_cast %parallel_loop3A_467 : vector<1x16xf32> to vector<1x16xf32>
        tpu.vector_store %arg16[%parallel_loop3A_468, %parallel_loop3A_469], %parallel_loop3A_472 {add = true, strides = array<i32>} : memref<40x128xf32, #tpu.memory_space<vmem>>, vector<1x16xf32>,
        %parallel_loop3A_473 = arith.addi %rem3A_386, %parallel_loop3A_442 : i32
        %parallel_loop3A_474 = arith.index_cast %parallel_loop3A_473 : i32 to index
        %parallel_loop3A_475 = arith.constant 48 : index
        %parallel_loop3A_476 = tpu.vector_load %arg6[%parallel_loop3A_474, %parallel_loop3A_475] {strides = array<i32>} : memref<200x128xf32, #tpu.memory_space<vmem>>, vector<1x16xf32>,
        %parallel_loop3A_477 = vector.shape_cast %parallel_loop3A_476 : vector<1x16xf32> to vector<1x16xf32>
        %parallel_loop3A_478 = arith.index_cast %parallel_loop3A_442 : i32 to index
        %parallel_loop3A_479 = arith.constant 48 : index
        %parallel_loop3A_480 = tpu.vector_load %arg16[%parallel_loop3A_478, %parallel_loop3A_479] {strides = array<i32>} : memref<40x128xf32, #tpu.memory_space<vmem>>, vector<1x16xf32>,
        %parallel_loop3A_481 = vector.shape_cast %parallel_loop3A_480 : vector<1x16xf32> to vector<1x16xf32>
        %parallel_loop3A_482 = vector.shape_cast %parallel_loop3A_477 : vector<1x16xf32> to vector<1x16xf32>
        tpu.vector_store %arg16[%parallel_loop3A_478, %parallel_loop3A_479], %parallel_loop3A_482 {add = true, strides = array<i32>} : memref<40x128xf32, #tpu.memory_space<vmem>>, vector<1x16xf32>,
        %parallel_loop3A_483 = arith.addi %rem3A_386, %parallel_loop3A_442 : i32
        %parallel_loop3A_484 = arith.index_cast %parallel_loop3A_483 : i32 to index
        %parallel_loop3A_485 = arith.constant 64 : index
        %parallel_loop3A_486 = tpu.vector_load %arg6[%parallel_loop3A_484, %parallel_loop3A_485] {strides = array<i32>} : memref<200x128xf32, #tpu.memory_space<vmem>>, vector<1x16xf32>,
        %parallel_loop3A_487 = vector.shape_cast %parallel_loop3A_486 : vector<1x16xf32> to vector<1x16xf32>
        %parallel_loop3A_488 = arith.index_cast %parallel_loop3A_442 : i32 to index
        %parallel_loop3A_489 = arith.constant 64 : index
        %parallel_loop3A_490 = tpu.vector_load %arg16[%parallel_loop3A_488, %parallel_loop3A_489] {strides = array<i32>} : memref<40x128xf32, #tpu.memory_space<vmem>>, vector<1x16xf32>,
        %parallel_loop3A_491 = vector.shape_cast %parallel_loop3A_490 : vector<1x16xf32> to vector<1x16xf32>
        %parallel_loop3A_492 = vector.shape_cast %parallel_loop3A_487 : vector<1x16xf32> to vector<1x16xf32>
        tpu.vector_store %arg16[%parallel_loop3A_488, %parallel_loop3A_489], %parallel_loop3A_492 {add = true, strides = array<i32>} : memref<40x128xf32, #tpu.memory_space<vmem>>, vector<1x16xf32>,
        %parallel_loop3A_493 = arith.addi %rem3A_386, %parallel_loop3A_442 : i32
        %parallel_loop3A_494 = arith.index_cast %parallel_loop3A_493 : i32 to index
        %parallel_loop3A_495 = arith.constant 80 : index
        %parallel_loop3A_496 = tpu.vector_load %arg6[%parallel_loop3A_494, %parallel_loop3A_495] {strides = array<i32>} : memref<200x128xf32, #tpu.memory_space<vmem>>, vector<1x16xf32>,
        %parallel_loop3A_497 = vector.shape_cast %parallel_loop3A_496 : vector<1x16xf32> to vector<1x16xf32>
        %parallel_loop3A_498 = arith.index_cast %parallel_loop3A_442 : i32 to index
        %parallel_loop3A_499 = arith.constant 80 : index
        %parallel_loop3A_500 = tpu.vector_load %arg16[%parallel_loop3A_498, %parallel_loop3A_499] {strides = array<i32>} : memref<40x128xf32, #tpu.memory_space<vmem>>, vector<1x16xf32>,
        %parallel_loop3A_501 = vector.shape_cast %parallel_loop3A_500 : vector<1x16xf32> to vector<1x16xf32>
        %parallel_loop3A_502 = vector.shape_cast %parallel_loop3A_497 : vector<1x16xf32> to vector<1x16xf32>
        tpu.vector_store %arg16[%parallel_loop3A_498, %parallel_loop3A_499], %parallel_loop3A_502 {add = true, strides = array<i32>} : memref<40x128xf32, #tpu.memory_space<vmem>>, vector<1x16xf32>,
        %parallel_loop3A_503 = arith.addi %rem3A_386, %parallel_loop3A_442 : i32
        %parallel_loop3A_504 = arith.index_cast %parallel_loop3A_503 : i32 to index
        %parallel_loop3A_505 = arith.constant 96 : index
        %parallel_loop3A_506 = tpu.vector_load %arg6[%parallel_loop3A_504, %parallel_loop3A_505] {strides = array<i32>} : memref<200x128xf32, #tpu.memory_space<vmem>>, vector<1x16xf32>,
        %parallel_loop3A_507 = vector.shape_cast %parallel_loop3A_506 : vector<1x16xf32> to vector<1x16xf32>
        %parallel_loop3A_508 = arith.index_cast %parallel_loop3A_442 : i32 to index
        %parallel_loop3A_509 = arith.constant 96 : index
        %parallel_loop3A_510 = tpu.vector_load %arg16[%parallel_loop3A_508, %parallel_loop3A_509] {strides = array<i32>} : memref<40x128xf32, #tpu.memory_space<vmem>>, vector<1x16xf32>,
        %parallel_loop3A_511 = vector.shape_cast %parallel_loop3A_510 : vector<1x16xf32> to vector<1x16xf32>
        %parallel_loop3A_512 = vector.shape_cast %parallel_loop3A_507 : vector<1x16xf32> to vector<1x16xf32>
        tpu.vector_store %arg16[%parallel_loop3A_508, %parallel_loop3A_509], %parallel_loop3A_512 {add = true, strides = array<i32>} : memref<40x128xf32, #tpu.memory_space<vmem>>, vector<1x16xf32>,
        %parallel_loop3A_513 = arith.addi %rem3A_386, %parallel_loop3A_442 : i32
        %parallel_loop3A_514 = arith.index_cast %parallel_loop3A_513 : i32 to index
        %parallel_loop3A_515 = arith.constant 112 : index
        %parallel_loop3A_516 = tpu.vector_load %arg6[%parallel_loop3A_514, %parallel_loop3A_515] {strides = array<i32>} : memref<200x128xf32, #tpu.memory_space<vmem>>, vector<1x16xf32>,
        %parallel_loop3A_517 = vector.shape_cast %parallel_loop3A_516 : vector<1x16xf32> to vector<1x16xf32>
        %parallel_loop3A_518 = arith.index_cast %parallel_loop3A_442 : i32 to index
        %parallel_loop3A_519 = arith.constant 112 : index
        %parallel_loop3A_520 = tpu.vector_load %arg16[%parallel_loop3A_518, %parallel_loop3A_519] {strides = array<i32>} : memref<40x128xf32, #tpu.memory_space<vmem>>, vector<1x16xf32>,
        %parallel_loop3A_521 = vector.shape_cast %parallel_loop3A_520 : vector<1x16xf32> to vector<1x16xf32>
        %parallel_loop3A_522 = vector.shape_cast %parallel_loop3A_517 : vector<1x16xf32> to vector<1x16xf32>
        tpu.vector_store %arg16[%parallel_loop3A_518, %parallel_loop3A_519], %parallel_loop3A_522 {add = true, strides = array<i32>} : memref<40x128xf32, #tpu.memory_space<vmem>>, vector<1x16xf32>,
      } {sc.loop_unroll_factor = 4 : i64, sc.parallel_access}
      %mul3A_390 = arith.constant 40 : i32
      %mul3A_391 = arith.muli %add3A_377, %mul3A_390 : i32
      %add3A_392 = arith.addi %mul3A_2, %mul3A_391 : i32
      %dma_start3A_393 = arith.constant 0 : i32
      %dma_start3A_394 = tpu.memref_slice %arg5[%add3A_392, %dma_start3A_393] : memref<204800x128xf32, #tpu.memory_space<hbm>> -> memref<40x128xf32, #tpu.memory_space<hbm>>
      %dma_start3A_395 = arith.constant 0 : i32
      %dma_start3A_396 = tpu.memref_slice %arg5[%add3A_392, %dma_start3A_395] : memref<204800x128xf32, #tpu.memory_space<hbm>> -> memref<40x128xf32, #tpu.memory_space<hbm>>
      tpu.enqueue_dma source(%arg16 : memref<40x128xf32, #tpu.memory_space<vmem>>) target(%dma_start3A_396 : memref<40x128xf32, #tpu.memory_space<hbm>>) target_semaphore(%arg36 : memref<!tpu.dma_semaphore, #tpu.memory_space<semaphore_mem>>)
      %sub3A_397 = arith.constant 1 : i32
      %sub3A_398 = arith.subi %add3A_377, %sub3A_397 : i32
      %ge3A_399 = arith.constant 0 : i32
      %ge3A_400 = arith.cmpi sge, %sub3A_398, %ge3A_399 : i32
      %add3A_401 = arith.constant 10 : i32
      %add3A_402 = arith.addi %sub3A_398, %add3A_401 : i32
      %lt3A_403 = arith.constant 160 : i32
      %lt3A_404 = arith.cmpi slt, %add3A_402, %lt3A_403 : i32
      %and3A_405 = arith.andi %ge3A_400, %lt3A_404 : i1
      %convert_element_type3A_406 = arith.extui %and3A_405 : i1 to i32
      %cond3A_407 = arith.constant 0 : i32
      %cond3A_408 = arith.cmpi ne, %convert_element_type3A_406, %cond3A_407 : i32
      scf.if %cond3A_408 {
        %dma_wait3A_442 = arith.constant 0 : i32
        %dma_wait3A_443 = arith.constant 0 : i32
        %dma_wait3A_444 = tpu.memref_slice %arg5[%dma_wait3A_442, %dma_wait3A_443] : memref<204800x128xf32, #tpu.memory_space<hbm>> -> memref<40x128xf32, #tpu.memory_space<hbm>>
        %dma_wait3A_445 = arith.constant 0 : i32
        %dma_wait3A_446 = arith.constant 0 : i32
        %dma_wait3A_447 = tpu.memref_slice %arg5[%dma_wait3A_445, %dma_wait3A_446] : memref<204800x128xf32, #tpu.memory_space<hbm>> -> memref<40x128xf32, #tpu.memory_space<hbm>>
        tpu.wait_dma2 semaphore(%arg35 : memref<!tpu.dma_semaphore, #tpu.memory_space<semaphore_mem>>) src(%arg15 : memref<40x128xf32, #tpu.memory_space<vmem>>) dst(%dma_wait3A_447 : memref<40x128xf32, #tpu.memory_space<hbm>>)
        %add3A_448 = arith.constant 10 : i32
        %add3A_449 = arith.addi %sub3A_398, %add3A_448 : i32
        %mul3A_450 = arith.constant 40 : i32
        %mul3A_451 = arith.muli %add3A_449, %mul3A_450 : i32
        %dma_start3A_452 = tpu.memref_slice %arg7[%mul3A_451] : memref<6400xi32, #tpu.memory_space<vmem>> -> memref<40xi32, #tpu.memory_space<vmem>>
        %dma_start3A_453 = arith.constant 0 : i32
        %dma_start3A_454 = arith.constant 0 : i32
        %dma_start3A_455 = tpu.memref_slice %arg2[%dma_start3A_453, %dma_start3A_454] : memref<100000x128xf32, #tpu.memory_space<hbm>> -> memref<100000x128xf32, #tpu.memory_space<hbm>>
        tpu.enqueue_indirect_dma source(%dma_start3A_455 : memref<100000x128xf32, #tpu.memory_space<hbm>>) target(%arg15 : memref<40x128xf32, #tpu.memory_space<vmem>>) offsets(%dma_start3A_452 : memref<40xi32, #tpu.memory_space<vmem>>) semaphore(%arg25 : memref<!tpu.dma_semaphore, #tpu.memory_space<semaphore_mem>>)
      } else {
      }
      %add3A_409 = arith.constant 9 : i32
      %add3A_410 = arith.addi %add3A_119, %add3A_409 : i32
      %dma_wait3A_411 = arith.constant 0 : i32
      %dma_wait3A_412 = tpu.memref_slice %arg7[%dma_wait3A_411] : memref<6400xi32, #tpu.memory_space<vmem>> -> memref<40xi32, #tpu.memory_space<vmem>>
      %dma_wait3A_413 = arith.constant 0 : i32
      %dma_wait3A_414 = arith.constant 0 : i32
      %dma_wait3A_415 = tpu.memref_slice %arg2[%dma_wait3A_413, %dma_wait3A_414] : memref<100000x128xf32, #tpu.memory_space<hbm>> -> memref<100000x128xf32, #tpu.memory_space<hbm>>
      tpu.wait_indirect_dma semaphore(%arg27 : memref<!tpu.dma_semaphore, #tpu.memory_space<semaphore_mem>>) src(%dma_wait3A_415 : memref<100000x128xf32, #tpu.memory_space<hbm>>) dst(%arg17 : memref<40x128xf32, #tpu.memory_space<vmem>>)
      %mul3A_416 = arith.constant 40 : i32
      %mul3A_417 = arith.muli %add3A_410, %mul3A_416 : i32
      %rem3A_418 = arith.constant 200 : i32
      %rem3A_419 = arith.remsi %mul3A_417, %rem3A_418 : i32
      %parallel_loop3A_420 = arith.constant 0 : i32
      %parallel_loop3A_421 = arith.constant 40 : i32
      %parallel_loop3A_422 = arith.constant 1 : i32
      scf.for %parallel_loop3A_442 = %parallel_loop3A_420 to %parallel_loop3A_421 step %parallel_loop3A_422  : i32 {
        %parallel_loop3A_443 = arith.addi %rem3A_419, %parallel_loop3A_442 : i32
        %parallel_loop3A_444 = arith.index_cast %parallel_loop3A_443 : i32 to index
        %parallel_loop3A_445 = arith.constant 0 : index
        %parallel_loop3A_446 = tpu.vector_load %arg6[%parallel_loop3A_444, %parallel_loop3A_445] {strides = array<i32>} : memref<200x128xf32, #tpu.memory_space<vmem>>, vector<1x16xf32>,
        %parallel_loop3A_447 = vector.shape_cast %parallel_loop3A_446 : vector<1x16xf32> to vector<1x16xf32>
        %parallel_loop3A_448 = arith.index_cast %parallel_loop3A_442 : i32 to index
        %parallel_loop3A_449 = arith.constant 0 : index
        %parallel_loop3A_450 = tpu.vector_load %arg17[%parallel_loop3A_448, %parallel_loop3A_449] {strides = array<i32>} : memref<40x128xf32, #tpu.memory_space<vmem>>, vector<1x16xf32>,
        %parallel_loop3A_451 = vector.shape_cast %parallel_loop3A_450 : vector<1x16xf32> to vector<1x16xf32>
        %parallel_loop3A_452 = vector.shape_cast %parallel_loop3A_447 : vector<1x16xf32> to vector<1x16xf32>
        tpu.vector_store %arg17[%parallel_loop3A_448, %parallel_loop3A_449], %parallel_loop3A_452 {add = true, strides = array<i32>} : memref<40x128xf32, #tpu.memory_space<vmem>>, vector<1x16xf32>,
        %parallel_loop3A_453 = arith.addi %rem3A_419, %parallel_loop3A_442 : i32
        %parallel_loop3A_454 = arith.index_cast %parallel_loop3A_453 : i32 to index
        %parallel_loop3A_455 = arith.constant 16 : index
        %parallel_loop3A_456 = tpu.vector_load %arg6[%parallel_loop3A_454, %parallel_loop3A_455] {strides = array<i32>} : memref<200x128xf32, #tpu.memory_space<vmem>>, vector<1x16xf32>,
        %parallel_loop3A_457 = vector.shape_cast %parallel_loop3A_456 : vector<1x16xf32> to vector<1x16xf32>
        %parallel_loop3A_458 = arith.index_cast %parallel_loop3A_442 : i32 to index
        %parallel_loop3A_459 = arith.constant 16 : index
        %parallel_loop3A_460 = tpu.vector_load %arg17[%parallel_loop3A_458, %parallel_loop3A_459] {strides = array<i32>} : memref<40x128xf32, #tpu.memory_space<vmem>>, vector<1x16xf32>,
        %parallel_loop3A_461 = vector.shape_cast %parallel_loop3A_460 : vector<1x16xf32> to vector<1x16xf32>
        %parallel_loop3A_462 = vector.shape_cast %parallel_loop3A_457 : vector<1x16xf32> to vector<1x16xf32>
        tpu.vector_store %arg17[%parallel_loop3A_458, %parallel_loop3A_459], %parallel_loop3A_462 {add = true, strides = array<i32>} : memref<40x128xf32, #tpu.memory_space<vmem>>, vector<1x16xf32>,
        %parallel_loop3A_463 = arith.addi %rem3A_419, %parallel_loop3A_442 : i32
        %parallel_loop3A_464 = arith.index_cast %parallel_loop3A_463 : i32 to index
        %parallel_loop3A_465 = arith.constant 32 : index
        %parallel_loop3A_466 = tpu.vector_load %arg6[%parallel_loop3A_464, %parallel_loop3A_465] {strides = array<i32>} : memref<200x128xf32, #tpu.memory_space<vmem>>, vector<1x16xf32>,
        %parallel_loop3A_467 = vector.shape_cast %parallel_loop3A_466 : vector<1x16xf32> to vector<1x16xf32>
        %parallel_loop3A_468 = arith.index_cast %parallel_loop3A_442 : i32 to index
        %parallel_loop3A_469 = arith.constant 32 : index
        %parallel_loop3A_470 = tpu.vector_load %arg17[%parallel_loop3A_468, %parallel_loop3A_469] {strides = array<i32>} : memref<40x128xf32, #tpu.memory_space<vmem>>, vector<1x16xf32>,
        %parallel_loop3A_471 = vector.shape_cast %parallel_loop3A_470 : vector<1x16xf32> to vector<1x16xf32>
        %parallel_loop3A_472 = vector.shape_cast %parallel_loop3A_467 : vector<1x16xf32> to vector<1x16xf32>
        tpu.vector_store %arg17[%parallel_loop3A_468, %parallel_loop3A_469], %parallel_loop3A_472 {add = true, strides = array<i32>} : memref<40x128xf32, #tpu.memory_space<vmem>>, vector<1x16xf32>,
        %parallel_loop3A_473 = arith.addi %rem3A_419, %parallel_loop3A_442 : i32
        %parallel_loop3A_474 = arith.index_cast %parallel_loop3A_473 : i32 to index
        %parallel_loop3A_475 = arith.constant 48 : index
        %parallel_loop3A_476 = tpu.vector_load %arg6[%parallel_loop3A_474, %parallel_loop3A_475] {strides = array<i32>} : memref<200x128xf32, #tpu.memory_space<vmem>>, vector<1x16xf32>,
        %parallel_loop3A_477 = vector.shape_cast %parallel_loop3A_476 : vector<1x16xf32> to vector<1x16xf32>
        %parallel_loop3A_478 = arith.index_cast %parallel_loop3A_442 : i32 to index
        %parallel_loop3A_479 = arith.constant 48 : index
        %parallel_loop3A_480 = tpu.vector_load %arg17[%parallel_loop3A_478, %parallel_loop3A_479] {strides = array<i32>} : memref<40x128xf32, #tpu.memory_space<vmem>>, vector<1x16xf32>,
        %parallel_loop3A_481 = vector.shape_cast %parallel_loop3A_480 : vector<1x16xf32> to vector<1x16xf32>
        %parallel_loop3A_482 = vector.shape_cast %parallel_loop3A_477 : vector<1x16xf32> to vector<1x16xf32>
        tpu.vector_store %arg17[%parallel_loop3A_478, %parallel_loop3A_479], %parallel_loop3A_482 {add = true, strides = array<i32>} : memref<40x128xf32, #tpu.memory_space<vmem>>, vector<1x16xf32>,
        %parallel_loop3A_483 = arith.addi %rem3A_419, %parallel_loop3A_442 : i32
        %parallel_loop3A_484 = arith.index_cast %parallel_loop3A_483 : i32 to index
        %parallel_loop3A_485 = arith.constant 64 : index
        %parallel_loop3A_486 = tpu.vector_load %arg6[%parallel_loop3A_484, %parallel_loop3A_485] {strides = array<i32>} : memref<200x128xf32, #tpu.memory_space<vmem>>, vector<1x16xf32>,
        %parallel_loop3A_487 = vector.shape_cast %parallel_loop3A_486 : vector<1x16xf32> to vector<1x16xf32>
        %parallel_loop3A_488 = arith.index_cast %parallel_loop3A_442 : i32 to index
        %parallel_loop3A_489 = arith.constant 64 : index
        %parallel_loop3A_490 = tpu.vector_load %arg17[%parallel_loop3A_488, %parallel_loop3A_489] {strides = array<i32>} : memref<40x128xf32, #tpu.memory_space<vmem>>, vector<1x16xf32>,
        %parallel_loop3A_491 = vector.shape_cast %parallel_loop3A_490 : vector<1x16xf32> to vector<1x16xf32>
        %parallel_loop3A_492 = vector.shape_cast %parallel_loop3A_487 : vector<1x16xf32> to vector<1x16xf32>
        tpu.vector_store %arg17[%parallel_loop3A_488, %parallel_loop3A_489], %parallel_loop3A_492 {add = true, strides = array<i32>} : memref<40x128xf32, #tpu.memory_space<vmem>>, vector<1x16xf32>,
        %parallel_loop3A_493 = arith.addi %rem3A_419, %parallel_loop3A_442 : i32
        %parallel_loop3A_494 = arith.index_cast %parallel_loop3A_493 : i32 to index
        %parallel_loop3A_495 = arith.constant 80 : index
        %parallel_loop3A_496 = tpu.vector_load %arg6[%parallel_loop3A_494, %parallel_loop3A_495] {strides = array<i32>} : memref<200x128xf32, #tpu.memory_space<vmem>>, vector<1x16xf32>,
        %parallel_loop3A_497 = vector.shape_cast %parallel_loop3A_496 : vector<1x16xf32> to vector<1x16xf32>
        %parallel_loop3A_498 = arith.index_cast %parallel_loop3A_442 : i32 to index
        %parallel_loop3A_499 = arith.constant 80 : index
        %parallel_loop3A_500 = tpu.vector_load %arg17[%parallel_loop3A_498, %parallel_loop3A_499] {strides = array<i32>} : memref<40x128xf32, #tpu.memory_space<vmem>>, vector<1x16xf32>,
        %parallel_loop3A_501 = vector.shape_cast %parallel_loop3A_500 : vector<1x16xf32> to vector<1x16xf32>
        %parallel_loop3A_502 = vector.shape_cast %parallel_loop3A_497 : vector<1x16xf32> to vector<1x16xf32>
        tpu.vector_store %arg17[%parallel_loop3A_498, %parallel_loop3A_499], %parallel_loop3A_502 {add = true, strides = array<i32>} : memref<40x128xf32, #tpu.memory_space<vmem>>, vector<1x16xf32>,
        %parallel_loop3A_503 = arith.addi %rem3A_419, %parallel_loop3A_442 : i32
        %parallel_loop3A_504 = arith.index_cast %parallel_loop3A_503 : i32 to index
        %parallel_loop3A_505 = arith.constant 96 : index
        %parallel_loop3A_506 = tpu.vector_load %arg6[%parallel_loop3A_504, %parallel_loop3A_505] {strides = array<i32>} : memref<200x128xf32, #tpu.memory_space<vmem>>, vector<1x16xf32>,
        %parallel_loop3A_507 = vector.shape_cast %parallel_loop3A_506 : vector<1x16xf32> to vector<1x16xf32>
        %parallel_loop3A_508 = arith.index_cast %parallel_loop3A_442 : i32 to index
        %parallel_loop3A_509 = arith.constant 96 : index
        %parallel_loop3A_510 = tpu.vector_load %arg17[%parallel_loop3A_508, %parallel_loop3A_509] {strides = array<i32>} : memref<40x128xf32, #tpu.memory_space<vmem>>, vector<1x16xf32>,
        %parallel_loop3A_511 = vector.shape_cast %parallel_loop3A_510 : vector<1x16xf32> to vector<1x16xf32>
        %parallel_loop3A_512 = vector.shape_cast %parallel_loop3A_507 : vector<1x16xf32> to vector<1x16xf32>
        tpu.vector_store %arg17[%parallel_loop3A_508, %parallel_loop3A_509], %parallel_loop3A_512 {add = true, strides = array<i32>} : memref<40x128xf32, #tpu.memory_space<vmem>>, vector<1x16xf32>,
        %parallel_loop3A_513 = arith.addi %rem3A_419, %parallel_loop3A_442 : i32
        %parallel_loop3A_514 = arith.index_cast %parallel_loop3A_513 : i32 to index
        %parallel_loop3A_515 = arith.constant 112 : index
        %parallel_loop3A_516 = tpu.vector_load %arg6[%parallel_loop3A_514, %parallel_loop3A_515] {strides = array<i32>} : memref<200x128xf32, #tpu.memory_space<vmem>>, vector<1x16xf32>,
        %parallel_loop3A_517 = vector.shape_cast %parallel_loop3A_516 : vector<1x16xf32> to vector<1x16xf32>
        %parallel_loop3A_518 = arith.index_cast %parallel_loop3A_442 : i32 to index
        %parallel_loop3A_519 = arith.constant 112 : index
        %parallel_loop3A_520 = tpu.vector_load %arg17[%parallel_loop3A_518, %parallel_loop3A_519] {strides = array<i32>} : memref<40x128xf32, #tpu.memory_space<vmem>>, vector<1x16xf32>,
        %parallel_loop3A_521 = vector.shape_cast %parallel_loop3A_520 : vector<1x16xf32> to vector<1x16xf32>
        %parallel_loop3A_522 = vector.shape_cast %parallel_loop3A_517 : vector<1x16xf32> to vector<1x16xf32>
        tpu.vector_store %arg17[%parallel_loop3A_518, %parallel_loop3A_519], %parallel_loop3A_522 {add = true, strides = array<i32>} : memref<40x128xf32, #tpu.memory_space<vmem>>, vector<1x16xf32>,
      } {sc.loop_unroll_factor = 4 : i64, sc.parallel_access}
      %mul3A_423 = arith.constant 40 : i32
      %mul3A_424 = arith.muli %add3A_410, %mul3A_423 : i32
      %add3A_425 = arith.addi %mul3A_2, %mul3A_424 : i32
      %dma_start3A_426 = arith.constant 0 : i32
      %dma_start3A_427 = tpu.memref_slice %arg5[%add3A_425, %dma_start3A_426] : memref<204800x128xf32, #tpu.memory_space<hbm>> -> memref<40x128xf32, #tpu.memory_space<hbm>>
      %dma_start3A_428 = arith.constant 0 : i32
      %dma_start3A_429 = tpu.memref_slice %arg5[%add3A_425, %dma_start3A_428] : memref<204800x128xf32, #tpu.memory_space<hbm>> -> memref<40x128xf32, #tpu.memory_space<hbm>>
      tpu.enqueue_dma source(%arg17 : memref<40x128xf32, #tpu.memory_space<vmem>>) target(%dma_start3A_429 : memref<40x128xf32, #tpu.memory_space<hbm>>) target_semaphore(%arg37 : memref<!tpu.dma_semaphore, #tpu.memory_space<semaphore_mem>>)
      %sub3A_430 = arith.constant 1 : i32
      %sub3A_431 = arith.subi %add3A_410, %sub3A_430 : i32
      %ge3A_432 = arith.constant 0 : i32
      %ge3A_433 = arith.cmpi sge, %sub3A_431, %ge3A_432 : i32
      %add3A_434 = arith.constant 10 : i32
      %add3A_435 = arith.addi %sub3A_431, %add3A_434 : i32
      %lt3A_436 = arith.constant 160 : i32
      %lt3A_437 = arith.cmpi slt, %add3A_435, %lt3A_436 : i32
      %and3A_438 = arith.andi %ge3A_433, %lt3A_437 : i1
      %convert_element_type3A_439 = arith.extui %and3A_438 : i1 to i32
      %cond3A_440 = arith.constant 0 : i32
      %cond3A_441 = arith.cmpi ne, %convert_element_type3A_439, %cond3A_440 : i32
      scf.if %cond3A_441 {
        %dma_wait3A_442 = arith.constant 0 : i32
        %dma_wait3A_443 = arith.constant 0 : i32
        %dma_wait3A_444 = tpu.memref_slice %arg5[%dma_wait3A_442, %dma_wait3A_443] : memref<204800x128xf32, #tpu.memory_space<hbm>> -> memref<40x128xf32, #tpu.memory_space<hbm>>
        %dma_wait3A_445 = arith.constant 0 : i32
        %dma_wait3A_446 = arith.constant 0 : i32
        %dma_wait3A_447 = tpu.memref_slice %arg5[%dma_wait3A_445, %dma_wait3A_446] : memref<204800x128xf32, #tpu.memory_space<hbm>> -> memref<40x128xf32, #tpu.memory_space<hbm>>
        tpu.wait_dma2 semaphore(%arg36 : memref<!tpu.dma_semaphore, #tpu.memory_space<semaphore_mem>>) src(%arg16 : memref<40x128xf32, #tpu.memory_space<vmem>>) dst(%dma_wait3A_447 : memref<40x128xf32, #tpu.memory_space<hbm>>)
        %add3A_448 = arith.constant 10 : i32
        %add3A_449 = arith.addi %sub3A_431, %add3A_448 : i32
        %mul3A_450 = arith.constant 40 : i32
        %mul3A_451 = arith.muli %add3A_449, %mul3A_450 : i32
        %dma_start3A_452 = tpu.memref_slice %arg7[%mul3A_451] : memref<6400xi32, #tpu.memory_space<vmem>> -> memref<40xi32, #tpu.memory_space<vmem>>
        %dma_start3A_453 = arith.constant 0 : i32
        %dma_start3A_454 = arith.constant 0 : i32
        %dma_start3A_455 = tpu.memref_slice %arg2[%dma_start3A_453, %dma_start3A_454] : memref<100000x128xf32, #tpu.memory_space<hbm>> -> memref<100000x128xf32, #tpu.memory_space<hbm>>
        tpu.enqueue_indirect_dma source(%dma_start3A_455 : memref<100000x128xf32, #tpu.memory_space<hbm>>) target(%arg16 : memref<40x128xf32, #tpu.memory_space<vmem>>) offsets(%dma_start3A_452 : memref<40xi32, #tpu.memory_space<vmem>>) semaphore(%arg26 : memref<!tpu.dma_semaphore, #tpu.memory_space<semaphore_mem>>)
      } else {
      }
    }
    %scan3A_55 = arith.constant 16 : i32
    %dma_wait3A = arith.constant 0 : i32
    %dma_wait3A_56 = arith.constant 0 : i32
    %dma_wait3A_57 = tpu.memref_slice %arg5[%dma_wait3A, %dma_wait3A_56] : memref<204800x128xf32, #tpu.memory_space<hbm>> -> memref<40x128xf32, #tpu.memory_space<hbm>>
    %dma_wait3A_58 = arith.constant 0 : i32
    %dma_wait3A_59 = arith.constant 0 : i32
    %dma_wait3A_60 = tpu.memref_slice %arg5[%dma_wait3A_58, %dma_wait3A_59] : memref<204800x128xf32, #tpu.memory_space<hbm>> -> memref<40x128xf32, #tpu.memory_space<hbm>>
    tpu.wait_dma2 semaphore(%arg28 : memref<!tpu.dma_semaphore, #tpu.memory_space<semaphore_mem>>) src(%arg8 : memref<40x128xf32, #tpu.memory_space<vmem>>) dst(%dma_wait3A_60 : memref<40x128xf32, #tpu.memory_space<hbm>>)
    %dma_wait3A_61 = arith.constant 0 : i32
    %dma_wait3A_62 = arith.constant 0 : i32
    %dma_wait3A_63 = tpu.memref_slice %arg5[%dma_wait3A_61, %dma_wait3A_62] : memref<204800x128xf32, #tpu.memory_space<hbm>> -> memref<40x128xf32, #tpu.memory_space<hbm>>
    %dma_wait3A_64 = arith.constant 0 : i32
    %dma_wait3A_65 = arith.constant 0 : i32
    %dma_wait3A_66 = tpu.memref_slice %arg5[%dma_wait3A_64, %dma_wait3A_65] : memref<204800x128xf32, #tpu.memory_space<hbm>> -> memref<40x128xf32, #tpu.memory_space<hbm>>
    tpu.wait_dma2 semaphore(%arg29 : memref<!tpu.dma_semaphore, #tpu.memory_space<semaphore_mem>>) src(%arg9 : memref<40x128xf32, #tpu.memory_space<vmem>>) dst(%dma_wait3A_66 : memref<40x128xf32, #tpu.memory_space<hbm>>)
    %dma_wait3A_67 = arith.constant 0 : i32
    %dma_wait3A_68 = arith.constant 0 : i32
    %dma_wait3A_69 = tpu.memref_slice %arg5[%dma_wait3A_67, %dma_wait3A_68] : memref<204800x128xf32, #tpu.memory_space<hbm>> -> memref<40x128xf32, #tpu.memory_space<hbm>>
    %dma_wait3A_70 = arith.constant 0 : i32
    %dma_wait3A_71 = arith.constant 0 : i32
    %dma_wait3A_72 = tpu.memref_slice %arg5[%dma_wait3A_70, %dma_wait3A_71] : memref<204800x128xf32, #tpu.memory_space<hbm>> -> memref<40x128xf32, #tpu.memory_space<hbm>>
    tpu.wait_dma2 semaphore(%arg30 : memref<!tpu.dma_semaphore, #tpu.memory_space<semaphore_mem>>) src(%arg10 : memref<40x128xf32, #tpu.memory_space<vmem>>) dst(%dma_wait3A_72 : memref<40x128xf32, #tpu.memory_space<hbm>>)
    %dma_wait3A_73 = arith.constant 0 : i32
    %dma_wait3A_74 = arith.constant 0 : i32
    %dma_wait3A_75 = tpu.memref_slice %arg5[%dma_wait3A_73, %dma_wait3A_74] : memref<204800x128xf32, #tpu.memory_space<hbm>> -> memref<40x128xf32, #tpu.memory_space<hbm>>
    %dma_wait3A_76 = arith.constant 0 : i32
    %dma_wait3A_77 = arith.constant 0 : i32
    %dma_wait3A_78 = tpu.memref_slice %arg5[%dma_wait3A_76, %dma_wait3A_77] : memref<204800x128xf32, #tpu.memory_space<hbm>> -> memref<40x128xf32, #tpu.memory_space<hbm>>
    tpu.wait_dma2 semaphore(%arg31 : memref<!tpu.dma_semaphore, #tpu.memory_space<semaphore_mem>>) src(%arg11 : memref<40x128xf32, #tpu.memory_space<vmem>>) dst(%dma_wait3A_78 : memref<40x128xf32, #tpu.memory_space<hbm>>)
    %dma_wait3A_79 = arith.constant 0 : i32
    %dma_wait3A_80 = arith.constant 0 : i32
    %dma_wait3A_81 = tpu.memref_slice %arg5[%dma_wait3A_79, %dma_wait3A_80] : memref<204800x128xf32, #tpu.memory_space<hbm>> -> memref<40x128xf32, #tpu.memory_space<hbm>>
    %dma_wait3A_82 = arith.constant 0 : i32
    %dma_wait3A_83 = arith.constant 0 : i32
    %dma_wait3A_84 = tpu.memref_slice %arg5[%dma_wait3A_82, %dma_wait3A_83] : memref<204800x128xf32, #tpu.memory_space<hbm>> -> memref<40x128xf32, #tpu.memory_space<hbm>>
    tpu.wait_dma2 semaphore(%arg32 : memref<!tpu.dma_semaphore, #tpu.memory_space<semaphore_mem>>) src(%arg12 : memref<40x128xf32, #tpu.memory_space<vmem>>) dst(%dma_wait3A_84 : memref<40x128xf32, #tpu.memory_space<hbm>>)
    %dma_wait3A_85 = arith.constant 0 : i32
    %dma_wait3A_86 = arith.constant 0 : i32
    %dma_wait3A_87 = tpu.memref_slice %arg5[%dma_wait3A_85, %dma_wait3A_86] : memref<204800x128xf32, #tpu.memory_space<hbm>> -> memref<40x128xf32, #tpu.memory_space<hbm>>
    %dma_wait3A_88 = arith.constant 0 : i32
    %dma_wait3A_89 = arith.constant 0 : i32
    %dma_wait3A_90 = tpu.memref_slice %arg5[%dma_wait3A_88, %dma_wait3A_89] : memref<204800x128xf32, #tpu.memory_space<hbm>> -> memref<40x128xf32, #tpu.memory_space<hbm>>
    tpu.wait_dma2 semaphore(%arg33 : memref<!tpu.dma_semaphore, #tpu.memory_space<semaphore_mem>>) src(%arg13 : memref<40x128xf32, #tpu.memory_space<vmem>>) dst(%dma_wait3A_90 : memref<40x128xf32, #tpu.memory_space<hbm>>)
    %dma_wait3A_91 = arith.constant 0 : i32
    %dma_wait3A_92 = arith.constant 0 : i32
    %dma_wait3A_93 = tpu.memref_slice %arg5[%dma_wait3A_91, %dma_wait3A_92] : memref<204800x128xf32, #tpu.memory_space<hbm>> -> memref<40x128xf32, #tpu.memory_space<hbm>>
    %dma_wait3A_94 = arith.constant 0 : i32
    %dma_wait3A_95 = arith.constant 0 : i32
    %dma_wait3A_96 = tpu.memref_slice %arg5[%dma_wait3A_94, %dma_wait3A_95] : memref<204800x128xf32, #tpu.memory_space<hbm>> -> memref<40x128xf32, #tpu.memory_space<hbm>>
    tpu.wait_dma2 semaphore(%arg34 : memref<!tpu.dma_semaphore, #tpu.memory_space<semaphore_mem>>) src(%arg14 : memref<40x128xf32, #tpu.memory_space<vmem>>) dst(%dma_wait3A_96 : memref<40x128xf32, #tpu.memory_space<hbm>>)
    %dma_wait3A_97 = arith.constant 0 : i32
    %dma_wait3A_98 = arith.constant 0 : i32
    %dma_wait3A_99 = tpu.memref_slice %arg5[%dma_wait3A_97, %dma_wait3A_98] : memref<204800x128xf32, #tpu.memory_space<hbm>> -> memref<40x128xf32, #tpu.memory_space<hbm>>
    %dma_wait3A_100 = arith.constant 0 : i32
    %dma_wait3A_101 = arith.constant 0 : i32
    %dma_wait3A_102 = tpu.memref_slice %arg5[%dma_wait3A_100, %dma_wait3A_101] : memref<204800x128xf32, #tpu.memory_space<hbm>> -> memref<40x128xf32, #tpu.memory_space<hbm>>
    tpu.wait_dma2 semaphore(%arg35 : memref<!tpu.dma_semaphore, #tpu.memory_space<semaphore_mem>>) src(%arg15 : memref<40x128xf32, #tpu.memory_space<vmem>>) dst(%dma_wait3A_102 : memref<40x128xf32, #tpu.memory_space<hbm>>)
    %dma_wait3A_103 = arith.constant 0 : i32
    %dma_wait3A_104 = arith.constant 0 : i32
    %dma_wait3A_105 = tpu.memref_slice %arg5[%dma_wait3A_103, %dma_wait3A_104] : memref<204800x128xf32, #tpu.memory_space<hbm>> -> memref<40x128xf32, #tpu.memory_space<hbm>>
    %dma_wait3A_106 = arith.constant 0 : i32
    %dma_wait3A_107 = arith.constant 0 : i32
    %dma_wait3A_108 = tpu.memref_slice %arg5[%dma_wait3A_106, %dma_wait3A_107] : memref<204800x128xf32, #tpu.memory_space<hbm>> -> memref<40x128xf32, #tpu.memory_space<hbm>>
    tpu.wait_dma2 semaphore(%arg36 : memref<!tpu.dma_semaphore, #tpu.memory_space<semaphore_mem>>) src(%arg16 : memref<40x128xf32, #tpu.memory_space<vmem>>) dst(%dma_wait3A_108 : memref<40x128xf32, #tpu.memory_space<hbm>>)
    %dma_wait3A_109 = arith.constant 0 : i32
    %dma_wait3A_110 = arith.constant 0 : i32
    %dma_wait3A_111 = tpu.memref_slice %arg5[%dma_wait3A_109, %dma_wait3A_110] : memref<204800x128xf32, #tpu.memory_space<hbm>> -> memref<40x128xf32, #tpu.memory_space<hbm>>
    %dma_wait3A_112 = arith.constant 0 : i32
    %dma_wait3A_113 = arith.constant 0 : i32
    %dma_wait3A_114 = tpu.memref_slice %arg5[%dma_wait3A_112, %dma_wait3A_113] : memref<204800x128xf32, #tpu.memory_space<hbm>> -> memref<40x128xf32, #tpu.memory_space<hbm>>
    tpu.wait_dma2 semaphore(%arg37 : memref<!tpu.dma_semaphore, #tpu.memory_space<semaphore_mem>>) src(%arg17 : memref<40x128xf32, #tpu.memory_space<vmem>>) dst(%dma_wait3A_114 : memref<40x128xf32, #tpu.memory_space<hbm>>)
    return
  }
}

</mosaic_0001>

<sc_bundles>
// kernel: _embed_pe.3.cloned.1.call-start
scs
__scs_entry_jumppad:
0x0: {  	(pc) =	sbr.rel $0x88, $3  }
0x1: {  	(tag) =	ssettag $0x0;
	lr =	simm.s32 $0x1  }
0x2: {  	[smem:$0x3F9E] =	sst lr;
	_ =	strace $0xD0000000  }
0x3: {  	_ = 	snop  }
0x4: {  	_ = 	snop  }
0x5: {  	_ = 	snop  }
0x6: {  	_ = 	snop  }
0x7: {  	_ = 	snop  }
__scs_overlays_trampoline_lowered:
0x8: {  	[smem:$0x3FAD] =	sst s0  }
0x9: {  	[smem:$0x3FAE] =	sst s1  }
0xa: {  	[smem:$0x3FAF] =	sst s2  }
0xb: {  	[smem:$0x3FB0] =	sst s3  }
0xc: {  	[smem:$0x3FB1] =	sst s4  }
0xd: {  	[smem:$0x3FB2] =	sst s5  }
0xe: {  	[smem:$0x3FB3] =	sst s6  }
0xf: {  	[smem:$0x3FB4] =	sst s7  }
0x10: {  	[smem:$0x3FB5] =	sst s8  }
0x11: {  	[smem:$0x3FB6] =	sst s9;
	s0 =	simm.s32 @!p0 $0x0  }
0x12: {  	s1 =	sld [smem:$0x3F9C];
	s0 =	simm.s32 @p0 $0x1  }
0x13: {  	[smem:$0x3FB7] =	sst s0;
	s0 =	simm.s32 @!p1 $0x0  }
0x14: {  	s2 =	sld [smem:$0x3F9B];
	s0 =	simm.s32 @p1 $0x1  }
0x15: {  	[smem:$0x3FB8] =	sst s0;
	s0 =	simm.s32 @!p2 $0x0  }
0x16: {  	s3 =	sld [smem:$0x3FDB];
	s0 =	simm.s32 @p2 $0x1  }
0x17: {  	s4 =	simm.s32 $0x1BF5;
	[smem:$0x3FBA] =	sst s0  }
0x18: {  	s0 =	sld [smem:$0x3F9D];
	_ =	swait.ge [sflag:s4], $0x0  }
0x19: {  	s7 =	sld [smem:$0x3F9E]  }
0x1a: {  	s8 =	sadd.s32 $0xFFFFE003, lr  }
0x1b: {  	s9 =	sadd.s32 $0xFFFFFEF7, lr;
	s5 =	simm.s32 $0xFFFFFFFF;
	p2 =	slt.u32 s8, $0xFFFFF086  }
0x1c: {  	p1 =	slt.u32 s9, $0xF7A;
	s5 =	simm.s32 @!p2 $0x0  }
0x1d: {  	s5 =	simm.s32 @p1 $0x1;
	p0 =	seq.s32 s7, s2  }
0x1e: {  	s7 =	smul.u32 @!p0 $0xF7A, s2;
	p2 =	seq.s32 @!p0 s5, $0x0  }
0x1f: {  	s9 =	smul.u32 $0xF7A, s1;
	s8 =	simm.s32 @!p0 $0x1BF5;
	p2 =	por !p2, p0  }
0x20: {  	[sflag:s8] =	ssyncset.s32 @!p0 $0xFFFFF086;
	s6 =	sadd.s32 @!p0 s3, s7;
	s7 =	simm.s32 @!p0 $0x108  }
0x21: {  	s3 =	sadd.s32 s3, s9;
	s6 =	sadd.s32 @!p0 $0x88, s6;
	s7 =	simm.s32 @p2 $0x1082  }
0x22: {  	[simem:s7], [sflag:s8] =	dma.local @!p0 [hbm:s6], $0xF7A  }
0x23: {  	s9 =	sor.u32 $0xD0000000, s2;
	s6 =	simm.s32 $0x108;
	_ =	swait.ge @!p0 [sflag:s8], $0x0  }
0x24: {  	s3 =	sadd.s32 $0x88, s3;
	s6 =	simm.s32 @!p1 $0x1082;
	[sflag:s4] =	ssyncset.s32 $0xFFFFF086  }
0x25: {  	[simem:s6], [sflag:s4] =	dma.local [hbm:s3], $0xF7A  }
0x26: {  	[smem:$0x3F9E] =	sst s1;
	(tag) =	ssettag s2;
	_ =	strace s9  }
0x27: {  	s1 =	sld [smem:$0x3FAE]  }
0x28: {  	s2 =	sld [smem:$0x3FAF]  }
0x29: {  	s4 =	sld [smem:$0x3FB1]  }
0x2a: {  	p0 =	seq.s32 s5, $0x0;
	s5 =	sld [smem:$0x3FB2]  }
0x2b: {  	s6 =	sld [smem:$0x3FB3]  }
0x2c: {  	s7 =	sld [smem:$0x3FB4]  }
0x2d: {  	s3 =	simm.s32 $0x108;
	s8 =	sld [smem:$0x3FB5]  }
0x2e: {  	s3 =	simm.s32 @!p0 $0x1082;
	s9 =	sld [smem:$0x3FB6]  }
0x2f: {  	lr =	sadd.s32 s0, s3;
	s0 =	sld [smem:$0x3FAD]  }
0x30: {  	s3 =	sld [smem:$0x3FB0]  }
0x31: {  	[smem:$0x3FB9] =	sst s10  }
0x32: {  	s10 =	sld [smem:$0x3FB7];
	_ =	sdelay $0x3  }
0x33: {  	p0 =	seq.s32 s10, $0x1;
	s10 =	sld [smem:$0x3FB9];
	_ =	sdelay $0x3  }
0x34: {  	[smem:$0x3FB9] =	sst s10  }
0x35: {  	s10 =	sld [smem:$0x3FB8];
	_ =	sdelay $0x3  }
0x36: {  	p1 =	seq.s32 s10, $0x1;
	s10 =	sld [smem:$0x3FB9];
	_ =	sdelay $0x3  }
0x37: {  	[smem:$0x3FB9] =	sst s10  }
0x38: {  	s10 =	sld [smem:$0x3FBA]  }
0x39: {  	_ = 	snop;
	(pc) =	sbr.ind lr, $3  }
0x3a: {  	_ = 	snop  }
0x3b: {  	_ = 	snop  }
0x3c: {  	p2 =	seq.s32 s10, $0x1;
	s10 =	sld [smem:$0x3FB9]  }
0x3d: {  	_ =	shalt  }
0x3e: {  	_ =	shalt  }
0x3f: {  	_ =	shalt  }
0x40: {  	_ =	shalt  }
0x41: {  	_ =	shalt  }
0x42: {  	_ =	shalt  }
0x43: {  	_ =	shalt  }
0x44: {  	_ =	shalt  }
0x45: {  	_ =	shalt  }
0x46: {  	_ =	shalt  }
0x47: {  	_ =	shalt  }
0x48: {  	_ =	shalt  }
0x49: {  	_ =	shalt  }
0x4a: {  	_ =	shalt  }
0x4b: {  	_ =	shalt  }
0x4c: {  	_ =	shalt  }
0x4d: {  	_ =	shalt  }
0x4e: {  	_ =	shalt  }
0x4f: {  	_ =	shalt  }
0x50: {  	_ =	shalt  }
0x51: {  	_ =	shalt  }
0x52: {  	_ =	shalt  }
0x53: {  	_ =	shalt  }
0x54: {  	_ =	shalt  }
0x55: {  	_ =	shalt  }
0x56: {  	_ =	shalt  }
0x57: {  	_ =	shalt  }
0x58: {  	_ =	shalt  }
0x59: {  	_ =	shalt  }
0x5a: {  	_ =	shalt  }
0x5b: {  	_ =	shalt  }
0x5c: {  	_ =	shalt  }
0x5d: {  	_ =	shalt  }
0x5e: {  	_ =	shalt  }
0x5f: {  	_ =	shalt  }
0x60: {  	_ =	shalt  }
0x61: {  	_ =	shalt  }
0x62: {  	_ =	shalt  }
0x63: {  	_ =	shalt  }
0x64: {  	_ =	shalt  }
0x65: {  	_ =	shalt  }
0x66: {  	_ =	shalt  }
0x67: {  	_ =	shalt  }
0x68: {  	_ =	shalt  }
0x69: {  	_ =	shalt  }
0x6a: {  	_ =	shalt  }
0x6b: {  	_ =	shalt  }
0x6c: {  	_ =	shalt  }
0x6d: {  	_ =	shalt  }
0x6e: {  	_ =	shalt  }
0x6f: {  	_ =	shalt  }
0x70: {  	_ =	shalt  }
0x71: {  	_ =	shalt  }
0x72: {  	_ =	shalt  }
0x73: {  	_ =	shalt  }
0x74: {  	_ =	shalt  }
0x75: {  	_ =	shalt  }
0x76: {  	_ =	shalt  }
0x77: {  	_ =	shalt  }
0x78: {  	_ =	shalt  }
0x79: {  	_ =	shalt  }
0x7a: {  	_ =	shalt  }
0x7b: {  	_ =	shalt  }
0x7c: {  	_ =	shalt  }
0x7d: {  	_ =	shalt  }
0x7e: {  	_ =	shalt  }
0x7f: {  	_ =	shalt  }
0x80: {  	_ =	shalt  }
0x81: {  	_ =	shalt  }
0x82: {  	_ =	shalt  }
0x83: {  	_ =	shalt  }
0x84: {  	_ =	shalt  }
0x85: {  	_ =	shalt  }
0x86: {  	_ =	shalt  }
0x87: {  	_ =	shalt  }
.Lfunc_end0:
.L_simem_size_0:
called_computation_lowered:
.L_overlay_start_0:
0x88: {  	s2 =	sld [smem:$0x3FD9]  }
0x89: {  	s3 =	sld [smem:$0x3FFE];
	_ =	sdelay $0x1  }
0x8a: {  	s1 =	srdreg.scid  }
0x8b: {  	s0 =	sand.u32 $0x1, s1  }
0x8c: {  	s18 =	sshll.u32 s0, $0xA;
	s2 =	sadd.s32 s3, s2  }
0x8d: {  	s2 =	sadd.s32 s2, s18  }
0x8e: {  	[smem:$0x3FC5] =	sst s2  }
0x8f: {  	_ = 	snop  }
0x90: {  	s2 =	sld [smem:$0x3FC9]  }
0x91: {  	s19 =	sld [smem:$0x3FC8]  }
0x92: {  	s4 =	sld [smem:$0x3FC7]  }
0x93: {  	s5 =	sld [smem:$0x3FD0];
	(tm) =	ssettm $0x1  }
0x94: {  	s6 =	sld [smem:$0x3FFB];
	_ =	sdelay $0x3  }
0x95: {  	_ =	strace s6  }
0x96: {  	s6 =	sld [smem:$0x3FFC];
	_ =	sdelay $0x3  }
0x97: {  	_ =	strace s6  }
0x98: {  	s6 =	sld [smem:$0x3FFD];
	_ =	sdelay $0x3  }
0x99: {  	_ =	strace s6  }
0x9a: {  	_ =	strace $0x8FFFFFFF  }
0x9b: {  	s20 =	sld [smem:$0x3FDB];
	_ =	sdelay $0x1  }
0x9c: {  	s7 =	simm.s32 $_scs_section_size  }
0x9d: {  	s8 =	simm.s32 $_size__tile_overlayer_lowered;
	s9 =	simm.s32 $_tile_overlayer_lowered  }
0x9e: {  	s23 =	simm.s32 $0x1BFF;
	s22 =	sshll.u32 s9, $0x1;
	s6 =	sadd.s32 s7, s20  }
0x9f: {  	s10 =	simm.s32 $0x0;
	s21 =	sshll.u32 s8, $0x1;
	s8 =	sadd.s32 s22, s6  }
0xa0: {  	[timem:s10], [sflag:s23] =	dma.local [hbm:s8], s21  }
0xa1: {  	_ =	swait.ge [sflag:s23], s21  }
0xa2: {  	s7 =	ssub.s32 $0x0, s21;
	[sflag:s23] =	ssyncset.done $0x0  }
0xa3: {  	[sflag:s23] =	ssyncadd.s32 s7;
	_ =	sdelay $0x1  }
0xa4: {  	s24 =	simm.s32 $0x1B8B  }
0xa5: {  	_ =	swait.ge [sflag:s24], $0x1  }
0xa6: {  	[sflag:s24] =	ssyncset.done $0x0  }
0xa7: {  	s25 =	simm.s32 $0x1B8E;
	[sflag:s24] =	ssyncadd.s32 $0xFFFFFFFF  }
0xa8: {  	s26 =	simm.s32 $execute0_lowered;
	[smem:$0x3FD2] =	sst s25  }
0xa9: {  	s7 =	sshll.u32 s26, $0x1;
	_ =	strace $0x80000046;
	[dreg:$0x1] =	wrdreg $0xFFFFFFFF  }
0xaa: {  	s28 =	simm.s32 $_size_execute0_lowered;
	s6 =	sadd.s32 s6, s7;
	[dreg:$0x0] =	wrdreg $0x0  }
0xab: {  	s7 =	sshll.u32 s28, $0x1;
	[dreg:$0x2] =	wrdreg s6  }
0xac: {  	[dreg:$0x3] =	wrdreg s7  }
0xad: {  	[dreg:$0x4] =	wrdreg $0xC0  }
0xae: {  	_ =	task [dreg:s10], $0x5FFFF  }
0xaf: {  	[dreg:$0x1] =	wrdreg $0xFFFFFFFF  }
0xb0: {  	[dreg:$0x0] =	wrdreg $0x60  }
0xb1: {  	[dreg:$0x2] =	wrdreg s2  }
0xb2: {  	[dreg:$0x3] =	wrdreg s19  }
0xb3: {  	[dreg:$0x4] =	wrdreg s4  }
0xb4: {  	[dreg:$0x5] =	wrdreg s5  }
0xb5: {  	[dreg:$0x6] =	wrdreg $0x9  }
0xb6: {  	_ =	task.clear_ibuf [dreg:s10], $0x7FFFF;
	_ =	strace $0x90000046  }
0xb7: {  	s29 =	simm.s32 $0x9;
	_ =	strace $0x80000048  }
0xb8: {  	_ =	swait.ge [sflag:s29], $0x1  }
0xb9: {  	[sflag:s29] =	ssyncadd.s32 $0xFFFFFFFF  }
0xba: {  	_ =	strace $0x90000048  }
0xbb: {  	_ =	sfence  }
0xbc: {  	s30 =	sld [smem:$0x0];
	_ =	sdelay $0x2  }
0xbd: {  	s31 =	sshll.u32 s1, $0xD;
	s1 =	sshrl.u32 s1, $0x2  }
0xbe: {  	s3 =	sand.u32 $0x4000, s31;
	s1 =	sadd.s32 s1, s30  }
0xbf: {  	s0 =	sor.u32 s3, s0;
	s1 =	sshll.u32 s1, $0x11  }
0xc0: {  	s0 =	sor.u32 s1, s0  }
0xc1: {  	s0 =	sadd.s32 $0x8F2B, s0  }
0xc2: {  	[sflag:s0] =	ssyncadd.remote.s32 $0x1  }
0xc3: {  	_ =	sfence.sel $0xFFFF  }
0xc4: {  	[dreg:$0x0] =	wrdreg $0xFFFFFFFF;
	(pc) =	sbr.abs _section_cstart, $3  }
0xc5: {  	[dreg:$0x1] =	wrdreg $0xFFFFFFFF  }
0xc6: {  	_ =	task.clear_ibuf [dreg:s10], $0x2FFFF;
	_ =	strace $0x9FFFFFFF  }
0xc7: {  	(tm) =	ssettm $0x7FFFFFFF  }
tec
execute0_lowered:
.L_overlay_start_1:
0x0: {  	(tag) =	ssettag $0x1  }
0x1: {  	s1 =	rddreg [dreg:$0x0]  }
0x2: {  	s0 =	srdreg.scid;
	s2 =	rddreg [dreg:$0x1]  }
0x3: {  	s3 =	stileid.u32;
	s4 =	rddreg [dreg:$0x3];
	s6 =	simm.s32 $0x0  }
0x4: {  	s25 =	simm.s32 $0x11D00;
	s23 =	simm.s32 $0x3;
	s28 =	simm.s32 $0x4  }
0x5: {  	s18 =	simm.s32 $0x5;
	s7 =	simm.s32 $0x6;
	s8 =	simm.s32 $0x7  }
0x6: {  	s17 =	simm.s32 $0x8;
	s20 =	simm.s32 $0x9;
	s22 =	simm.s32 $0xA  }
0x7: {  	s24 =	simm.s32 $0x13;
	s0 =	sand.u32 $0x1, s0;
	s3 =	sshll.u32 s3, $0x1  }
0x8: {  	s21 =	simm.s32 $0x0;
	s3 =	sor.u32 s0, s3;
	s0 =	ssub.s32 $0x2, s0  }
0x9: {  	[smem:$0x7FF] =	sst s6;
	s5 =	smul.u32 $0x1900, s3;
	s30 =	sshrl.u32 s0, $0x1  }
0xa: {  	_ =	strace $0x80000047;
	s3 =	simm.s32 $0x2;
	s0 =	ssub.s32 s0, s30  }
.Ltmp0:
0xb: {  	s31 =	sshrl.u32 s5, $0x3;
	s0 =	smax.u32 s0, $0x1;
	(pc) =	sbr.rel .LBB2_1-.Ltmp0, $4  }
0xc: {  	s9 =	sor.u32 $0x28, s5;
	s10 =	sor.u32 $0x50, s5;
	s11 =	sor.u32 $0x78, s5  }
0xd: {  	s12 =	sor.u32 $0xA0, s5;
	s13 =	sor.u32 $0xC8, s5;
	s14 =	sor.u32 $0xF0, s5  }
0xe: {  	s15 =	sadd.s32 $0x118, s5;
	s2 =	sadd.s32 s2, s31;
	[dreg:$0x6] =	wrdreg s0  }
0xf: {  	s16 =	sadd.s32 $0x140, s5;
	[dreg:$0x5] =	wrdreg s2;
	s2 =	simm.s32 $0x1  }
.LBB2_24:
0x10: {  	s0 =	simm.s32 $0xB  }
0x11: {  	_ =	swait.ge [sflag:s0], $0x1400  }
0x12: {  	[sflag:s0] =	ssyncset.done $0x0  }
0x13: {  	s30 =	simm.s32 $0xC;
	[sflag:s0] =	ssyncadd.s32 $0xFFFFEC00  }
0x14: {  	_ =	swait.ge [sflag:s30], $0x1400  }
0x15: {  	[sflag:s30] =	ssyncset.done $0x0  }
0x16: {  	s31 =	simm.s32 $0xD;
	[sflag:s30] =	ssyncadd.s32 $0xFFFFEC00  }
0x17: {  	_ =	swait.ge [sflag:s31], $0x1400  }
0x18: {  	[sflag:s31] =	ssyncset.done $0x0  }
0x19: {  	s19 =	simm.s32 $0xE;
	[sflag:s31] =	ssyncadd.s32 $0xFFFFEC00  }
0x1a: {  	_ =	swait.ge [sflag:s19], $0x1400  }
0x1b: {  	[sflag:s19] =	ssyncset.done $0x0  }
0x1c: {  	s21 =	simm.s32 $0xF;
	[sflag:s19] =	ssyncadd.s32 $0xFFFFEC00  }
0x1d: {  	_ =	swait.ge [sflag:s21], $0x1400  }
0x1e: {  	[sflag:s21] =	ssyncset.done $0x0  }
0x1f: {  	s26 =	simm.s32 $0x10;
	[sflag:s21] =	ssyncadd.s32 $0xFFFFEC00  }
0x20: {  	_ =	swait.ge [sflag:s26], $0x1400  }
0x21: {  	[sflag:s26] =	ssyncset.done $0x0  }
0x22: {  	s29 =	simm.s32 $0x11;
	[sflag:s26] =	ssyncadd.s32 $0xFFFFEC00  }
0x23: {  	_ =	swait.ge [sflag:s29], $0x1400  }
0x24: {  	[sflag:s29] =	ssyncset.done $0x0  }
0x25: {  	s30 =	simm.s32 $0x12;
	[sflag:s29] =	ssyncadd.s32 $0xFFFFEC00  }
0x26: {  	_ =	swait.ge [sflag:s30], $0x1400  }
0x27: {  	[sflag:s30] =	ssyncset.done $0x0  }
0x28: {  	[sflag:s30] =	ssyncadd.s32 $0xFFFFEC00  }
0x29: {  	_ =	swait.ge [sflag:s24], $0x1400  }
0x2a: {  	[sflag:s24] =	ssyncset.done $0x0  }
0x2b: {  	s19 =	simm.s32 $0x14;
	[sflag:s24] =	ssyncadd.s32 $0xFFFFEC00  }
0x2c: {  	_ =	swait.ge [sflag:s19], $0x1400  }
0x2d: {  	s21 =	rddreg [dreg:$0x7]  }
0x2e: {  	s31 =	rddreg [dreg:$0x6];
	s21 =	sadd.s32 $0x1, s21  }
0x2f: {  	p0 =	sne.s32 s21, s31  }
.Ltmp1:
0x30: {  	_ = 	snop;
	(pc) =	sbr.rel @!p0 .LBB2_25-.Ltmp1, $3  }
0x31: {  	_ =	sdelay $0x1  }
0x32: {  	[sflag:s19] =	ssyncset.done $0x0  }
0x33: {  	[sflag:s19] =	ssyncadd.s32 $0xFFFFEC00  }
.LBB2_1:
0x34: {  	[dreg:$0x7] =	wrdreg s21  }
0x35: {  	s0 =	rddreg [dreg:$0x2];
	s19 =	simm.s32 $0x15  }
0x36: {  	[tilespmem:s6], [sflag:$0x15] =	stream.linear.gather [hbm4b:s0+s6], $0x6400, $0x38;
	[tilespmem:$0x14500] =	vst v63  }
0x37: {  	_ =	swait.ge [sflag:s19], $0x6400  }
0x38: {  	[sflag:s19] =	ssyncset.done $0x0  }
0x39: {  	s30 =	simm.s32 $0x6400;
	s29 =	rddreg [dreg:$0x5];
	[sflag:s19] =	ssyncadd.s32 $0xFFFF9C00  }
0x3a: {  	[tilespmem:s30], [sflag:$0x15] =	stream.linear.gather [hbm4b:s29+s6], $0x1900, $0x38;
	[tilespmem:$0x14500] =	vst v63  }
0x3b: {  	_ =	swait.ge [sflag:s19], $0x1900  }
0x3c: {  	[sflag:s19] =	ssyncset.done $0x0  }
0x3d: {  	s31 =	simm.s32 $0x7D00;
	s0 =	simm.s32 $0x28;
	[sflag:s19] =	ssyncadd.s32 $0xFFFFE700  }
0x3e: {  	[tilespmem:s31], [sflag:$0x1] =	stream.indirect.gather [hbm4b:s1+s0], $0x80, s30, s0, $0xb8;
	[tilespmem:$0x14500] =	vst v63  }
0x3f: {  	s26 =	simm.s32 $0x6428;
	s29 =	simm.s32 $0x9100  }
0x40: {  	[tilespmem:s29], [sflag:$0x2] =	stream.indirect.gather [hbm4b:s1+s0], $0x80, s26, s0, $0xb8;
	[tilespmem:$0x14500] =	vst v63  }
0x41: {  	s30 =	simm.s32 $0x6450;
	s31 =	simm.s32 $0xA500  }
0x42: {  	[tilespmem:s31], [sflag:$0x3] =	stream.indirect.gather [hbm4b:s1+s0], $0x80, s30, s0, $0xb8;
	[tilespmem:$0x14500] =	vst v63  }
0x43: {  	s26 =	simm.s32 $0x6478;
	s29 =	simm.s32 $0xB900  }
0x44: {  	[tilespmem:s29], [sflag:$0x4] =	stream.indirect.gather [hbm4b:s1+s0], $0x80, s26, s0, $0xb8;
	[tilespmem:$0x14500] =	vst v63  }
0x45: {  	s30 =	simm.s32 $0x64A0;
	s31 =	simm.s32 $0xCD00  }
0x46: {  	[tilespmem:s31], [sflag:$0x5] =	stream.indirect.gather [hbm4b:s1+s0], $0x80, s30, s0, $0xb8;
	[tilespmem:$0x14500] =	vst v63  }
0x47: {  	s26 =	simm.s32 $0x64C8;
	s29 =	simm.s32 $0xE100  }
0x48: {  	[tilespmem:s29], [sflag:$0x6] =	stream.indirect.gather [hbm4b:s1+s0], $0x80, s26, s0, $0xb8;
	[tilespmem:$0x14500] =	vst v63  }
0x49: {  	s30 =	simm.s32 $0x64F0;
	s31 =	simm.s32 $0xF500  }
0x4a: {  	[tilespmem:s31], [sflag:$0x7] =	stream.indirect.gather [hbm4b:s1+s0], $0x80, s30, s0, $0xb8;
	[tilespmem:$0x14500] =	vst v63  }
0x4b: {  	s21 =	simm.s32 $0x6518;
	s26 =	simm.s32 $0x10900  }
0x4c: {  	[tilespmem:s26], [sflag:$0x8] =	stream.indirect.gather [hbm4b:s1+s0], $0x80, s21, s0, $0xb8;
	[tilespmem:$0x14500] =	vst v63  }
0x4d: {  	s29 =	simm.s32 $0x6540  }
0x4e: {  	[tilespmem:s25], [sflag:$0x9] =	stream.indirect.gather [hbm4b:s1+s0], $0x80, s29, s0, $0xb8;
	[tilespmem:$0x14500] =	vst v63  }
0x4f: {  	s30 =	simm.s32 $0x6568;
	s31 =	simm.s32 $0x13100;
	s26 =	simm.s32 $0x0  }
0x50: {  	[tilespmem:s31], [sflag:$0xA] =	stream.indirect.gather [hbm4b:s1+s0], $0x80, s30, s0, $0xb8;
	[tilespmem:$0x14500] =	vst v63  }
.LBB2_2:
0x51: {  	_ =	swait.ge [sflag:s2], $0x1400  }
0x52: {  	[sflag:s2] =	ssyncset.done $0x0  }
0x53: {  	s0 =	simm.s32 $0x0;
	[sflag:s2] =	ssyncadd.s32 $0xFFFFEC00  }
0x54: {  	v0 =	vld [tilespmem:s0+$0x1F0]  }
0x55: {  	v1 =	vld [tilespmem:s0+$0x0]  }
0x56: {  	v2 =	vld [tilespmem:s0+$0x10]  }
0x57: {  	v3 =	vld [tilespmem:s0+$0x20]  }
0x58: {  	v4 =	vld [tilespmem:s0+$0x30]  }
0x59: {  	v5 =	vld [tilespmem:s0+$0x40]  }
0x5a: {  	v6 =	vld [tilespmem:s0+$0x50]  }
0x5b: {  	v7 =	vld [tilespmem:s0+$0x60]  }
0x5c: {  	v8 =	vld [tilespmem:s0+$0x70]  }
0x5d: {  	v9 =	vld [tilespmem:s0+$0x80]  }
0x5e: {  	v10 =	vld [tilespmem:s0+$0x90]  }
0x5f: {  	v11 =	vld [tilespmem:s0+$0xA0]  }
0x60: {  	v12 =	vld [tilespmem:s0+$0xB0]  }
0x61: {  	v13 =	vld [tilespmem:s0+$0xC0]  }
0x62: {  	v14 =	vld [tilespmem:s0+$0xD0]  }
0x63: {  	v15 =	vld [tilespmem:s0+$0xE0]  }
0x64: {  	v16 =	vld [tilespmem:s0+$0xF0]  }
0x65: {  	v17 =	vld [tilespmem:s0+$0x100]  }
0x66: {  	v18 =	vld [tilespmem:s0+$0x110]  }
0x67: {  	v19 =	vld [tilespmem:s0+$0x120]  }
0x68: {  	v20 =	vld [tilespmem:s0+$0x130]  }
0x69: {  	v21 =	vld [tilespmem:s0+$0x140]  }
0x6a: {  	v22 =	vld [tilespmem:s0+$0x150]  }
0x6b: {  	v23 =	vld [tilespmem:s0+$0x160]  }
0x6c: {  	v24 =	vld [tilespmem:s0+$0x170]  }
0x6d: {  	v25 =	vld [tilespmem:s0+$0x180]  }
0x6e: {  	v26 =	vld [tilespmem:s0+$0x190]  }
0x6f: {  	v27 =	vld [tilespmem:s0+$0x1A0]  }
0x70: {  	v28 =	vld [tilespmem:s0+$0x1B0]  }
0x71: {  	v29 =	vld [tilespmem:s0+$0x1C0]  }
0x72: {  	v30 =	vld [tilespmem:s0+$0x1D0]  }
0x73: {  	[tilespmem:s0+$0x7EF0] =	vst.add.f32.msk $0xffff, v0  }
0x74: {  	v0 =	vld [tilespmem:s0+$0x1E0]  }
0x75: {  	[tilespmem:s0+$0x7D00] =	vst.add.f32.msk $0xffff, v1  }
0x76: {  	[tilespmem:s0+$0x7D10] =	vst.add.f32.msk $0xffff, v2  }
0x77: {  	[tilespmem:s0+$0x7D20] =	vst.add.f32.msk $0xffff, v3  }
0x78: {  	[tilespmem:s0+$0x7D30] =	vst.add.f32.msk $0xffff, v4  }
0x79: {  	[tilespmem:s0+$0x7D40] =	vst.add.f32.msk $0xffff, v5  }
0x7a: {  	[tilespmem:s0+$0x7D50] =	vst.add.f32.msk $0xffff, v6  }
0x7b: {  	[tilespmem:s0+$0x7D60] =	vst.add.f32.msk $0xffff, v7  }
0x7c: {  	[tilespmem:s0+$0x7D70] =	vst.add.f32.msk $0xffff, v8  }
0x7d: {  	[tilespmem:s0+$0x7D80] =	vst.add.f32.msk $0xffff, v9  }
0x7e: {  	[tilespmem:s0+$0x7D90] =	vst.add.f32.msk $0xffff, v10  }
0x7f: {  	[tilespmem:s0+$0x7DA0] =	vst.add.f32.msk $0xffff, v11  }
0x80: {  	[tilespmem:s0+$0x7DB0] =	vst.add.f32.msk $0xffff, v12  }
0x81: {  	[tilespmem:s0+$0x7DC0] =	vst.add.f32.msk $0xffff, v13  }
0x82: {  	[tilespmem:s0+$0x7DD0] =	vst.add.f32.msk $0xffff, v14  }
0x83: {  	[tilespmem:s0+$0x7DE0] =	vst.add.f32.msk $0xffff, v15  }
0x84: {  	[tilespmem:s0+$0x7DF0] =	vst.add.f32.msk $0xffff, v16  }
0x85: {  	[tilespmem:s0+$0x7E00] =	vst.add.f32.msk $0xffff, v17  }
0x86: {  	[tilespmem:s0+$0x7E10] =	vst.add.f32.msk $0xffff, v18  }
0x87: {  	[tilespmem:s0+$0x7E20] =	vst.add.f32.msk $0xffff, v19  }
0x88: {  	[tilespmem:s0+$0x7E30] =	vst.add.f32.msk $0xffff, v20  }
0x89: {  	[tilespmem:s0+$0x7E40] =	vst.add.f32.msk $0xffff, v21  }
0x8a: {  	[tilespmem:s0+$0x7E50] =	vst.add.f32.msk $0xffff, v22  }
0x8b: {  	[tilespmem:s0+$0x7E60] =	vst.add.f32.msk $0xffff, v23  }
0x8c: {  	[tilespmem:s0+$0x7E70] =	vst.add.f32.msk $0xffff, v24  }
0x8d: {  	[tilespmem:s0+$0x7E80] =	vst.add.f32.msk $0xffff, v25  }
0x8e: {  	[tilespmem:s0+$0x7E90] =	vst.add.f32.msk $0xffff, v26  }
0x8f: {  	[tilespmem:s0+$0x7EA0] =	vst.add.f32.msk $0xffff, v27  }
0x90: {  	[tilespmem:s0+$0x7EB0] =	vst.add.f32.msk $0xffff, v28  }
0x91: {  	[tilespmem:s0+$0x7EC0] =	vst.add.f32.msk $0xffff, v29  }
0x92: {  	s21 =	simm.s32 $0x0;
	s29 =	simm.s32 $0x800;
	[tilespmem:s0+$0x7ED0] =	vst.add.f32.msk $0xffff, v30  }
.LBB2_3:
0x93: {  	s21 =	sadd.s32 $0x4, s21;
	[tilespmem:s0+$0x7EE0] =	vst.add.f32.msk $0xffff, v0;
	s0 =	sshra.s32 s29, $0x2  }
0x94: {  	v0 =	vld [tilespmem:s0+$0x1F0];
	p0 =	slt.u32 s21, $0x24  }
0x95: {  	v1 =	vld [tilespmem:s0+$0x0]  }
0x96: {  	v2 =	vld [tilespmem:s0+$0x10]  }
0x97: {  	v3 =	vld [tilespmem:s0+$0x20]  }
0x98: {  	v4 =	vld [tilespmem:s0+$0x30]  }
0x99: {  	[tilespmem:s0+$0x7EF0] =	vst.add.f32.msk $0xffff, v0  }
0x9a: {  	v5 =	vld [tilespmem:s0+$0x40]  }
0x9b: {  	v6 =	vld [tilespmem:s0+$0x50]  }
0x9c: {  	v7 =	vld [tilespmem:s0+$0x60]  }
0x9d: {  	v8 =	vld [tilespmem:s0+$0x70]  }
0x9e: {  	v9 =	vld [tilespmem:s0+$0x80]  }
0x9f: {  	v10 =	vld [tilespmem:s0+$0x90]  }
0xa0: {  	v11 =	vld [tilespmem:s0+$0xA0]  }
0xa1: {  	v12 =	vld [tilespmem:s0+$0xB0]  }
0xa2: {  	v13 =	vld [tilespmem:s0+$0xC0]  }
0xa3: {  	v14 =	vld [tilespmem:s0+$0xD0]  }
0xa4: {  	v15 =	vld [tilespmem:s0+$0xE0]  }
0xa5: {  	v16 =	vld [tilespmem:s0+$0xF0]  }
0xa6: {  	v17 =	vld [tilespmem:s0+$0x100]  }
0xa7: {  	v18 =	vld [tilespmem:s0+$0x110]  }
0xa8: {  	v19 =	vld [tilespmem:s0+$0x120]  }
0xa9: {  	v20 =	vld [tilespmem:s0+$0x130]  }
0xaa: {  	v21 =	vld [tilespmem:s0+$0x140]  }
0xab: {  	v22 =	vld [tilespmem:s0+$0x150]  }
0xac: {  	v23 =	vld [tilespmem:s0+$0x160]  }
0xad: {  	v24 =	vld [tilespmem:s0+$0x170]  }
0xae: {  	v25 =	vld [tilespmem:s0+$0x180]  }
0xaf: {  	v26 =	vld [tilespmem:s0+$0x190]  }
0xb0: {  	v27 =	vld [tilespmem:s0+$0x1A0]  }
0xb1: {  	v28 =	vld [tilespmem:s0+$0x1B0]  }
0xb2: {  	v29 =	vld [tilespmem:s0+$0x1C0]  }
0xb3: {  	v30 =	vld [tilespmem:s0+$0x1D0]  }
0xb4: {  	v0 =	vld [tilespmem:s0+$0x1E0]  }
0xb5: {  	[tilespmem:s0+$0x7D00] =	vst.add.f32.msk $0xffff, v1  }
0xb6: {  	[tilespmem:s0+$0x7D10] =	vst.add.f32.msk $0xffff, v2  }
0xb7: {  	[tilespmem:s0+$0x7D20] =	vst.add.f32.msk $0xffff, v3  }
0xb8: {  	[tilespmem:s0+$0x7D30] =	vst.add.f32.msk $0xffff, v4  }
0xb9: {  	[tilespmem:s0+$0x7D40] =	vst.add.f32.msk $0xffff, v5  }
0xba: {  	[tilespmem:s0+$0x7D50] =	vst.add.f32.msk $0xffff, v6  }
0xbb: {  	[tilespmem:s0+$0x7D60] =	vst.add.f32.msk $0xffff, v7  }
0xbc: {  	[tilespmem:s0+$0x7D70] =	vst.add.f32.msk $0xffff, v8  }
0xbd: {  	[tilespmem:s0+$0x7D80] =	vst.add.f32.msk $0xffff, v9  }
0xbe: {  	[tilespmem:s0+$0x7D90] =	vst.add.f32.msk $0xffff, v10  }
0xbf: {  	[tilespmem:s0+$0x7DA0] =	vst.add.f32.msk $0xffff, v11  }
0xc0: {  	[tilespmem:s0+$0x7DB0] =	vst.add.f32.msk $0xffff, v12  }
0xc1: {  	[tilespmem:s0+$0x7DC0] =	vst.add.f32.msk $0xffff, v13  }
0xc2: {  	[tilespmem:s0+$0x7DD0] =	vst.add.f32.msk $0xffff, v14  }
0xc3: {  	[tilespmem:s0+$0x7DE0] =	vst.add.f32.msk $0xffff, v15  }
0xc4: {  	[tilespmem:s0+$0x7DF0] =	vst.add.f32.msk $0xffff, v16  }
0xc5: {  	[tilespmem:s0+$0x7E00] =	vst.add.f32.msk $0xffff, v17  }
0xc6: {  	[tilespmem:s0+$0x7E10] =	vst.add.f32.msk $0xffff, v18  }
0xc7: {  	[tilespmem:s0+$0x7E20] =	vst.add.f32.msk $0xffff, v19  }
0xc8: {  	[tilespmem:s0+$0x7E30] =	vst.add.f32.msk $0xffff, v20  }
0xc9: {  	[tilespmem:s0+$0x7E40] =	vst.add.f32.msk $0xffff, v21  }
0xca: {  	[tilespmem:s0+$0x7E50] =	vst.add.f32.msk $0xffff, v22  }
0xcb: {  	[tilespmem:s0+$0x7E60] =	vst.add.f32.msk $0xffff, v23  }
0xcc: {  	[tilespmem:s0+$0x7E70] =	vst.add.f32.msk $0xffff, v24  }
0xcd: {  	[tilespmem:s0+$0x7E80] =	vst.add.f32.msk $0xffff, v25  }
.Ltmp2:
0xce: {  	[tilespmem:s0+$0x7E90] =	vst.add.f32.msk $0xffff, v26;
	(pc) =	sbr.rel @p0 .LBB2_3-.Ltmp2, $4  }
0xcf: {  	[tilespmem:s0+$0x7EA0] =	vst.add.f32.msk $0xffff, v27  }
0xd0: {  	[tilespmem:s0+$0x7EB0] =	vst.add.f32.msk $0xffff, v28  }
0xd1: {  	[tilespmem:s0+$0x7EC0] =	vst.add.f32.msk $0xffff, v29  }
0xd2: {  	s29 =	sadd.s32 $0x800, s29;
	[tilespmem:s0+$0x7ED0] =	vst.add.f32.msk $0xffff, v30  }
0xd3: {  	s31 =	smul.u32 $0x190, s26;
	_ =	sdelay $0x1  }
0xd4: {  	[tilespmem:s0+$0x7EE0] =	vst.add.f32.msk $0xffff, v0;
	s0 =	smul.u32 $0xA, s26;
	s19 =	sadd.s32 s5, s31  }
0xd5: {  	s21 =	simm.s32 $0x7D00;
	p0 =	seq.s32 s26, $0x0;
	s19 =	sshll.u32 s19, $0x4  }
0xd6: {  	s29 =	sadd.s32 $0x9, s0;
	s0 =	simm.s32 @!p0 $0x14;
	s19 =	sadd.s32 s4, s19  }
0xd7: {  	[hbm4b:s19+s6] =	stream.linear.scatter [tilespmem:s21], [sflag:$0xB], $0x1400, $0x38;
	[tilespmem:$0x14500] =	vst v63  }
0xd8: {  	s19 =	smul.u32 @!p0 $0xA0, s29;
	_ =	swait.ge @!p0 [sflag:s0], $0x1400  }
0xd9: {  	[sflag:s0] =	ssyncset.done @!p0 $0x0  }
0xda: {  	[sflag:s0] =	ssyncadd.s32 @!p0 $0xFFFFEC00;
	s0 =	sshra.s32 @!p0 s19, $0x2  }
0xdb: {  	s21 =	simm.s32 @!p0 $0x13100;
	s19 =	simm.s32 @!p0 $0x28;
	s0 =	sadd.s32 @!p0 $0x6400, s0  }
0xdc: {  	[tilespmem:s21], [sflag:$0xA] =	stream.indirect.gather @!p0 [hbm4b:s1+s19], $0x80, s0, s19, $0xb8;
	[tilespmem:$0x14500] =	vst v63  }
0xdd: {  	_ =	swait.ge [sflag:s3], $0x1400  }
0xde: {  	[sflag:s3] =	ssyncset.done $0x0  }
0xdf: {  	s0 =	simm.s32 $0x0;
	[sflag:s3] =	ssyncadd.s32 $0xFFFFEC00  }
0xe0: {  	v0 =	vld [tilespmem:s0+$0x15F0]  }
0xe1: {  	v1 =	vld [tilespmem:s0+$0x1400]  }
0xe2: {  	v2 =	vld [tilespmem:s0+$0x1410]  }
0xe3: {  	v3 =	vld [tilespmem:s0+$0x1420]  }
0xe4: {  	v4 =	vld [tilespmem:s0+$0x1430]  }
0xe5: {  	v5 =	vld [tilespmem:s0+$0x1440]  }
0xe6: {  	v6 =	vld [tilespmem:s0+$0x1450]  }
0xe7: {  	v7 =	vld [tilespmem:s0+$0x1460]  }
0xe8: {  	v8 =	vld [tilespmem:s0+$0x1470]  }
0xe9: {  	v9 =	vld [tilespmem:s0+$0x1480]  }
0xea: {  	v10 =	vld [tilespmem:s0+$0x1490]  }
0xeb: {  	v11 =	vld [tilespmem:s0+$0x14A0]  }
0xec: {  	v12 =	vld [tilespmem:s0+$0x14B0]  }
0xed: {  	v13 =	vld [tilespmem:s0+$0x14C0]  }
0xee: {  	v14 =	vld [tilespmem:s0+$0x14D0]  }
0xef: {  	v15 =	vld [tilespmem:s0+$0x14E0]  }
0xf0: {  	v16 =	vld [tilespmem:s0+$0x14F0]  }
0xf1: {  	v17 =	vld [tilespmem:s0+$0x1500]  }
0xf2: {  	v18 =	vld [tilespmem:s0+$0x1510]  }
0xf3: {  	v19 =	vld [tilespmem:s0+$0x1520]  }
0xf4: {  	v20 =	vld [tilespmem:s0+$0x1530]  }
0xf5: {  	v21 =	vld [tilespmem:s0+$0x1540]  }
0xf6: {  	v22 =	vld [tilespmem:s0+$0x1550]  }
0xf7: {  	v23 =	vld [tilespmem:s0+$0x1560]  }
0xf8: {  	v24 =	vld [tilespmem:s0+$0x1570]  }
0xf9: {  	v25 =	vld [tilespmem:s0+$0x1580]  }
0xfa: {  	v26 =	vld [tilespmem:s0+$0x1590]  }
0xfb: {  	v27 =	vld [tilespmem:s0+$0x15A0]  }
0xfc: {  	v28 =	vld [tilespmem:s0+$0x15B0]  }
0xfd: {  	v29 =	vld [tilespmem:s0+$0x15C0]  }
0xfe: {  	v30 =	vld [tilespmem:s0+$0x15D0]  }
0xff: {  	[tilespmem:s0+$0x92F0] =	vst.add.f32.msk $0xffff, v0  }
0x100: {  	v0 =	vld [tilespmem:s0+$0x15E0]  }
0x101: {  	[tilespmem:s0+$0x9100] =	vst.add.f32.msk $0xffff, v1  }
0x102: {  	[tilespmem:s0+$0x9110] =	vst.add.f32.msk $0xffff, v2  }
0x103: {  	[tilespmem:s0+$0x9120] =	vst.add.f32.msk $0xffff, v3  }
0x104: {  	[tilespmem:s0+$0x9130] =	vst.add.f32.msk $0xffff, v4  }
0x105: {  	[tilespmem:s0+$0x9140] =	vst.add.f32.msk $0xffff, v5  }
0x106: {  	[tilespmem:s0+$0x9150] =	vst.add.f32.msk $0xffff, v6  }
0x107: {  	[tilespmem:s0+$0x9160] =	vst.add.f32.msk $0xffff, v7  }
0x108: {  	[tilespmem:s0+$0x9170] =	vst.add.f32.msk $0xffff, v8  }
0x109: {  	[tilespmem:s0+$0x9180] =	vst.add.f32.msk $0xffff, v9  }
0x10a: {  	[tilespmem:s0+$0x9190] =	vst.add.f32.msk $0xffff, v10  }
0x10b: {  	[tilespmem:s0+$0x91A0] =	vst.add.f32.msk $0xffff, v11  }
0x10c: {  	[tilespmem:s0+$0x91B0] =	vst.add.f32.msk $0xffff, v12  }
0x10d: {  	[tilespmem:s0+$0x91C0] =	vst.add.f32.msk $0xffff, v13  }
0x10e: {  	[tilespmem:s0+$0x91D0] =	vst.add.f32.msk $0xffff, v14  }
0x10f: {  	[tilespmem:s0+$0x91E0] =	vst.add.f32.msk $0xffff, v15  }
0x110: {  	[tilespmem:s0+$0x91F0] =	vst.add.f32.msk $0xffff, v16  }
0x111: {  	[tilespmem:s0+$0x9200] =	vst.add.f32.msk $0xffff, v17  }
0x112: {  	[tilespmem:s0+$0x9210] =	vst.add.f32.msk $0xffff, v18  }
0x113: {  	[tilespmem:s0+$0x9220] =	vst.add.f32.msk $0xffff, v19  }
0x114: {  	[tilespmem:s0+$0x9230] =	vst.add.f32.msk $0xffff, v20  }
0x115: {  	[tilespmem:s0+$0x9240] =	vst.add.f32.msk $0xffff, v21  }
0x116: {  	[tilespmem:s0+$0x9250] =	vst.add.f32.msk $0xffff, v22  }
0x117: {  	[tilespmem:s0+$0x9260] =	vst.add.f32.msk $0xffff, v23  }
0x118: {  	[tilespmem:s0+$0x9270] =	vst.add.f32.msk $0xffff, v24  }
0x119: {  	[tilespmem:s0+$0x9280] =	vst.add.f32.msk $0xffff, v25  }
0x11a: {  	[tilespmem:s0+$0x9290] =	vst.add.f32.msk $0xffff, v26  }
0x11b: {  	[tilespmem:s0+$0x92A0] =	vst.add.f32.msk $0xffff, v27  }
0x11c: {  	[tilespmem:s0+$0x92B0] =	vst.add.f32.msk $0xffff, v28  }
0x11d: {  	[tilespmem:s0+$0x92C0] =	vst.add.f32.msk $0xffff, v29  }
0x11e: {  	s30 =	simm.s32 $0x800;
	s21 =	simm.s32 $0x0;
	[tilespmem:s0+$0x92D0] =	vst.add.f32.msk $0xffff, v30  }
.LBB2_5:
0x11f: {  	s21 =	sadd.s32 $0x4, s21;
	[tilespmem:s0+$0x92E0] =	vst.add.f32.msk $0xffff, v0;
	s0 =	sshra.s32 s30, $0x2  }
0x120: {  	v0 =	vld [tilespmem:s0+$0x15F0];
	p0 =	slt.u32 s21, $0x24  }
0x121: {  	v1 =	vld [tilespmem:s0+$0x1400]  }
0x122: {  	v2 =	vld [tilespmem:s0+$0x1410]  }
0x123: {  	v3 =	vld [tilespmem:s0+$0x1420]  }
0x124: {  	v4 =	vld [tilespmem:s0+$0x1430]  }
0x125: {  	[tilespmem:s0+$0x92F0] =	vst.add.f32.msk $0xffff, v0  }
0x126: {  	v5 =	vld [tilespmem:s0+$0x1440]  }
0x127: {  	v6 =	vld [tilespmem:s0+$0x1450]  }
0x128: {  	v7 =	vld [tilespmem:s0+$0x1460]  }
0x129: {  	v8 =	vld [tilespmem:s0+$0x1470]  }
0x12a: {  	v9 =	vld [tilespmem:s0+$0x1480]  }
0x12b: {  	v10 =	vld [tilespmem:s0+$0x1490]  }
0x12c: {  	v11 =	vld [tilespmem:s0+$0x14A0]  }
0x12d: {  	v12 =	vld [tilespmem:s0+$0x14B0]  }
0x12e: {  	v13 =	vld [tilespmem:s0+$0x14C0]  }
0x12f: {  	v14 =	vld [tilespmem:s0+$0x14D0]  }
0x130: {  	v15 =	vld [tilespmem:s0+$0x14E0]  }
0x131: {  	v16 =	vld [tilespmem:s0+$0x14F0]  }
0x132: {  	v17 =	vld [tilespmem:s0+$0x1500]  }
0x133: {  	v18 =	vld [tilespmem:s0+$0x1510]  }
0x134: {  	v19 =	vld [tilespmem:s0+$0x1520]  }
0x135: {  	v20 =	vld [tilespmem:s0+$0x1530]  }
0x136: {  	v21 =	vld [tilespmem:s0+$0x1540]  }
0x137: {  	v22 =	vld [tilespmem:s0+$0x1550]  }
0x138: {  	v23 =	vld [tilespmem:s0+$0x1560]  }
0x139: {  	v24 =	vld [tilespmem:s0+$0x1570]  }
0x13a: {  	v25 =	vld [tilespmem:s0+$0x1580]  }
0x13b: {  	v26 =	vld [tilespmem:s0+$0x1590]  }
0x13c: {  	v27 =	vld [tilespmem:s0+$0x15A0]  }
0x13d: {  	v28 =	vld [tilespmem:s0+$0x15B0]  }
0x13e: {  	v29 =	vld [tilespmem:s0+$0x15C0]  }
0x13f: {  	v30 =	vld [tilespmem:s0+$0x15D0]  }
0x140: {  	v0 =	vld [tilespmem:s0+$0x15E0]  }
0x141: {  	[tilespmem:s0+$0x9100] =	vst.add.f32.msk $0xffff, v1  }
0x142: {  	[tilespmem:s0+$0x9110] =	vst.add.f32.msk $0xffff, v2  }
0x143: {  	[tilespmem:s0+$0x9120] =	vst.add.f32.msk $0xffff, v3  }
0x144: {  	[tilespmem:s0+$0x9130] =	vst.add.f32.msk $0xffff, v4  }
0x145: {  	[tilespmem:s0+$0x9140] =	vst.add.f32.msk $0xffff, v5  }
0x146: {  	[tilespmem:s0+$0x9150] =	vst.add.f32.msk $0xffff, v6  }
0x147: {  	[tilespmem:s0+$0x9160] =	vst.add.f32.msk $0xffff, v7  }
0x148: {  	[tilespmem:s0+$0x9170] =	vst.add.f32.msk $0xffff, v8  }
0x149: {  	[tilespmem:s0+$0x9180] =	vst.add.f32.msk $0xffff, v9  }
0x14a: {  	[tilespmem:s0+$0x9190] =	vst.add.f32.msk $0xffff, v10  }
0x14b: {  	[tilespmem:s0+$0x91A0] =	vst.add.f32.msk $0xffff, v11  }
0x14c: {  	[tilespmem:s0+$0x91B0] =	vst.add.f32.msk $0xffff, v12  }
0x14d: {  	[tilespmem:s0+$0x91C0] =	vst.add.f32.msk $0xffff, v13  }
0x14e: {  	[tilespmem:s0+$0x91D0] =	vst.add.f32.msk $0xffff, v14  }
0x14f: {  	[tilespmem:s0+$0x91E0] =	vst.add.f32.msk $0xffff, v15  }
0x150: {  	[tilespmem:s0+$0x91F0] =	vst.add.f32.msk $0xffff, v16  }
0x151: {  	[tilespmem:s0+$0x9200] =	vst.add.f32.msk $0xffff, v17  }
0x152: {  	[tilespmem:s0+$0x9210] =	vst.add.f32.msk $0xffff, v18  }
0x153: {  	[tilespmem:s0+$0x9220] =	vst.add.f32.msk $0xffff, v19  }
0x154: {  	[tilespmem:s0+$0x9230] =	vst.add.f32.msk $0xffff, v20  }
0x155: {  	[tilespmem:s0+$0x9240] =	vst.add.f32.msk $0xffff, v21  }
0x156: {  	[tilespmem:s0+$0x9250] =	vst.add.f32.msk $0xffff, v22  }
0x157: {  	[tilespmem:s0+$0x9260] =	vst.add.f32.msk $0xffff, v23  }
0x158: {  	[tilespmem:s0+$0x9270] =	vst.add.f32.msk $0xffff, v24  }
0x159: {  	[tilespmem:s0+$0x9280] =	vst.add.f32.msk $0xffff, v25  }
.Ltmp3:
0x15a: {  	[tilespmem:s0+$0x9290] =	vst.add.f32.msk $0xffff, v26;
	(pc) =	sbr.rel @p0 .LBB2_5-.Ltmp3, $4  }
0x15b: {  	[tilespmem:s0+$0x92A0] =	vst.add.f32.msk $0xffff, v27  }
0x15c: {  	[tilespmem:s0+$0x92B0] =	vst.add.f32.msk $0xffff, v28  }
0x15d: {  	[tilespmem:s0+$0x92C0] =	vst.add.f32.msk $0xffff, v29  }
0x15e: {  	s30 =	sadd.s32 $0x800, s30;
	[tilespmem:s0+$0x92D0] =	vst.add.f32.msk $0xffff, v30  }
0x15f: {  	s19 =	sadd.s32 s9, s31  }
0x160: {  	p0 =	seq.s32 s26, $0xF;
	s19 =	sshll.u32 s19, $0x4  }
0x161: {  	[tilespmem:s0+$0x92E0] =	vst.add.f32.msk $0xffff, v0;
	s21 =	simm.s32 $0x9100;
	s0 =	simm.s32 @!p0 $0xB;
	s19 =	sadd.s32 s4, s19  }
0x162: {  	[hbm4b:s19+s6] =	stream.linear.scatter [tilespmem:s21], [sflag:$0xC], $0x1400, $0x38;
	[tilespmem:$0x14500] =	vst v63  }
0x163: {  	s19 =	smul.u32 @!p0 $0x640, s26;
	_ =	swait.ge @!p0 [sflag:s0], $0x1400  }
0x164: {  	[sflag:s0] =	ssyncset.done @!p0 $0x0  }
0x165: {  	[sflag:s0] =	ssyncadd.s32 @!p0 $0xFFFFEC00;
	s0 =	sshra.s32 @!p0 s19, $0x2  }
0x166: {  	s30 =	simm.s32 @!p0 $0x7D00;
	s21 =	simm.s32 @!p0 $0x28;
	s19 =	sadd.s32 @!p0 $0x6590, s0  }
0x167: {  	[tilespmem:s30], [sflag:$0x1] =	stream.indirect.gather @!p0 [hbm4b:s1+s21], $0x80, s19, s21, $0xb8;
	[tilespmem:$0x14500] =	vst v63  }
0x168: {  	_ =	swait.ge [sflag:s23], $0x1400  }
0x169: {  	[sflag:s23] =	ssyncset.done $0x0  }
0x16a: {  	s21 =	simm.s32 $0x0;
	[sflag:s23] =	ssyncadd.s32 $0xFFFFEC00  }
0x16b: {  	v0 =	vld [tilespmem:s21+$0x29F0]  }
0x16c: {  	v1 =	vld [tilespmem:s21+$0x2800]  }
0x16d: {  	v2 =	vld [tilespmem:s21+$0x2810]  }
0x16e: {  	v3 =	vld [tilespmem:s21+$0x2820]  }
0x16f: {  	v4 =	vld [tilespmem:s21+$0x2830]  }
0x170: {  	v5 =	vld [tilespmem:s21+$0x2840]  }
0x171: {  	v6 =	vld [tilespmem:s21+$0x2850]  }
0x172: {  	v7 =	vld [tilespmem:s21+$0x2860]  }
0x173: {  	v8 =	vld [tilespmem:s21+$0x2870]  }
0x174: {  	v9 =	vld [tilespmem:s21+$0x2880]  }
0x175: {  	v10 =	vld [tilespmem:s21+$0x2890]  }
0x176: {  	v11 =	vld [tilespmem:s21+$0x28A0]  }
0x177: {  	v12 =	vld [tilespmem:s21+$0x28B0]  }
0x178: {  	v13 =	vld [tilespmem:s21+$0x28C0]  }
0x179: {  	v14 =	vld [tilespmem:s21+$0x28D0]  }
0x17a: {  	v15 =	vld [tilespmem:s21+$0x28E0]  }
0x17b: {  	v16 =	vld [tilespmem:s21+$0x28F0]  }
0x17c: {  	v17 =	vld [tilespmem:s21+$0x2900]  }
0x17d: {  	v18 =	vld [tilespmem:s21+$0x2910]  }
0x17e: {  	v19 =	vld [tilespmem:s21+$0x2920]  }
0x17f: {  	v20 =	vld [tilespmem:s21+$0x2930]  }
0x180: {  	v21 =	vld [tilespmem:s21+$0x2940]  }
0x181: {  	v22 =	vld [tilespmem:s21+$0x2950]  }
0x182: {  	v23 =	vld [tilespmem:s21+$0x2960]  }
0x183: {  	v24 =	vld [tilespmem:s21+$0x2970]  }
0x184: {  	v25 =	vld [tilespmem:s21+$0x2980]  }
0x185: {  	v26 =	vld [tilespmem:s21+$0x2990]  }
0x186: {  	v27 =	vld [tilespmem:s21+$0x29A0]  }
0x187: {  	v28 =	vld [tilespmem:s21+$0x29B0]  }
0x188: {  	v29 =	vld [tilespmem:s21+$0x29C0]  }
0x189: {  	v30 =	vld [tilespmem:s21+$0x29D0]  }
0x18a: {  	[tilespmem:s21+$0xA6F0] =	vst.add.f32.msk $0xffff, v0  }
0x18b: {  	v0 =	vld [tilespmem:s21+$0x29E0]  }
0x18c: {  	[tilespmem:s21+$0xA500] =	vst.add.f32.msk $0xffff, v1  }
0x18d: {  	[tilespmem:s21+$0xA510] =	vst.add.f32.msk $0xffff, v2  }
0x18e: {  	[tilespmem:s21+$0xA520] =	vst.add.f32.msk $0xffff, v3  }
0x18f: {  	[tilespmem:s21+$0xA530] =	vst.add.f32.msk $0xffff, v4  }
0x190: {  	[tilespmem:s21+$0xA540] =	vst.add.f32.msk $0xffff, v5  }
0x191: {  	[tilespmem:s21+$0xA550] =	vst.add.f32.msk $0xffff, v6  }
0x192: {  	[tilespmem:s21+$0xA560] =	vst.add.f32.msk $0xffff, v7  }
0x193: {  	[tilespmem:s21+$0xA570] =	vst.add.f32.msk $0xffff, v8  }
0x194: {  	[tilespmem:s21+$0xA580] =	vst.add.f32.msk $0xffff, v9  }
0x195: {  	[tilespmem:s21+$0xA590] =	vst.add.f32.msk $0xffff, v10  }
0x196: {  	[tilespmem:s21+$0xA5A0] =	vst.add.f32.msk $0xffff, v11  }
0x197: {  	[tilespmem:s21+$0xA5B0] =	vst.add.f32.msk $0xffff, v12  }
0x198: {  	[tilespmem:s21+$0xA5C0] =	vst.add.f32.msk $0xffff, v13  }
0x199: {  	[tilespmem:s21+$0xA5D0] =	vst.add.f32.msk $0xffff, v14  }
0x19a: {  	[tilespmem:s21+$0xA5E0] =	vst.add.f32.msk $0xffff, v15  }
0x19b: {  	[tilespmem:s21+$0xA5F0] =	vst.add.f32.msk $0xffff, v16  }
0x19c: {  	[tilespmem:s21+$0xA600] =	vst.add.f32.msk $0xffff, v17  }
0x19d: {  	[tilespmem:s21+$0xA610] =	vst.add.f32.msk $0xffff, v18  }
0x19e: {  	[tilespmem:s21+$0xA620] =	vst.add.f32.msk $0xffff, v19  }
0x19f: {  	[tilespmem:s21+$0xA630] =	vst.add.f32.msk $0xffff, v20  }
0x1a0: {  	[tilespmem:s21+$0xA640] =	vst.add.f32.msk $0xffff, v21  }
0x1a1: {  	[tilespmem:s21+$0xA650] =	vst.add.f32.msk $0xffff, v22  }
0x1a2: {  	[tilespmem:s21+$0xA660] =	vst.add.f32.msk $0xffff, v23  }
0x1a3: {  	[tilespmem:s21+$0xA670] =	vst.add.f32.msk $0xffff, v24  }
0x1a4: {  	[tilespmem:s21+$0xA680] =	vst.add.f32.msk $0xffff, v25  }
0x1a5: {  	[tilespmem:s21+$0xA690] =	vst.add.f32.msk $0xffff, v26  }
0x1a6: {  	[tilespmem:s21+$0xA6A0] =	vst.add.f32.msk $0xffff, v27  }
0x1a7: {  	[tilespmem:s21+$0xA6B0] =	vst.add.f32.msk $0xffff, v28  }
0x1a8: {  	[tilespmem:s21+$0xA6C0] =	vst.add.f32.msk $0xffff, v29  }
0x1a9: {  	s30 =	simm.s32 $0x0;
	s19 =	simm.s32 $0x800;
	[tilespmem:s21+$0xA6D0] =	vst.add.f32.msk $0xffff, v30  }
.LBB2_7:
0x1aa: {  	s30 =	sadd.s32 $0x4, s30;
	[tilespmem:s21+$0xA6E0] =	vst.add.f32.msk $0xffff, v0;
	s21 =	sshra.s32 s19, $0x2  }
0x1ab: {  	v0 =	vld [tilespmem:s21+$0x29F0];
	p1 =	slt.u32 s30, $0x24  }
0x1ac: {  	v1 =	vld [tilespmem:s21+$0x2800]  }
0x1ad: {  	v2 =	vld [tilespmem:s21+$0x2810]  }
0x1ae: {  	v3 =	vld [tilespmem:s21+$0x2820]  }
0x1af: {  	v4 =	vld [tilespmem:s21+$0x2830]  }
0x1b0: {  	[tilespmem:s21+$0xA6F0] =	vst.add.f32.msk $0xffff, v0  }
0x1b1: {  	v5 =	vld [tilespmem:s21+$0x2840]  }
0x1b2: {  	v6 =	vld [tilespmem:s21+$0x2850]  }
0x1b3: {  	v7 =	vld [tilespmem:s21+$0x2860]  }
0x1b4: {  	v8 =	vld [tilespmem:s21+$0x2870]  }
0x1b5: {  	v9 =	vld [tilespmem:s21+$0x2880]  }
0x1b6: {  	v10 =	vld [tilespmem:s21+$0x2890]  }
0x1b7: {  	v11 =	vld [tilespmem:s21+$0x28A0]  }
0x1b8: {  	v12 =	vld [tilespmem:s21+$0x28B0]  }
0x1b9: {  	v13 =	vld [tilespmem:s21+$0x28C0]  }
0x1ba: {  	v14 =	vld [tilespmem:s21+$0x28D0]  }
0x1bb: {  	v15 =	vld [tilespmem:s21+$0x28E0]  }
0x1bc: {  	v16 =	vld [tilespmem:s21+$0x28F0]  }
0x1bd: {  	v17 =	vld [tilespmem:s21+$0x2900]  }
0x1be: {  	v18 =	vld [tilespmem:s21+$0x2910]  }
0x1bf: {  	v19 =	vld [tilespmem:s21+$0x2920]  }
0x1c0: {  	v20 =	vld [tilespmem:s21+$0x2930]  }
0x1c1: {  	v21 =	vld [tilespmem:s21+$0x2940]  }
0x1c2: {  	v22 =	vld [tilespmem:s21+$0x2950]  }
0x1c3: {  	v23 =	vld [tilespmem:s21+$0x2960]  }
0x1c4: {  	v24 =	vld [tilespmem:s21+$0x2970]  }
0x1c5: {  	v25 =	vld [tilespmem:s21+$0x2980]  }
0x1c6: {  	v26 =	vld [tilespmem:s21+$0x2990]  }
0x1c7: {  	v27 =	vld [tilespmem:s21+$0x29A0]  }
0x1c8: {  	v28 =	vld [tilespmem:s21+$0x29B0]  }
0x1c9: {  	v29 =	vld [tilespmem:s21+$0x29C0]  }
0x1ca: {  	v30 =	vld [tilespmem:s21+$0x29D0]  }
0x1cb: {  	v0 =	vld [tilespmem:s21+$0x29E0]  }
0x1cc: {  	[tilespmem:s21+$0xA500] =	vst.add.f32.msk $0xffff, v1  }
0x1cd: {  	[tilespmem:s21+$0xA510] =	vst.add.f32.msk $0xffff, v2  }
0x1ce: {  	[tilespmem:s21+$0xA520] =	vst.add.f32.msk $0xffff, v3  }
0x1cf: {  	[tilespmem:s21+$0xA530] =	vst.add.f32.msk $0xffff, v4  }
0x1d0: {  	[tilespmem:s21+$0xA540] =	vst.add.f32.msk $0xffff, v5  }
0x1d1: {  	[tilespmem:s21+$0xA550] =	vst.add.f32.msk $0xffff, v6  }
0x1d2: {  	[tilespmem:s21+$0xA560] =	vst.add.f32.msk $0xffff, v7  }
0x1d3: {  	[tilespmem:s21+$0xA570] =	vst.add.f32.msk $0xffff, v8  }
0x1d4: {  	[tilespmem:s21+$0xA580] =	vst.add.f32.msk $0xffff, v9  }
0x1d5: {  	[tilespmem:s21+$0xA590] =	vst.add.f32.msk $0xffff, v10  }
0x1d6: {  	[tilespmem:s21+$0xA5A0] =	vst.add.f32.msk $0xffff, v11  }
0x1d7: {  	[tilespmem:s21+$0xA5B0] =	vst.add.f32.msk $0xffff, v12  }
0x1d8: {  	[tilespmem:s21+$0xA5C0] =	vst.add.f32.msk $0xffff, v13  }
0x1d9: {  	[tilespmem:s21+$0xA5D0] =	vst.add.f32.msk $0xffff, v14  }
0x1da: {  	[tilespmem:s21+$0xA5E0] =	vst.add.f32.msk $0xffff, v15  }
0x1db: {  	[tilespmem:s21+$0xA5F0] =	vst.add.f32.msk $0xffff, v16  }
0x1dc: {  	[tilespmem:s21+$0xA600] =	vst.add.f32.msk $0xffff, v17  }
0x1dd: {  	[tilespmem:s21+$0xA610] =	vst.add.f32.msk $0xffff, v18  }
0x1de: {  	[tilespmem:s21+$0xA620] =	vst.add.f32.msk $0xffff, v19  }
0x1df: {  	[tilespmem:s21+$0xA630] =	vst.add.f32.msk $0xffff, v20  }
0x1e0: {  	[tilespmem:s21+$0xA640] =	vst.add.f32.msk $0xffff, v21  }
0x1e1: {  	[tilespmem:s21+$0xA650] =	vst.add.f32.msk $0xffff, v22  }
0x1e2: {  	[tilespmem:s21+$0xA660] =	vst.add.f32.msk $0xffff, v23  }
0x1e3: {  	[tilespmem:s21+$0xA670] =	vst.add.f32.msk $0xffff, v24  }
0x1e4: {  	[tilespmem:s21+$0xA680] =	vst.add.f32.msk $0xffff, v25  }
.Ltmp4:
0x1e5: {  	[tilespmem:s21+$0xA690] =	vst.add.f32.msk $0xffff, v26;
	(pc) =	sbr.rel @p1 .LBB2_7-.Ltmp4, $4  }
0x1e6: {  	[tilespmem:s21+$0xA6A0] =	vst.add.f32.msk $0xffff, v27  }
0x1e7: {  	[tilespmem:s21+$0xA6B0] =	vst.add.f32.msk $0xffff, v28  }
0x1e8: {  	[tilespmem:s21+$0xA6C0] =	vst.add.f32.msk $0xffff, v29  }
0x1e9: {  	s19 =	sadd.s32 $0x800, s19;
	[tilespmem:s21+$0xA6D0] =	vst.add.f32.msk $0xffff, v30  }
0x1ea: {  	s19 =	sadd.s32 s10, s31  }
0x1eb: {  	s19 =	sshll.u32 s19, $0x4  }
0x1ec: {  	[tilespmem:s21+$0xA6E0] =	vst.add.f32.msk $0xffff, v0;
	s21 =	simm.s32 $0xA500;
	s19 =	sadd.s32 s4, s19  }
0x1ed: {  	[hbm4b:s19+s6] =	stream.linear.scatter [tilespmem:s21], [sflag:$0xD], $0x1400, $0x38;
	[tilespmem:$0x14500] =	vst v63  }
0x1ee: {  	s19 =	simm.s32 @!p0 $0xC  }
0x1ef: {  	_ =	swait.ge @!p0 [sflag:s19], $0x1400  }
0x1f0: {  	s30 =	simm.s32 @!p0 $0x9100;
	[sflag:s19] =	ssyncset.done @!p0 $0x0  }
0x1f1: {  	s21 =	simm.s32 @!p0 $0x28;
	[sflag:s19] =	ssyncadd.s32 @!p0 $0xFFFFEC00;
	s19 =	sadd.s32 @!p0 $0x65B8, s0  }
0x1f2: {  	[tilespmem:s30], [sflag:$0x2] =	stream.indirect.gather @!p0 [hbm4b:s1+s21], $0x80, s19, s21, $0xb8;
	[tilespmem:$0x14500] =	vst v63  }
0x1f3: {  	_ =	swait.ge [sflag:s28], $0x1400  }
0x1f4: {  	[sflag:s28] =	ssyncset.done $0x0  }
0x1f5: {  	s21 =	simm.s32 $0x0;
	[sflag:s28] =	ssyncadd.s32 $0xFFFFEC00  }
0x1f6: {  	v0 =	vld [tilespmem:s21+$0x3DF0]  }
0x1f7: {  	v1 =	vld [tilespmem:s21+$0x3C00]  }
0x1f8: {  	v2 =	vld [tilespmem:s21+$0x3C10]  }
0x1f9: {  	v3 =	vld [tilespmem:s21+$0x3C20]  }
0x1fa: {  	v4 =	vld [tilespmem:s21+$0x3C30]  }
0x1fb: {  	v5 =	vld [tilespmem:s21+$0x3C40]  }
0x1fc: {  	v6 =	vld [tilespmem:s21+$0x3C50]  }
0x1fd: {  	v7 =	vld [tilespmem:s21+$0x3C60]  }
0x1fe: {  	v8 =	vld [tilespmem:s21+$0x3C70]  }
0x1ff: {  	v9 =	vld [tilespmem:s21+$0x3C80]  }
0x200: {  	v10 =	vld [tilespmem:s21+$0x3C90]  }
0x201: {  	v11 =	vld [tilespmem:s21+$0x3CA0]  }
0x202: {  	v12 =	vld [tilespmem:s21+$0x3CB0]  }
0x203: {  	v13 =	vld [tilespmem:s21+$0x3CC0]  }
0x204: {  	v14 =	vld [tilespmem:s21+$0x3CD0]  }
0x205: {  	v15 =	vld [tilespmem:s21+$0x3CE0]  }
0x206: {  	v16 =	vld [tilespmem:s21+$0x3CF0]  }
0x207: {  	v17 =	vld [tilespmem:s21+$0x3D00]  }
0x208: {  	v18 =	vld [tilespmem:s21+$0x3D10]  }
0x209: {  	v19 =	vld [tilespmem:s21+$0x3D20]  }
0x20a: {  	v20 =	vld [tilespmem:s21+$0x3D30]  }
0x20b: {  	v21 =	vld [tilespmem:s21+$0x3D40]  }
0x20c: {  	v22 =	vld [tilespmem:s21+$0x3D50]  }
0x20d: {  	v23 =	vld [tilespmem:s21+$0x3D60]  }
0x20e: {  	v24 =	vld [tilespmem:s21+$0x3D70]  }
0x20f: {  	v25 =	vld [tilespmem:s21+$0x3D80]  }
0x210: {  	v26 =	vld [tilespmem:s21+$0x3D90]  }
0x211: {  	v27 =	vld [tilespmem:s21+$0x3DA0]  }
0x212: {  	v28 =	vld [tilespmem:s21+$0x3DB0]  }
0x213: {  	v29 =	vld [tilespmem:s21+$0x3DC0]  }
0x214: {  	v30 =	vld [tilespmem:s21+$0x3DD0]  }
0x215: {  	[tilespmem:s21+$0xBAF0] =	vst.add.f32.msk $0xffff, v0  }
0x216: {  	v0 =	vld [tilespmem:s21+$0x3DE0]  }
0x217: {  	[tilespmem:s21+$0xB900] =	vst.add.f32.msk $0xffff, v1  }
0x218: {  	[tilespmem:s21+$0xB910] =	vst.add.f32.msk $0xffff, v2  }
0x219: {  	[tilespmem:s21+$0xB920] =	vst.add.f32.msk $0xffff, v3  }
0x21a: {  	[tilespmem:s21+$0xB930] =	vst.add.f32.msk $0xffff, v4  }
0x21b: {  	[tilespmem:s21+$0xB940] =	vst.add.f32.msk $0xffff, v5  }
0x21c: {  	[tilespmem:s21+$0xB950] =	vst.add.f32.msk $0xffff, v6  }
0x21d: {  	[tilespmem:s21+$0xB960] =	vst.add.f32.msk $0xffff, v7  }
0x21e: {  	[tilespmem:s21+$0xB970] =	vst.add.f32.msk $0xffff, v8  }
0x21f: {  	[tilespmem:s21+$0xB980] =	vst.add.f32.msk $0xffff, v9  }
0x220: {  	[tilespmem:s21+$0xB990] =	vst.add.f32.msk $0xffff, v10  }
0x221: {  	[tilespmem:s21+$0xB9A0] =	vst.add.f32.msk $0xffff, v11  }
0x222: {  	[tilespmem:s21+$0xB9B0] =	vst.add.f32.msk $0xffff, v12  }
0x223: {  	[tilespmem:s21+$0xB9C0] =	vst.add.f32.msk $0xffff, v13  }
0x224: {  	[tilespmem:s21+$0xB9D0] =	vst.add.f32.msk $0xffff, v14  }
0x225: {  	[tilespmem:s21+$0xB9E0] =	vst.add.f32.msk $0xffff, v15  }
0x226: {  	[tilespmem:s21+$0xB9F0] =	vst.add.f32.msk $0xffff, v16  }
0x227: {  	[tilespmem:s21+$0xBA00] =	vst.add.f32.msk $0xffff, v17  }
0x228: {  	[tilespmem:s21+$0xBA10] =	vst.add.f32.msk $0xffff, v18  }
0x229: {  	[tilespmem:s21+$0xBA20] =	vst.add.f32.msk $0xffff, v19  }
0x22a: {  	[tilespmem:s21+$0xBA30] =	vst.add.f32.msk $0xffff, v20  }
0x22b: {  	[tilespmem:s21+$0xBA40] =	vst.add.f32.msk $0xffff, v21  }
0x22c: {  	[tilespmem:s21+$0xBA50] =	vst.add.f32.msk $0xffff, v22  }
0x22d: {  	[tilespmem:s21+$0xBA60] =	vst.add.f32.msk $0xffff, v23  }
0x22e: {  	[tilespmem:s21+$0xBA70] =	vst.add.f32.msk $0xffff, v24  }
0x22f: {  	[tilespmem:s21+$0xBA80] =	vst.add.f32.msk $0xffff, v25  }
0x230: {  	[tilespmem:s21+$0xBA90] =	vst.add.f32.msk $0xffff, v26  }
0x231: {  	[tilespmem:s21+$0xBAA0] =	vst.add.f32.msk $0xffff, v27  }
0x232: {  	[tilespmem:s21+$0xBAB0] =	vst.add.f32.msk $0xffff, v28  }
0x233: {  	[tilespmem:s21+$0xBAC0] =	vst.add.f32.msk $0xffff, v29  }
0x234: {  	s30 =	simm.s32 $0x0;
	s19 =	simm.s32 $0x800;
	[tilespmem:s21+$0xBAD0] =	vst.add.f32.msk $0xffff, v30  }
.LBB2_9:
0x235: {  	s30 =	sadd.s32 $0x4, s30;
	[tilespmem:s21+$0xBAE0] =	vst.add.f32.msk $0xffff, v0;
	s21 =	sshra.s32 s19, $0x2  }
0x236: {  	v0 =	vld [tilespmem:s21+$0x3DF0];
	p1 =	slt.u32 s30, $0x24  }
0x237: {  	v1 =	vld [tilespmem:s21+$0x3C00]  }
0x238: {  	v2 =	vld [tilespmem:s21+$0x3C10]  }
0x239: {  	v3 =	vld [tilespmem:s21+$0x3C20]  }
0x23a: {  	v4 =	vld [tilespmem:s21+$0x3C30]  }
0x23b: {  	[tilespmem:s21+$0xBAF0] =	vst.add.f32.msk $0xffff, v0  }
0x23c: {  	v5 =	vld [tilespmem:s21+$0x3C40]  }
0x23d: {  	v6 =	vld [tilespmem:s21+$0x3C50]  }
0x23e: {  	v7 =	vld [tilespmem:s21+$0x3C60]  }
0x23f: {  	v8 =	vld [tilespmem:s21+$0x3C70]  }
0x240: {  	v9 =	vld [tilespmem:s21+$0x3C80]  }
0x241: {  	v10 =	vld [tilespmem:s21+$0x3C90]  }
0x242: {  	v11 =	vld [tilespmem:s21+$0x3CA0]  }
0x243: {  	v12 =	vld [tilespmem:s21+$0x3CB0]  }
0x244: {  	v13 =	vld [tilespmem:s21+$0x3CC0]  }
0x245: {  	v14 =	vld [tilespmem:s21+$0x3CD0]  }
0x246: {  	v15 =	vld [tilespmem:s21+$0x3CE0]  }
0x247: {  	v16 =	vld [tilespmem:s21+$0x3CF0]  }
0x248: {  	v17 =	vld [tilespmem:s21+$0x3D00]  }
0x249: {  	v18 =	vld [tilespmem:s21+$0x3D10]  }
0x24a: {  	v19 =	vld [tilespmem:s21+$0x3D20]  }
0x24b: {  	v20 =	vld [tilespmem:s21+$0x3D30]  }
0x24c: {  	v21 =	vld [tilespmem:s21+$0x3D40]  }
0x24d: {  	v22 =	vld [tilespmem:s21+$0x3D50]  }
0x24e: {  	v23 =	vld [tilespmem:s21+$0x3D60]  }
0x24f: {  	v24 =	vld [tilespmem:s21+$0x3D70]  }
0x250: {  	v25 =	vld [tilespmem:s21+$0x3D80]  }
0x251: {  	v26 =	vld [tilespmem:s21+$0x3D90]  }
0x252: {  	v27 =	vld [tilespmem:s21+$0x3DA0]  }
0x253: {  	v28 =	vld [tilespmem:s21+$0x3DB0]  }
0x254: {  	v29 =	vld [tilespmem:s21+$0x3DC0]  }
0x255: {  	v30 =	vld [tilespmem:s21+$0x3DD0]  }
0x256: {  	v0 =	vld [tilespmem:s21+$0x3DE0]  }
0x257: {  	[tilespmem:s21+$0xB900] =	vst.add.f32.msk $0xffff, v1  }
0x258: {  	[tilespmem:s21+$0xB910] =	vst.add.f32.msk $0xffff, v2  }
0x259: {  	[tilespmem:s21+$0xB920] =	vst.add.f32.msk $0xffff, v3  }
0x25a: {  	[tilespmem:s21+$0xB930] =	vst.add.f32.msk $0xffff, v4  }
0x25b: {  	[tilespmem:s21+$0xB940] =	vst.add.f32.msk $0xffff, v5  }
0x25c: {  	[tilespmem:s21+$0xB950] =	vst.add.f32.msk $0xffff, v6  }
0x25d: {  	[tilespmem:s21+$0xB960] =	vst.add.f32.msk $0xffff, v7  }
0x25e: {  	[tilespmem:s21+$0xB970] =	vst.add.f32.msk $0xffff, v8  }
0x25f: {  	[tilespmem:s21+$0xB980] =	vst.add.f32.msk $0xffff, v9  }
0x260: {  	[tilespmem:s21+$0xB990] =	vst.add.f32.msk $0xffff, v10  }
0x261: {  	[tilespmem:s21+$0xB9A0] =	vst.add.f32.msk $0xffff, v11  }
0x262: {  	[tilespmem:s21+$0xB9B0] =	vst.add.f32.msk $0xffff, v12  }
0x263: {  	[tilespmem:s21+$0xB9C0] =	vst.add.f32.msk $0xffff, v13  }
0x264: {  	[tilespmem:s21+$0xB9D0] =	vst.add.f32.msk $0xffff, v14  }
0x265: {  	[tilespmem:s21+$0xB9E0] =	vst.add.f32.msk $0xffff, v15  }
0x266: {  	[tilespmem:s21+$0xB9F0] =	vst.add.f32.msk $0xffff, v16  }
0x267: {  	[tilespmem:s21+$0xBA00] =	vst.add.f32.msk $0xffff, v17  }
0x268: {  	[tilespmem:s21+$0xBA10] =	vst.add.f32.msk $0xffff, v18  }
0x269: {  	[tilespmem:s21+$0xBA20] =	vst.add.f32.msk $0xffff, v19  }
0x26a: {  	[tilespmem:s21+$0xBA30] =	vst.add.f32.msk $0xffff, v20  }
0x26b: {  	[tilespmem:s21+$0xBA40] =	vst.add.f32.msk $0xffff, v21  }
0x26c: {  	[tilespmem:s21+$0xBA50] =	vst.add.f32.msk $0xffff, v22  }
0x26d: {  	[tilespmem:s21+$0xBA60] =	vst.add.f32.msk $0xffff, v23  }
0x26e: {  	[tilespmem:s21+$0xBA70] =	vst.add.f32.msk $0xffff, v24  }
0x26f: {  	[tilespmem:s21+$0xBA80] =	vst.add.f32.msk $0xffff, v25  }
.Ltmp5:
0x270: {  	[tilespmem:s21+$0xBA90] =	vst.add.f32.msk $0xffff, v26;
	(pc) =	sbr.rel @p1 .LBB2_9-.Ltmp5, $4  }
0x271: {  	[tilespmem:s21+$0xBAA0] =	vst.add.f32.msk $0xffff, v27  }
0x272: {  	[tilespmem:s21+$0xBAB0] =	vst.add.f32.msk $0xffff, v28  }
0x273: {  	[tilespmem:s21+$0xBAC0] =	vst.add.f32.msk $0xffff, v29  }
0x274: {  	s19 =	sadd.s32 $0x800, s19;
	[tilespmem:s21+$0xBAD0] =	vst.add.f32.msk $0xffff, v30  }
0x275: {  	s19 =	sadd.s32 s11, s31  }
0x276: {  	s19 =	sshll.u32 s19, $0x4  }
0x277: {  	[tilespmem:s21+$0xBAE0] =	vst.add.f32.msk $0xffff, v0;
	s21 =	simm.s32 $0xB900;
	s19 =	sadd.s32 s4, s19  }
0x278: {  	[hbm4b:s19+s6] =	stream.linear.scatter [tilespmem:s21], [sflag:$0xE], $0x1400, $0x38;
	[tilespmem:$0x14500] =	vst v63  }
0x279: {  	s19 =	simm.s32 @!p0 $0xD  }
0x27a: {  	_ =	swait.ge @!p0 [sflag:s19], $0x1400  }
0x27b: {  	s30 =	simm.s32 @!p0 $0xA500;
	[sflag:s19] =	ssyncset.done @!p0 $0x0  }
0x27c: {  	s21 =	simm.s32 @!p0 $0x28;
	[sflag:s19] =	ssyncadd.s32 @!p0 $0xFFFFEC00;
	s19 =	sadd.s32 @!p0 $0x65E0, s0  }
0x27d: {  	[tilespmem:s30], [sflag:$0x3] =	stream.indirect.gather @!p0 [hbm4b:s1+s21], $0x80, s19, s21, $0xb8;
	[tilespmem:$0x14500] =	vst v63  }
0x27e: {  	_ =	swait.ge [sflag:s18], $0x1400  }
0x27f: {  	[sflag:s18] =	ssyncset.done $0x0  }
0x280: {  	s21 =	simm.s32 $0x0;
	[sflag:s18] =	ssyncadd.s32 $0xFFFFEC00  }
0x281: {  	v0 =	vld [tilespmem:s21+$0x51F0]  }
0x282: {  	v1 =	vld [tilespmem:s21+$0x5000]  }
0x283: {  	v2 =	vld [tilespmem:s21+$0x5010]  }
0x284: {  	v3 =	vld [tilespmem:s21+$0x5020]  }
0x285: {  	v4 =	vld [tilespmem:s21+$0x5030]  }
0x286: {  	v5 =	vld [tilespmem:s21+$0x5040]  }
0x287: {  	v6 =	vld [tilespmem:s21+$0x5050]  }
0x288: {  	v7 =	vld [tilespmem:s21+$0x5060]  }
0x289: {  	v8 =	vld [tilespmem:s21+$0x5070]  }
0x28a: {  	v9 =	vld [tilespmem:s21+$0x5080]  }
0x28b: {  	v10 =	vld [tilespmem:s21+$0x5090]  }
0x28c: {  	v11 =	vld [tilespmem:s21+$0x50A0]  }
0x28d: {  	v12 =	vld [tilespmem:s21+$0x50B0]  }
0x28e: {  	v13 =	vld [tilespmem:s21+$0x50C0]  }
0x28f: {  	v14 =	vld [tilespmem:s21+$0x50D0]  }
0x290: {  	v15 =	vld [tilespmem:s21+$0x50E0]  }
0x291: {  	v16 =	vld [tilespmem:s21+$0x50F0]  }
0x292: {  	v17 =	vld [tilespmem:s21+$0x5100]  }
0x293: {  	v18 =	vld [tilespmem:s21+$0x5110]  }
0x294: {  	v19 =	vld [tilespmem:s21+$0x5120]  }
0x295: {  	v20 =	vld [tilespmem:s21+$0x5130]  }
0x296: {  	v21 =	vld [tilespmem:s21+$0x5140]  }
0x297: {  	v22 =	vld [tilespmem:s21+$0x5150]  }
0x298: {  	v23 =	vld [tilespmem:s21+$0x5160]  }
0x299: {  	v24 =	vld [tilespmem:s21+$0x5170]  }
0x29a: {  	v25 =	vld [tilespmem:s21+$0x5180]  }
0x29b: {  	v26 =	vld [tilespmem:s21+$0x5190]  }
0x29c: {  	v27 =	vld [tilespmem:s21+$0x51A0]  }
0x29d: {  	v28 =	vld [tilespmem:s21+$0x51B0]  }
0x29e: {  	v29 =	vld [tilespmem:s21+$0x51C0]  }
0x29f: {  	v30 =	vld [tilespmem:s21+$0x51D0]  }
0x2a0: {  	[tilespmem:s21+$0xCEF0] =	vst.add.f32.msk $0xffff, v0  }
0x2a1: {  	v0 =	vld [tilespmem:s21+$0x51E0]  }
0x2a2: {  	[tilespmem:s21+$0xCD00] =	vst.add.f32.msk $0xffff, v1  }
0x2a3: {  	[tilespmem:s21+$0xCD10] =	vst.add.f32.msk $0xffff, v2  }
0x2a4: {  	[tilespmem:s21+$0xCD20] =	vst.add.f32.msk $0xffff, v3  }
0x2a5: {  	[tilespmem:s21+$0xCD30] =	vst.add.f32.msk $0xffff, v4  }
0x2a6: {  	[tilespmem:s21+$0xCD40] =	vst.add.f32.msk $0xffff, v5  }
0x2a7: {  	[tilespmem:s21+$0xCD50] =	vst.add.f32.msk $0xffff, v6  }
0x2a8: {  	[tilespmem:s21+$0xCD60] =	vst.add.f32.msk $0xffff, v7  }
0x2a9: {  	[tilespmem:s21+$0xCD70] =	vst.add.f32.msk $0xffff, v8  }
0x2aa: {  	[tilespmem:s21+$0xCD80] =	vst.add.f32.msk $0xffff, v9  }
0x2ab: {  	[tilespmem:s21+$0xCD90] =	vst.add.f32.msk $0xffff, v10  }
0x2ac: {  	[tilespmem:s21+$0xCDA0] =	vst.add.f32.msk $0xffff, v11  }
0x2ad: {  	[tilespmem:s21+$0xCDB0] =	vst.add.f32.msk $0xffff, v12  }
0x2ae: {  	[tilespmem:s21+$0xCDC0] =	vst.add.f32.msk $0xffff, v13  }
0x2af: {  	[tilespmem:s21+$0xCDD0] =	vst.add.f32.msk $0xffff, v14  }
0x2b0: {  	[tilespmem:s21+$0xCDE0] =	vst.add.f32.msk $0xffff, v15  }
0x2b1: {  	[tilespmem:s21+$0xCDF0] =	vst.add.f32.msk $0xffff, v16  }
0x2b2: {  	[tilespmem:s21+$0xCE00] =	vst.add.f32.msk $0xffff, v17  }
0x2b3: {  	[tilespmem:s21+$0xCE10] =	vst.add.f32.msk $0xffff, v18  }
0x2b4: {  	[tilespmem:s21+$0xCE20] =	vst.add.f32.msk $0xffff, v19  }
0x2b5: {  	[tilespmem:s21+$0xCE30] =	vst.add.f32.msk $0xffff, v20  }
0x2b6: {  	[tilespmem:s21+$0xCE40] =	vst.add.f32.msk $0xffff, v21  }
0x2b7: {  	[tilespmem:s21+$0xCE50] =	vst.add.f32.msk $0xffff, v22  }
0x2b8: {  	[tilespmem:s21+$0xCE60] =	vst.add.f32.msk $0xffff, v23  }
0x2b9: {  	[tilespmem:s21+$0xCE70] =	vst.add.f32.msk $0xffff, v24  }
0x2ba: {  	[tilespmem:s21+$0xCE80] =	vst.add.f32.msk $0xffff, v25  }
0x2bb: {  	[tilespmem:s21+$0xCE90] =	vst.add.f32.msk $0xffff, v26  }
0x2bc: {  	[tilespmem:s21+$0xCEA0] =	vst.add.f32.msk $0xffff, v27  }
0x2bd: {  	[tilespmem:s21+$0xCEB0] =	vst.add.f32.msk $0xffff, v28  }
0x2be: {  	[tilespmem:s21+$0xCEC0] =	vst.add.f32.msk $0xffff, v29  }
0x2bf: {  	s30 =	simm.s32 $0x0;
	s19 =	simm.s32 $0x800;
	[tilespmem:s21+$0xCED0] =	vst.add.f32.msk $0xffff, v30  }
.LBB2_11:
0x2c0: {  	s30 =	sadd.s32 $0x4, s30;
	[tilespmem:s21+$0xCEE0] =	vst.add.f32.msk $0xffff, v0;
	s21 =	sshra.s32 s19, $0x2  }
0x2c1: {  	v0 =	vld [tilespmem:s21+$0x51F0];
	p1 =	slt.u32 s30, $0x24  }
0x2c2: {  	v1 =	vld [tilespmem:s21+$0x5000]  }
0x2c3: {  	v2 =	vld [tilespmem:s21+$0x5010]  }
0x2c4: {  	v3 =	vld [tilespmem:s21+$0x5020]  }
0x2c5: {  	v4 =	vld [tilespmem:s21+$0x5030]  }
0x2c6: {  	[tilespmem:s21+$0xCEF0] =	vst.add.f32.msk $0xffff, v0  }
0x2c7: {  	v5 =	vld [tilespmem:s21+$0x5040]  }
0x2c8: {  	v6 =	vld [tilespmem:s21+$0x5050]  }
0x2c9: {  	v7 =	vld [tilespmem:s21+$0x5060]  }
0x2ca: {  	v8 =	vld [tilespmem:s21+$0x5070]  }
0x2cb: {  	v9 =	vld [tilespmem:s21+$0x5080]  }
0x2cc: {  	v10 =	vld [tilespmem:s21+$0x5090]  }
0x2cd: {  	v11 =	vld [tilespmem:s21+$0x50A0]  }
0x2ce: {  	v12 =	vld [tilespmem:s21+$0x50B0]  }
0x2cf: {  	v13 =	vld [tilespmem:s21+$0x50C0]  }
0x2d0: {  	v14 =	vld [tilespmem:s21+$0x50D0]  }
0x2d1: {  	v15 =	vld [tilespmem:s21+$0x50E0]  }
0x2d2: {  	v16 =	vld [tilespmem:s21+$0x50F0]  }
0x2d3: {  	v17 =	vld [tilespmem:s21+$0x5100]  }
0x2d4: {  	v18 =	vld [tilespmem:s21+$0x5110]  }
0x2d5: {  	v19 =	vld [tilespmem:s21+$0x5120]  }
0x2d6: {  	v20 =	vld [tilespmem:s21+$0x5130]  }
0x2d7: {  	v21 =	vld [tilespmem:s21+$0x5140]  }
0x2d8: {  	v22 =	vld [tilespmem:s21+$0x5150]  }
0x2d9: {  	v23 =	vld [tilespmem:s21+$0x5160]  }
0x2da: {  	v24 =	vld [tilespmem:s21+$0x5170]  }
0x2db: {  	v25 =	vld [tilespmem:s21+$0x5180]  }
0x2dc: {  	v26 =	vld [tilespmem:s21+$0x5190]  }
0x2dd: {  	v27 =	vld [tilespmem:s21+$0x51A0]  }
0x2de: {  	v28 =	vld [tilespmem:s21+$0x51B0]  }
0x2df: {  	v29 =	vld [tilespmem:s21+$0x51C0]  }
0x2e0: {  	v30 =	vld [tilespmem:s21+$0x51D0]  }
0x2e1: {  	v0 =	vld [tilespmem:s21+$0x51E0]  }
0x2e2: {  	[tilespmem:s21+$0xCD00] =	vst.add.f32.msk $0xffff, v1  }
0x2e3: {  	[tilespmem:s21+$0xCD10] =	vst.add.f32.msk $0xffff, v2  }
0x2e4: {  	[tilespmem:s21+$0xCD20] =	vst.add.f32.msk $0xffff, v3  }
0x2e5: {  	[tilespmem:s21+$0xCD30] =	vst.add.f32.msk $0xffff, v4  }
0x2e6: {  	[tilespmem:s21+$0xCD40] =	vst.add.f32.msk $0xffff, v5  }
0x2e7: {  	[tilespmem:s21+$0xCD50] =	vst.add.f32.msk $0xffff, v6  }
0x2e8: {  	[tilespmem:s21+$0xCD60] =	vst.add.f32.msk $0xffff, v7  }
0x2e9: {  	[tilespmem:s21+$0xCD70] =	vst.add.f32.msk $0xffff, v8  }
0x2ea: {  	[tilespmem:s21+$0xCD80] =	vst.add.f32.msk $0xffff, v9  }
0x2eb: {  	[tilespmem:s21+$0xCD90] =	vst.add.f32.msk $0xffff, v10  }
0x2ec: {  	[tilespmem:s21+$0xCDA0] =	vst.add.f32.msk $0xffff, v11  }
0x2ed: {  	[tilespmem:s21+$0xCDB0] =	vst.add.f32.msk $0xffff, v12  }
0x2ee: {  	[tilespmem:s21+$0xCDC0] =	vst.add.f32.msk $0xffff, v13  }
0x2ef: {  	[tilespmem:s21+$0xCDD0] =	vst.add.f32.msk $0xffff, v14  }
0x2f0: {  	[tilespmem:s21+$0xCDE0] =	vst.add.f32.msk $0xffff, v15  }
0x2f1: {  	[tilespmem:s21+$0xCDF0] =	vst.add.f32.msk $0xffff, v16  }
0x2f2: {  	[tilespmem:s21+$0xCE00] =	vst.add.f32.msk $0xffff, v17  }
0x2f3: {  	[tilespmem:s21+$0xCE10] =	vst.add.f32.msk $0xffff, v18  }
0x2f4: {  	[tilespmem:s21+$0xCE20] =	vst.add.f32.msk $0xffff, v19  }
0x2f5: {  	[tilespmem:s21+$0xCE30] =	vst.add.f32.msk $0xffff, v20  }
0x2f6: {  	[tilespmem:s21+$0xCE40] =	vst.add.f32.msk $0xffff, v21  }
0x2f7: {  	[tilespmem:s21+$0xCE50] =	vst.add.f32.msk $0xffff, v22  }
0x2f8: {  	[tilespmem:s21+$0xCE60] =	vst.add.f32.msk $0xffff, v23  }
0x2f9: {  	[tilespmem:s21+$0xCE70] =	vst.add.f32.msk $0xffff, v24  }
0x2fa: {  	[tilespmem:s21+$0xCE80] =	vst.add.f32.msk $0xffff, v25  }
.Ltmp6:
0x2fb: {  	[tilespmem:s21+$0xCE90] =	vst.add.f32.msk $0xffff, v26;
	(pc) =	sbr.rel @p1 .LBB2_11-.Ltmp6, $4  }
0x2fc: {  	[tilespmem:s21+$0xCEA0] =	vst.add.f32.msk $0xffff, v27  }
0x2fd: {  	[tilespmem:s21+$0xCEB0] =	vst.add.f32.msk $0xffff, v28  }
0x2fe: {  	[tilespmem:s21+$0xCEC0] =	vst.add.f32.msk $0xffff, v29  }
0x2ff: {  	s19 =	sadd.s32 $0x800, s19;
	[tilespmem:s21+$0xCED0] =	vst.add.f32.msk $0xffff, v30  }
0x300: {  	s19 =	sadd.s32 s12, s31  }
0x301: {  	s19 =	sshll.u32 s19, $0x4  }
0x302: {  	[tilespmem:s21+$0xCEE0] =	vst.add.f32.msk $0xffff, v0;
	s21 =	simm.s32 $0xCD00;
	s19 =	sadd.s32 s4, s19  }
0x303: {  	[hbm4b:s19+s6] =	stream.linear.scatter [tilespmem:s21], [sflag:$0xF], $0x1400, $0x38;
	[tilespmem:$0x14500] =	vst v63  }
0x304: {  	s19 =	simm.s32 @!p0 $0xE  }
0x305: {  	_ =	swait.ge @!p0 [sflag:s19], $0x1400  }
0x306: {  	s30 =	simm.s32 @!p0 $0xB900;
	[sflag:s19] =	ssyncset.done @!p0 $0x0  }
0x307: {  	s21 =	simm.s32 @!p0 $0x28;
	[sflag:s19] =	ssyncadd.s32 @!p0 $0xFFFFEC00;
	s19 =	sadd.s32 @!p0 $0x6608, s0  }
0x308: {  	[tilespmem:s30], [sflag:$0x4] =	stream.indirect.gather @!p0 [hbm4b:s1+s21], $0x80, s19, s21, $0xb8;
	[tilespmem:$0x14500] =	vst v63  }
0x309: {  	_ =	swait.ge [sflag:s7], $0x1400  }
0x30a: {  	[sflag:s7] =	ssyncset.done $0x0  }
0x30b: {  	s21 =	simm.s32 $0x0;
	[sflag:s7] =	ssyncadd.s32 $0xFFFFEC00  }
0x30c: {  	v0 =	vld [tilespmem:s21+$0x1F0]  }
0x30d: {  	v1 =	vld [tilespmem:s21+$0x0]  }
0x30e: {  	v2 =	vld [tilespmem:s21+$0x10]  }
0x30f: {  	v3 =	vld [tilespmem:s21+$0x20]  }
0x310: {  	v4 =	vld [tilespmem:s21+$0x30]  }
0x311: {  	v5 =	vld [tilespmem:s21+$0x40]  }
0x312: {  	v6 =	vld [tilespmem:s21+$0x50]  }
0x313: {  	v7 =	vld [tilespmem:s21+$0x60]  }
0x314: {  	v8 =	vld [tilespmem:s21+$0x70]  }
0x315: {  	v9 =	vld [tilespmem:s21+$0x80]  }
0x316: {  	v10 =	vld [tilespmem:s21+$0x90]  }
0x317: {  	v11 =	vld [tilespmem:s21+$0xA0]  }
0x318: {  	v12 =	vld [tilespmem:s21+$0xB0]  }
0x319: {  	v13 =	vld [tilespmem:s21+$0xC0]  }
0x31a: {  	v14 =	vld [tilespmem:s21+$0xD0]  }
0x31b: {  	v15 =	vld [tilespmem:s21+$0xE0]  }
0x31c: {  	v16 =	vld [tilespmem:s21+$0xF0]  }
0x31d: {  	v17 =	vld [tilespmem:s21+$0x100]  }
0x31e: {  	v18 =	vld [tilespmem:s21+$0x110]  }
0x31f: {  	v19 =	vld [tilespmem:s21+$0x120]  }
0x320: {  	v20 =	vld [tilespmem:s21+$0x130]  }
0x321: {  	v21 =	vld [tilespmem:s21+$0x140]  }
0x322: {  	v22 =	vld [tilespmem:s21+$0x150]  }
0x323: {  	v23 =	vld [tilespmem:s21+$0x160]  }
0x324: {  	v24 =	vld [tilespmem:s21+$0x170]  }
0x325: {  	v25 =	vld [tilespmem:s21+$0x180]  }
0x326: {  	v26 =	vld [tilespmem:s21+$0x190]  }
0x327: {  	v27 =	vld [tilespmem:s21+$0x1A0]  }
0x328: {  	v28 =	vld [tilespmem:s21+$0x1B0]  }
0x329: {  	v29 =	vld [tilespmem:s21+$0x1C0]  }
0x32a: {  	v30 =	vld [tilespmem:s21+$0x1D0]  }
0x32b: {  	[tilespmem:s21+$0xE2F0] =	vst.add.f32.msk $0xffff, v0  }
0x32c: {  	v0 =	vld [tilespmem:s21+$0x1E0]  }
0x32d: {  	[tilespmem:s21+$0xE100] =	vst.add.f32.msk $0xffff, v1  }
0x32e: {  	[tilespmem:s21+$0xE110] =	vst.add.f32.msk $0xffff, v2  }
0x32f: {  	[tilespmem:s21+$0xE120] =	vst.add.f32.msk $0xffff, v3  }
0x330: {  	[tilespmem:s21+$0xE130] =	vst.add.f32.msk $0xffff, v4  }
0x331: {  	[tilespmem:s21+$0xE140] =	vst.add.f32.msk $0xffff, v5  }
0x332: {  	[tilespmem:s21+$0xE150] =	vst.add.f32.msk $0xffff, v6  }
0x333: {  	[tilespmem:s21+$0xE160] =	vst.add.f32.msk $0xffff, v7  }
0x334: {  	[tilespmem:s21+$0xE170] =	vst.add.f32.msk $0xffff, v8  }
0x335: {  	[tilespmem:s21+$0xE180] =	vst.add.f32.msk $0xffff, v9  }
0x336: {  	[tilespmem:s21+$0xE190] =	vst.add.f32.msk $0xffff, v10  }
0x337: {  	[tilespmem:s21+$0xE1A0] =	vst.add.f32.msk $0xffff, v11  }
0x338: {  	[tilespmem:s21+$0xE1B0] =	vst.add.f32.msk $0xffff, v12  }
0x339: {  	[tilespmem:s21+$0xE1C0] =	vst.add.f32.msk $0xffff, v13  }
0x33a: {  	[tilespmem:s21+$0xE1D0] =	vst.add.f32.msk $0xffff, v14  }
0x33b: {  	[tilespmem:s21+$0xE1E0] =	vst.add.f32.msk $0xffff, v15  }
0x33c: {  	[tilespmem:s21+$0xE1F0] =	vst.add.f32.msk $0xffff, v16  }
0x33d: {  	[tilespmem:s21+$0xE200] =	vst.add.f32.msk $0xffff, v17  }
0x33e: {  	[tilespmem:s21+$0xE210] =	vst.add.f32.msk $0xffff, v18  }
0x33f: {  	[tilespmem:s21+$0xE220] =	vst.add.f32.msk $0xffff, v19  }
0x340: {  	[tilespmem:s21+$0xE230] =	vst.add.f32.msk $0xffff, v20  }
0x341: {  	[tilespmem:s21+$0xE240] =	vst.add.f32.msk $0xffff, v21  }
0x342: {  	[tilespmem:s21+$0xE250] =	vst.add.f32.msk $0xffff, v22  }
0x343: {  	[tilespmem:s21+$0xE260] =	vst.add.f32.msk $0xffff, v23  }
0x344: {  	[tilespmem:s21+$0xE270] =	vst.add.f32.msk $0xffff, v24  }
0x345: {  	[tilespmem:s21+$0xE280] =	vst.add.f32.msk $0xffff, v25  }
0x346: {  	[tilespmem:s21+$0xE290] =	vst.add.f32.msk $0xffff, v26  }
0x347: {  	[tilespmem:s21+$0xE2A0] =	vst.add.f32.msk $0xffff, v27  }
0x348: {  	[tilespmem:s21+$0xE2B0] =	vst.add.f32.msk $0xffff, v28  }
0x349: {  	[tilespmem:s21+$0xE2C0] =	vst.add.f32.msk $0xffff, v29  }
0x34a: {  	s30 =	simm.s32 $0x0;
	s19 =	simm.s32 $0x800;
	[tilespmem:s21+$0xE2D0] =	vst.add.f32.msk $0xffff, v30  }
.LBB2_13:
0x34b: {  	s30 =	sadd.s32 $0x4, s30;
	[tilespmem:s21+$0xE2E0] =	vst.add.f32.msk $0xffff, v0;
	s21 =	sshra.s32 s19, $0x2  }
0x34c: {  	v0 =	vld [tilespmem:s21+$0x1F0];
	p1 =	slt.u32 s30, $0x24  }
0x34d: {  	v1 =	vld [tilespmem:s21+$0x0]  }
0x34e: {  	v2 =	vld [tilespmem:s21+$0x10]  }
0x34f: {  	v3 =	vld [tilespmem:s21+$0x20]  }
0x350: {  	v4 =	vld [tilespmem:s21+$0x30]  }
0x351: {  	[tilespmem:s21+$0xE2F0] =	vst.add.f32.msk $0xffff, v0  }
0x352: {  	v5 =	vld [tilespmem:s21+$0x40]  }
0x353: {  	v6 =	vld [tilespmem:s21+$0x50]  }
0x354: {  	v7 =	vld [tilespmem:s21+$0x60]  }
0x355: {  	v8 =	vld [tilespmem:s21+$0x70]  }
0x356: {  	v9 =	vld [tilespmem:s21+$0x80]  }
0x357: {  	v10 =	vld [tilespmem:s21+$0x90]  }
0x358: {  	v11 =	vld [tilespmem:s21+$0xA0]  }
0x359: {  	v12 =	vld [tilespmem:s21+$0xB0]  }
0x35a: {  	v13 =	vld [tilespmem:s21+$0xC0]  }
0x35b: {  	v14 =	vld [tilespmem:s21+$0xD0]  }
0x35c: {  	v15 =	vld [tilespmem:s21+$0xE0]  }
0x35d: {  	v16 =	vld [tilespmem:s21+$0xF0]  }
0x35e: {  	v17 =	vld [tilespmem:s21+$0x100]  }
0x35f: {  	v18 =	vld [tilespmem:s21+$0x110]  }
0x360: {  	v19 =	vld [tilespmem:s21+$0x120]  }
0x361: {  	v20 =	vld [tilespmem:s21+$0x130]  }
0x362: {  	v21 =	vld [tilespmem:s21+$0x140]  }
0x363: {  	v22 =	vld [tilespmem:s21+$0x150]  }
0x364: {  	v23 =	vld [tilespmem:s21+$0x160]  }
0x365: {  	v24 =	vld [tilespmem:s21+$0x170]  }
0x366: {  	v25 =	vld [tilespmem:s21+$0x180]  }
0x367: {  	v26 =	vld [tilespmem:s21+$0x190]  }
0x368: {  	v27 =	vld [tilespmem:s21+$0x1A0]  }
0x369: {  	v28 =	vld [tilespmem:s21+$0x1B0]  }
0x36a: {  	v29 =	vld [tilespmem:s21+$0x1C0]  }
0x36b: {  	v30 =	vld [tilespmem:s21+$0x1D0]  }
0x36c: {  	v0 =	vld [tilespmem:s21+$0x1E0]  }
0x36d: {  	[tilespmem:s21+$0xE100] =	vst.add.f32.msk $0xffff, v1  }
0x36e: {  	[tilespmem:s21+$0xE110] =	vst.add.f32.msk $0xffff, v2  }
0x36f: {  	[tilespmem:s21+$0xE120] =	vst.add.f32.msk $0xffff, v3  }
0x370: {  	[tilespmem:s21+$0xE130] =	vst.add.f32.msk $0xffff, v4  }
0x371: {  	[tilespmem:s21+$0xE140] =	vst.add.f32.msk $0xffff, v5  }
0x372: {  	[tilespmem:s21+$0xE150] =	vst.add.f32.msk $0xffff, v6  }
0x373: {  	[tilespmem:s21+$0xE160] =	vst.add.f32.msk $0xffff, v7  }
0x374: {  	[tilespmem:s21+$0xE170] =	vst.add.f32.msk $0xffff, v8  }
0x375: {  	[tilespmem:s21+$0xE180] =	vst.add.f32.msk $0xffff, v9  }
0x376: {  	[tilespmem:s21+$0xE190] =	vst.add.f32.msk $0xffff, v10  }
0x377: {  	[tilespmem:s21+$0xE1A0] =	vst.add.f32.msk $0xffff, v11  }
0x378: {  	[tilespmem:s21+$0xE1B0] =	vst.add.f32.msk $0xffff, v12  }
0x379: {  	[tilespmem:s21+$0xE1C0] =	vst.add.f32.msk $0xffff, v13  }
0x37a: {  	[tilespmem:s21+$0xE1D0] =	vst.add.f32.msk $0xffff, v14  }
0x37b: {  	[tilespmem:s21+$0xE1E0] =	vst.add.f32.msk $0xffff, v15  }
0x37c: {  	[tilespmem:s21+$0xE1F0] =	vst.add.f32.msk $0xffff, v16  }
0x37d: {  	[tilespmem:s21+$0xE200] =	vst.add.f32.msk $0xffff, v17  }
0x37e: {  	[tilespmem:s21+$0xE210] =	vst.add.f32.msk $0xffff, v18  }
0x37f: {  	[tilespmem:s21+$0xE220] =	vst.add.f32.msk $0xffff, v19  }
0x380: {  	[tilespmem:s21+$0xE230] =	vst.add.f32.msk $0xffff, v20  }
0x381: {  	[tilespmem:s21+$0xE240] =	vst.add.f32.msk $0xffff, v21  }
0x382: {  	[tilespmem:s21+$0xE250] =	vst.add.f32.msk $0xffff, v22  }
0x383: {  	[tilespmem:s21+$0xE260] =	vst.add.f32.msk $0xffff, v23  }
0x384: {  	[tilespmem:s21+$0xE270] =	vst.add.f32.msk $0xffff, v24  }
0x385: {  	[tilespmem:s21+$0xE280] =	vst.add.f32.msk $0xffff, v25  }
.Ltmp7:
0x386: {  	[tilespmem:s21+$0xE290] =	vst.add.f32.msk $0xffff, v26;
	(pc) =	sbr.rel @p1 .LBB2_13-.Ltmp7, $4  }
0x387: {  	[tilespmem:s21+$0xE2A0] =	vst.add.f32.msk $0xffff, v27  }
0x388: {  	[tilespmem:s21+$0xE2B0] =	vst.add.f32.msk $0xffff, v28  }
0x389: {  	[tilespmem:s21+$0xE2C0] =	vst.add.f32.msk $0xffff, v29  }
0x38a: {  	s19 =	sadd.s32 $0x800, s19;
	[tilespmem:s21+$0xE2D0] =	vst.add.f32.msk $0xffff, v30  }
0x38b: {  	s19 =	sadd.s32 s13, s31  }
0x38c: {  	s19 =	sshll.u32 s19, $0x4  }
0x38d: {  	[tilespmem:s21+$0xE2E0] =	vst.add.f32.msk $0xffff, v0;
	s21 =	simm.s32 $0xE100;
	s19 =	sadd.s32 s4, s19  }
0x38e: {  	[hbm4b:s19+s6] =	stream.linear.scatter [tilespmem:s21], [sflag:$0x10], $0x1400, $0x38;
	[tilespmem:$0x14500] =	vst v63  }
0x38f: {  	s19 =	simm.s32 @!p0 $0xF  }
0x390: {  	_ =	swait.ge @!p0 [sflag:s19], $0x1400  }
0x391: {  	s30 =	simm.s32 @!p0 $0xCD00;
	[sflag:s19] =	ssyncset.done @!p0 $0x0  }
0x392: {  	s21 =	simm.s32 @!p0 $0x28;
	[sflag:s19] =	ssyncadd.s32 @!p0 $0xFFFFEC00;
	s19 =	sadd.s32 @!p0 $0x6630, s0  }
0x393: {  	[tilespmem:s30], [sflag:$0x5] =	stream.indirect.gather @!p0 [hbm4b:s1+s21], $0x80, s19, s21, $0xb8;
	[tilespmem:$0x14500] =	vst v63  }
0x394: {  	_ =	swait.ge [sflag:s8], $0x1400  }
0x395: {  	[sflag:s8] =	ssyncset.done $0x0  }
0x396: {  	s21 =	simm.s32 $0x0;
	[sflag:s8] =	ssyncadd.s32 $0xFFFFEC00  }
0x397: {  	v0 =	vld [tilespmem:s21+$0x15F0]  }
0x398: {  	v1 =	vld [tilespmem:s21+$0x1400]  }
0x399: {  	v2 =	vld [tilespmem:s21+$0x1410]  }
0x39a: {  	v3 =	vld [tilespmem:s21+$0x1420]  }
0x39b: {  	v4 =	vld [tilespmem:s21+$0x1430]  }
0x39c: {  	v5 =	vld [tilespmem:s21+$0x1440]  }
0x39d: {  	v6 =	vld [tilespmem:s21+$0x1450]  }
0x39e: {  	v7 =	vld [tilespmem:s21+$0x1460]  }
0x39f: {  	v8 =	vld [tilespmem:s21+$0x1470]  }
0x3a0: {  	v9 =	vld [tilespmem:s21+$0x1480]  }
0x3a1: {  	v10 =	vld [tilespmem:s21+$0x1490]  }
0x3a2: {  	v11 =	vld [tilespmem:s21+$0x14A0]  }
0x3a3: {  	v12 =	vld [tilespmem:s21+$0x14B0]  }
0x3a4: {  	v13 =	vld [tilespmem:s21+$0x14C0]  }
0x3a5: {  	v14 =	vld [tilespmem:s21+$0x14D0]  }
0x3a6: {  	v15 =	vld [tilespmem:s21+$0x14E0]  }
0x3a7: {  	v16 =	vld [tilespmem:s21+$0x14F0]  }
0x3a8: {  	v17 =	vld [tilespmem:s21+$0x1500]  }
0x3a9: {  	v18 =	vld [tilespmem:s21+$0x1510]  }
0x3aa: {  	v19 =	vld [tilespmem:s21+$0x1520]  }
0x3ab: {  	v20 =	vld [tilespmem:s21+$0x1530]  }
0x3ac: {  	v21 =	vld [tilespmem:s21+$0x1540]  }
0x3ad: {  	v22 =	vld [tilespmem:s21+$0x1550]  }
0x3ae: {  	v23 =	vld [tilespmem:s21+$0x1560]  }
0x3af: {  	v24 =	vld [tilespmem:s21+$0x1570]  }
0x3b0: {  	v25 =	vld [tilespmem:s21+$0x1580]  }
0x3b1: {  	v26 =	vld [tilespmem:s21+$0x1590]  }
0x3b2: {  	v27 =	vld [tilespmem:s21+$0x15A0]  }
0x3b3: {  	v28 =	vld [tilespmem:s21+$0x15B0]  }
0x3b4: {  	v29 =	vld [tilespmem:s21+$0x15C0]  }
0x3b5: {  	v30 =	vld [tilespmem:s21+$0x15D0]  }
0x3b6: {  	[tilespmem:s21+$0xF6F0] =	vst.add.f32.msk $0xffff, v0  }
0x3b7: {  	v0 =	vld [tilespmem:s21+$0x15E0]  }
0x3b8: {  	[tilespmem:s21+$0xF500] =	vst.add.f32.msk $0xffff, v1  }
0x3b9: {  	[tilespmem:s21+$0xF510] =	vst.add.f32.msk $0xffff, v2  }
0x3ba: {  	[tilespmem:s21+$0xF520] =	vst.add.f32.msk $0xffff, v3  }
0x3bb: {  	[tilespmem:s21+$0xF530] =	vst.add.f32.msk $0xffff, v4  }
0x3bc: {  	[tilespmem:s21+$0xF540] =	vst.add.f32.msk $0xffff, v5  }
0x3bd: {  	[tilespmem:s21+$0xF550] =	vst.add.f32.msk $0xffff, v6  }
0x3be: {  	[tilespmem:s21+$0xF560] =	vst.add.f32.msk $0xffff, v7  }
0x3bf: {  	[tilespmem:s21+$0xF570] =	vst.add.f32.msk $0xffff, v8  }
0x3c0: {  	[tilespmem:s21+$0xF580] =	vst.add.f32.msk $0xffff, v9  }
0x3c1: {  	[tilespmem:s21+$0xF590] =	vst.add.f32.msk $0xffff, v10  }
0x3c2: {  	[tilespmem:s21+$0xF5A0] =	vst.add.f32.msk $0xffff, v11  }
0x3c3: {  	[tilespmem:s21+$0xF5B0] =	vst.add.f32.msk $0xffff, v12  }
0x3c4: {  	[tilespmem:s21+$0xF5C0] =	vst.add.f32.msk $0xffff, v13  }
0x3c5: {  	[tilespmem:s21+$0xF5D0] =	vst.add.f32.msk $0xffff, v14  }
0x3c6: {  	[tilespmem:s21+$0xF5E0] =	vst.add.f32.msk $0xffff, v15  }
0x3c7: {  	[tilespmem:s21+$0xF5F0] =	vst.add.f32.msk $0xffff, v16  }
0x3c8: {  	[tilespmem:s21+$0xF600] =	vst.add.f32.msk $0xffff, v17  }
0x3c9: {  	[tilespmem:s21+$0xF610] =	vst.add.f32.msk $0xffff, v18  }
0x3ca: {  	[tilespmem:s21+$0xF620] =	vst.add.f32.msk $0xffff, v19  }
0x3cb: {  	[tilespmem:s21+$0xF630] =	vst.add.f32.msk $0xffff, v20  }
0x3cc: {  	[tilespmem:s21+$0xF640] =	vst.add.f32.msk $0xffff, v21  }
0x3cd: {  	[tilespmem:s21+$0xF650] =	vst.add.f32.msk $0xffff, v22  }
0x3ce: {  	[tilespmem:s21+$0xF660] =	vst.add.f32.msk $0xffff, v23  }
0x3cf: {  	[tilespmem:s21+$0xF670] =	vst.add.f32.msk $0xffff, v24  }
0x3d0: {  	[tilespmem:s21+$0xF680] =	vst.add.f32.msk $0xffff, v25  }
0x3d1: {  	[tilespmem:s21+$0xF690] =	vst.add.f32.msk $0xffff, v26  }
0x3d2: {  	[tilespmem:s21+$0xF6A0] =	vst.add.f32.msk $0xffff, v27  }
0x3d3: {  	[tilespmem:s21+$0xF6B0] =	vst.add.f32.msk $0xffff, v28  }
0x3d4: {  	[tilespmem:s21+$0xF6C0] =	vst.add.f32.msk $0xffff, v29  }
0x3d5: {  	s30 =	simm.s32 $0x0;
	s19 =	simm.s32 $0x800;
	[tilespmem:s21+$0xF6D0] =	vst.add.f32.msk $0xffff, v30  }
.LBB2_15:
0x3d6: {  	s30 =	sadd.s32 $0x4, s30;
	[tilespmem:s21+$0xF6E0] =	vst.add.f32.msk $0xffff, v0;
	s21 =	sshra.s32 s19, $0x2  }
0x3d7: {  	v0 =	vld [tilespmem:s21+$0x15F0];
	p1 =	slt.u32 s30, $0x24  }
0x3d8: {  	v1 =	vld [tilespmem:s21+$0x1400]  }
0x3d9: {  	v2 =	vld [tilespmem:s21+$0x1410]  }
0x3da: {  	v3 =	vld [tilespmem:s21+$0x1420]  }
0x3db: {  	v4 =	vld [tilespmem:s21+$0x1430]  }
0x3dc: {  	[tilespmem:s21+$0xF6F0] =	vst.add.f32.msk $0xffff, v0  }
0x3dd: {  	v5 =	vld [tilespmem:s21+$0x1440]  }
0x3de: {  	v6 =	vld [tilespmem:s21+$0x1450]  }
0x3df: {  	v7 =	vld [tilespmem:s21+$0x1460]  }
0x3e0: {  	v8 =	vld [tilespmem:s21+$0x1470]  }
0x3e1: {  	v9 =	vld [tilespmem:s21+$0x1480]  }
0x3e2: {  	v10 =	vld [tilespmem:s21+$0x1490]  }
0x3e3: {  	v11 =	vld [tilespmem:s21+$0x14A0]  }
0x3e4: {  	v12 =	vld [tilespmem:s21+$0x14B0]  }
0x3e5: {  	v13 =	vld [tilespmem:s21+$0x14C0]  }
0x3e6: {  	v14 =	vld [tilespmem:s21+$0x14D0]  }
0x3e7: {  	v15 =	vld [tilespmem:s21+$0x14E0]  }
0x3e8: {  	v16 =	vld [tilespmem:s21+$0x14F0]  }
0x3e9: {  	v17 =	vld [tilespmem:s21+$0x1500]  }
0x3ea: {  	v18 =	vld [tilespmem:s21+$0x1510]  }
0x3eb: {  	v19 =	vld [tilespmem:s21+$0x1520]  }
0x3ec: {  	v20 =	vld [tilespmem:s21+$0x1530]  }
0x3ed: {  	v21 =	vld [tilespmem:s21+$0x1540]  }
0x3ee: {  	v22 =	vld [tilespmem:s21+$0x1550]  }
0x3ef: {  	v23 =	vld [tilespmem:s21+$0x1560]  }
0x3f0: {  	v24 =	vld [tilespmem:s21+$0x1570]  }
0x3f1: {  	v25 =	vld [tilespmem:s21+$0x1580]  }
0x3f2: {  	v26 =	vld [tilespmem:s21+$0x1590]  }
0x3f3: {  	v27 =	vld [tilespmem:s21+$0x15A0]  }
0x3f4: {  	v28 =	vld [tilespmem:s21+$0x15B0]  }
0x3f5: {  	v29 =	vld [tilespmem:s21+$0x15C0]  }
0x3f6: {  	v30 =	vld [tilespmem:s21+$0x15D0]  }
0x3f7: {  	v0 =	vld [tilespmem:s21+$0x15E0]  }
0x3f8: {  	[tilespmem:s21+$0xF500] =	vst.add.f32.msk $0xffff, v1  }
0x3f9: {  	[tilespmem:s21+$0xF510] =	vst.add.f32.msk $0xffff, v2  }
0x3fa: {  	[tilespmem:s21+$0xF520] =	vst.add.f32.msk $0xffff, v3  }
0x3fb: {  	[tilespmem:s21+$0xF530] =	vst.add.f32.msk $0xffff, v4  }
0x3fc: {  	[tilespmem:s21+$0xF540] =	vst.add.f32.msk $0xffff, v5  }
0x3fd: {  	[tilespmem:s21+$0xF550] =	vst.add.f32.msk $0xffff, v6  }
0x3fe: {  	[tilespmem:s21+$0xF560] =	vst.add.f32.msk $0xffff, v7  }
0x3ff: {  	[tilespmem:s21+$0xF570] =	vst.add.f32.msk $0xffff, v8  }
0x400: {  	[tilespmem:s21+$0xF580] =	vst.add.f32.msk $0xffff, v9  }
0x401: {  	[tilespmem:s21+$0xF590] =	vst.add.f32.msk $0xffff, v10  }
0x402: {  	[tilespmem:s21+$0xF5A0] =	vst.add.f32.msk $0xffff, v11  }
0x403: {  	[tilespmem:s21+$0xF5B0] =	vst.add.f32.msk $0xffff, v12  }
0x404: {  	[tilespmem:s21+$0xF5C0] =	vst.add.f32.msk $0xffff, v13  }
0x405: {  	[tilespmem:s21+$0xF5D0] =	vst.add.f32.msk $0xffff, v14  }
0x406: {  	[tilespmem:s21+$0xF5E0] =	vst.add.f32.msk $0xffff, v15  }
0x407: {  	[tilespmem:s21+$0xF5F0] =	vst.add.f32.msk $0xffff, v16  }
0x408: {  	[tilespmem:s21+$0xF600] =	vst.add.f32.msk $0xffff, v17  }
0x409: {  	[tilespmem:s21+$0xF610] =	vst.add.f32.msk $0xffff, v18  }
0x40a: {  	[tilespmem:s21+$0xF620] =	vst.add.f32.msk $0xffff, v19  }
0x40b: {  	[tilespmem:s21+$0xF630] =	vst.add.f32.msk $0xffff, v20  }
0x40c: {  	[tilespmem:s21+$0xF640] =	vst.add.f32.msk $0xffff, v21  }
0x40d: {  	[tilespmem:s21+$0xF650] =	vst.add.f32.msk $0xffff, v22  }
0x40e: {  	[tilespmem:s21+$0xF660] =	vst.add.f32.msk $0xffff, v23  }
0x40f: {  	[tilespmem:s21+$0xF670] =	vst.add.f32.msk $0xffff, v24  }
0x410: {  	[tilespmem:s21+$0xF680] =	vst.add.f32.msk $0xffff, v25  }
.Ltmp8:
0x411: {  	[tilespmem:s21+$0xF690] =	vst.add.f32.msk $0xffff, v26;
	(pc) =	sbr.rel @p1 .LBB2_15-.Ltmp8, $4  }
0x412: {  	[tilespmem:s21+$0xF6A0] =	vst.add.f32.msk $0xffff, v27  }
0x413: {  	[tilespmem:s21+$0xF6B0] =	vst.add.f32.msk $0xffff, v28  }
0x414: {  	[tilespmem:s21+$0xF6C0] =	vst.add.f32.msk $0xffff, v29  }
0x415: {  	s19 =	sadd.s32 $0x800, s19;
	[tilespmem:s21+$0xF6D0] =	vst.add.f32.msk $0xffff, v30  }
0x416: {  	s19 =	sadd.s32 s14, s31  }
0x417: {  	s19 =	sshll.u32 s19, $0x4  }
0x418: {  	[tilespmem:s21+$0xF6E0] =	vst.add.f32.msk $0xffff, v0;
	s21 =	simm.s32 $0xF500;
	s19 =	sadd.s32 s4, s19  }
0x419: {  	[hbm4b:s19+s6] =	stream.linear.scatter [tilespmem:s21], [sflag:$0x11], $0x1400, $0x38;
	[tilespmem:$0x14500] =	vst v63  }
0x41a: {  	s19 =	simm.s32 @!p0 $0x10  }
0x41b: {  	_ =	swait.ge @!p0 [sflag:s19], $0x1400  }
0x41c: {  	s30 =	simm.s32 @!p0 $0xE100;
	[sflag:s19] =	ssyncset.done @!p0 $0x0  }
0x41d: {  	s21 =	simm.s32 @!p0 $0x28;
	[sflag:s19] =	ssyncadd.s32 @!p0 $0xFFFFEC00;
	s19 =	sadd.s32 @!p0 $0x6658, s0  }
0x41e: {  	[tilespmem:s30], [sflag:$0x6] =	stream.indirect.gather @!p0 [hbm4b:s1+s21], $0x80, s19, s21, $0xb8;
	[tilespmem:$0x14500] =	vst v63  }
0x41f: {  	_ =	swait.ge [sflag:s17], $0x1400  }
0x420: {  	[sflag:s17] =	ssyncset.done $0x0  }
0x421: {  	s21 =	simm.s32 $0x0;
	[sflag:s17] =	ssyncadd.s32 $0xFFFFEC00  }
0x422: {  	v0 =	vld [tilespmem:s21+$0x29F0]  }
0x423: {  	v1 =	vld [tilespmem:s21+$0x2800]  }
0x424: {  	v2 =	vld [tilespmem:s21+$0x2810]  }
0x425: {  	v3 =	vld [tilespmem:s21+$0x2820]  }
0x426: {  	v4 =	vld [tilespmem:s21+$0x2830]  }
0x427: {  	v5 =	vld [tilespmem:s21+$0x2840]  }
0x428: {  	v6 =	vld [tilespmem:s21+$0x2850]  }
0x429: {  	v7 =	vld [tilespmem:s21+$0x2860]  }
0x42a: {  	v8 =	vld [tilespmem:s21+$0x2870]  }
0x42b: {  	v9 =	vld [tilespmem:s21+$0x2880]  }
0x42c: {  	v10 =	vld [tilespmem:s21+$0x2890]  }
0x42d: {  	v11 =	vld [tilespmem:s21+$0x28A0]  }
0x42e: {  	v12 =	vld [tilespmem:s21+$0x28B0]  }
0x42f: {  	v13 =	vld [tilespmem:s21+$0x28C0]  }
0x430: {  	v14 =	vld [tilespmem:s21+$0x28D0]  }
0x431: {  	v15 =	vld [tilespmem:s21+$0x28E0]  }
0x432: {  	v16 =	vld [tilespmem:s21+$0x28F0]  }
0x433: {  	v17 =	vld [tilespmem:s21+$0x2900]  }
0x434: {  	v18 =	vld [tilespmem:s21+$0x2910]  }
0x435: {  	v19 =	vld [tilespmem:s21+$0x2920]  }
0x436: {  	v20 =	vld [tilespmem:s21+$0x2930]  }
0x437: {  	v21 =	vld [tilespmem:s21+$0x2940]  }
0x438: {  	v22 =	vld [tilespmem:s21+$0x2950]  }
0x439: {  	v23 =	vld [tilespmem:s21+$0x2960]  }
0x43a: {  	v24 =	vld [tilespmem:s21+$0x2970]  }
0x43b: {  	v25 =	vld [tilespmem:s21+$0x2980]  }
0x43c: {  	v26 =	vld [tilespmem:s21+$0x2990]  }
0x43d: {  	v27 =	vld [tilespmem:s21+$0x29A0]  }
0x43e: {  	v28 =	vld [tilespmem:s21+$0x29B0]  }
0x43f: {  	v29 =	vld [tilespmem:s21+$0x29C0]  }
0x440: {  	v30 =	vld [tilespmem:s21+$0x29D0]  }
0x441: {  	[tilespmem:s21+$0x10AF0] =	vst.add.f32.msk $0xffff, v0  }
0x442: {  	v0 =	vld [tilespmem:s21+$0x29E0]  }
0x443: {  	[tilespmem:s21+$0x10900] =	vst.add.f32.msk $0xffff, v1  }
0x444: {  	[tilespmem:s21+$0x10910] =	vst.add.f32.msk $0xffff, v2  }
0x445: {  	[tilespmem:s21+$0x10920] =	vst.add.f32.msk $0xffff, v3  }
0x446: {  	[tilespmem:s21+$0x10930] =	vst.add.f32.msk $0xffff, v4  }
0x447: {  	[tilespmem:s21+$0x10940] =	vst.add.f32.msk $0xffff, v5  }
0x448: {  	[tilespmem:s21+$0x10950] =	vst.add.f32.msk $0xffff, v6  }
0x449: {  	[tilespmem:s21+$0x10960] =	vst.add.f32.msk $0xffff, v7  }
0x44a: {  	[tilespmem:s21+$0x10970] =	vst.add.f32.msk $0xffff, v8  }
0x44b: {  	[tilespmem:s21+$0x10980] =	vst.add.f32.msk $0xffff, v9  }
0x44c: {  	[tilespmem:s21+$0x10990] =	vst.add.f32.msk $0xffff, v10  }
0x44d: {  	[tilespmem:s21+$0x109A0] =	vst.add.f32.msk $0xffff, v11  }
0x44e: {  	[tilespmem:s21+$0x109B0] =	vst.add.f32.msk $0xffff, v12  }
0x44f: {  	[tilespmem:s21+$0x109C0] =	vst.add.f32.msk $0xffff, v13  }
0x450: {  	[tilespmem:s21+$0x109D0] =	vst.add.f32.msk $0xffff, v14  }
0x451: {  	[tilespmem:s21+$0x109E0] =	vst.add.f32.msk $0xffff, v15  }
0x452: {  	[tilespmem:s21+$0x109F0] =	vst.add.f32.msk $0xffff, v16  }
0x453: {  	[tilespmem:s21+$0x10A00] =	vst.add.f32.msk $0xffff, v17  }
0x454: {  	[tilespmem:s21+$0x10A10] =	vst.add.f32.msk $0xffff, v18  }
0x455: {  	[tilespmem:s21+$0x10A20] =	vst.add.f32.msk $0xffff, v19  }
0x456: {  	[tilespmem:s21+$0x10A30] =	vst.add.f32.msk $0xffff, v20  }
0x457: {  	[tilespmem:s21+$0x10A40] =	vst.add.f32.msk $0xffff, v21  }
0x458: {  	[tilespmem:s21+$0x10A50] =	vst.add.f32.msk $0xffff, v22  }
0x459: {  	[tilespmem:s21+$0x10A60] =	vst.add.f32.msk $0xffff, v23  }
0x45a: {  	[tilespmem:s21+$0x10A70] =	vst.add.f32.msk $0xffff, v24  }
0x45b: {  	[tilespmem:s21+$0x10A80] =	vst.add.f32.msk $0xffff, v25  }
0x45c: {  	[tilespmem:s21+$0x10A90] =	vst.add.f32.msk $0xffff, v26  }
0x45d: {  	[tilespmem:s21+$0x10AA0] =	vst.add.f32.msk $0xffff, v27  }
0x45e: {  	[tilespmem:s21+$0x10AB0] =	vst.add.f32.msk $0xffff, v28  }
0x45f: {  	[tilespmem:s21+$0x10AC0] =	vst.add.f32.msk $0xffff, v29  }
0x460: {  	s30 =	simm.s32 $0x0;
	s19 =	simm.s32 $0x800;
	[tilespmem:s21+$0x10AD0] =	vst.add.f32.msk $0xffff, v30  }
.LBB2_17:
0x461: {  	s30 =	sadd.s32 $0x4, s30;
	[tilespmem:s21+$0x10AE0] =	vst.add.f32.msk $0xffff, v0;
	s21 =	sshra.s32 s19, $0x2  }
0x462: {  	v0 =	vld [tilespmem:s21+$0x29F0];
	p1 =	slt.u32 s30, $0x24  }
0x463: {  	v1 =	vld [tilespmem:s21+$0x2800]  }
0x464: {  	v2 =	vld [tilespmem:s21+$0x2810]  }
0x465: {  	v3 =	vld [tilespmem:s21+$0x2820]  }
0x466: {  	v4 =	vld [tilespmem:s21+$0x2830]  }
0x467: {  	[tilespmem:s21+$0x10AF0] =	vst.add.f32.msk $0xffff, v0  }
0x468: {  	v5 =	vld [tilespmem:s21+$0x2840]  }
0x469: {  	v6 =	vld [tilespmem:s21+$0x2850]  }
0x46a: {  	v7 =	vld [tilespmem:s21+$0x2860]  }
0x46b: {  	v8 =	vld [tilespmem:s21+$0x2870]  }
0x46c: {  	v9 =	vld [tilespmem:s21+$0x2880]  }
0x46d: {  	v10 =	vld [tilespmem:s21+$0x2890]  }
0x46e: {  	v11 =	vld [tilespmem:s21+$0x28A0]  }
0x46f: {  	v12 =	vld [tilespmem:s21+$0x28B0]  }
0x470: {  	v13 =	vld [tilespmem:s21+$0x28C0]  }
0x471: {  	v14 =	vld [tilespmem:s21+$0x28D0]  }
0x472: {  	v15 =	vld [tilespmem:s21+$0x28E0]  }
0x473: {  	v16 =	vld [tilespmem:s21+$0x28F0]  }
0x474: {  	v17 =	vld [tilespmem:s21+$0x2900]  }
0x475: {  	v18 =	vld [tilespmem:s21+$0x2910]  }
0x476: {  	v19 =	vld [tilespmem:s21+$0x2920]  }
0x477: {  	v20 =	vld [tilespmem:s21+$0x2930]  }
0x478: {  	v21 =	vld [tilespmem:s21+$0x2940]  }
0x479: {  	v22 =	vld [tilespmem:s21+$0x2950]  }
0x47a: {  	v23 =	vld [tilespmem:s21+$0x2960]  }
0x47b: {  	v24 =	vld [tilespmem:s21+$0x2970]  }
0x47c: {  	v25 =	vld [tilespmem:s21+$0x2980]  }
0x47d: {  	v26 =	vld [tilespmem:s21+$0x2990]  }
0x47e: {  	v27 =	vld [tilespmem:s21+$0x29A0]  }
0x47f: {  	v28 =	vld [tilespmem:s21+$0x29B0]  }
0x480: {  	v29 =	vld [tilespmem:s21+$0x29C0]  }
0x481: {  	v30 =	vld [tilespmem:s21+$0x29D0]  }
0x482: {  	v0 =	vld [tilespmem:s21+$0x29E0]  }
0x483: {  	[tilespmem:s21+$0x10900] =	vst.add.f32.msk $0xffff, v1  }
0x484: {  	[tilespmem:s21+$0x10910] =	vst.add.f32.msk $0xffff, v2  }
0x485: {  	[tilespmem:s21+$0x10920] =	vst.add.f32.msk $0xffff, v3  }
0x486: {  	[tilespmem:s21+$0x10930] =	vst.add.f32.msk $0xffff, v4  }
0x487: {  	[tilespmem:s21+$0x10940] =	vst.add.f32.msk $0xffff, v5  }
0x488: {  	[tilespmem:s21+$0x10950] =	vst.add.f32.msk $0xffff, v6  }
0x489: {  	[tilespmem:s21+$0x10960] =	vst.add.f32.msk $0xffff, v7  }
0x48a: {  	[tilespmem:s21+$0x10970] =	vst.add.f32.msk $0xffff, v8  }
0x48b: {  	[tilespmem:s21+$0x10980] =	vst.add.f32.msk $0xffff, v9  }
0x48c: {  	[tilespmem:s21+$0x10990] =	vst.add.f32.msk $0xffff, v10  }
0x48d: {  	[tilespmem:s21+$0x109A0] =	vst.add.f32.msk $0xffff, v11  }
0x48e: {  	[tilespmem:s21+$0x109B0] =	vst.add.f32.msk $0xffff, v12  }
0x48f: {  	[tilespmem:s21+$0x109C0] =	vst.add.f32.msk $0xffff, v13  }
0x490: {  	[tilespmem:s21+$0x109D0] =	vst.add.f32.msk $0xffff, v14  }
0x491: {  	[tilespmem:s21+$0x109E0] =	vst.add.f32.msk $0xffff, v15  }
0x492: {  	[tilespmem:s21+$0x109F0] =	vst.add.f32.msk $0xffff, v16  }
0x493: {  	[tilespmem:s21+$0x10A00] =	vst.add.f32.msk $0xffff, v17  }
0x494: {  	[tilespmem:s21+$0x10A10] =	vst.add.f32.msk $0xffff, v18  }
0x495: {  	[tilespmem:s21+$0x10A20] =	vst.add.f32.msk $0xffff, v19  }
0x496: {  	[tilespmem:s21+$0x10A30] =	vst.add.f32.msk $0xffff, v20  }
0x497: {  	[tilespmem:s21+$0x10A40] =	vst.add.f32.msk $0xffff, v21  }
0x498: {  	[tilespmem:s21+$0x10A50] =	vst.add.f32.msk $0xffff, v22  }
0x499: {  	[tilespmem:s21+$0x10A60] =	vst.add.f32.msk $0xffff, v23  }
0x49a: {  	[tilespmem:s21+$0x10A70] =	vst.add.f32.msk $0xffff, v24  }
0x49b: {  	[tilespmem:s21+$0x10A80] =	vst.add.f32.msk $0xffff, v25  }
.Ltmp9:
0x49c: {  	[tilespmem:s21+$0x10A90] =	vst.add.f32.msk $0xffff, v26;
	(pc) =	sbr.rel @p1 .LBB2_17-.Ltmp9, $4  }
0x49d: {  	[tilespmem:s21+$0x10AA0] =	vst.add.f32.msk $0xffff, v27  }
0x49e: {  	[tilespmem:s21+$0x10AB0] =	vst.add.f32.msk $0xffff, v28  }
0x49f: {  	[tilespmem:s21+$0x10AC0] =	vst.add.f32.msk $0xffff, v29  }
0x4a0: {  	s19 =	sadd.s32 $0x800, s19;
	[tilespmem:s21+$0x10AD0] =	vst.add.f32.msk $0xffff, v30  }
0x4a1: {  	s19 =	sadd.s32 s15, s31  }
0x4a2: {  	s19 =	sshll.u32 s19, $0x4  }
0x4a3: {  	[tilespmem:s21+$0x10AE0] =	vst.add.f32.msk $0xffff, v0;
	s21 =	simm.s32 $0x10900;
	s19 =	sadd.s32 s4, s19  }
0x4a4: {  	[hbm4b:s19+s6] =	stream.linear.scatter [tilespmem:s21], [sflag:$0x12], $0x1400, $0x38;
	[tilespmem:$0x14500] =	vst v63  }
0x4a5: {  	s19 =	simm.s32 @!p0 $0x11  }
0x4a6: {  	_ =	swait.ge @!p0 [sflag:s19], $0x1400  }
0x4a7: {  	s30 =	simm.s32 @!p0 $0xF500;
	[sflag:s19] =	ssyncset.done @!p0 $0x0  }
0x4a8: {  	s21 =	simm.s32 @!p0 $0x28;
	[sflag:s19] =	ssyncadd.s32 @!p0 $0xFFFFEC00;
	s19 =	sadd.s32 @!p0 $0x6680, s0  }
0x4a9: {  	[tilespmem:s30], [sflag:$0x7] =	stream.indirect.gather @!p0 [hbm4b:s1+s21], $0x80, s19, s21, $0xb8;
	[tilespmem:$0x14500] =	vst v63  }
0x4aa: {  	_ =	swait.ge [sflag:s20], $0x1400  }
0x4ab: {  	[sflag:s20] =	ssyncset.done $0x0  }
0x4ac: {  	s21 =	simm.s32 $0x0;
	[sflag:s20] =	ssyncadd.s32 $0xFFFFEC00  }
0x4ad: {  	v0 =	vld [tilespmem:s21+$0x3DF0]  }
0x4ae: {  	v1 =	vld [tilespmem:s21+$0x3C00]  }
0x4af: {  	v2 =	vld [tilespmem:s21+$0x3C10]  }
0x4b0: {  	v3 =	vld [tilespmem:s21+$0x3C20]  }
0x4b1: {  	v4 =	vld [tilespmem:s21+$0x3C30]  }
0x4b2: {  	v5 =	vld [tilespmem:s21+$0x3C40]  }
0x4b3: {  	v6 =	vld [tilespmem:s21+$0x3C50]  }
0x4b4: {  	v7 =	vld [tilespmem:s21+$0x3C60]  }
0x4b5: {  	v8 =	vld [tilespmem:s21+$0x3C70]  }
0x4b6: {  	v9 =	vld [tilespmem:s21+$0x3C80]  }
0x4b7: {  	v10 =	vld [tilespmem:s21+$0x3C90]  }
0x4b8: {  	v11 =	vld [tilespmem:s21+$0x3CA0]  }
0x4b9: {  	v12 =	vld [tilespmem:s21+$0x3CB0]  }
0x4ba: {  	v13 =	vld [tilespmem:s21+$0x3CC0]  }
0x4bb: {  	v14 =	vld [tilespmem:s21+$0x3CD0]  }
0x4bc: {  	v15 =	vld [tilespmem:s21+$0x3CE0]  }
0x4bd: {  	v16 =	vld [tilespmem:s21+$0x3CF0]  }
0x4be: {  	v17 =	vld [tilespmem:s21+$0x3D00]  }
0x4bf: {  	v18 =	vld [tilespmem:s21+$0x3D10]  }
0x4c0: {  	v19 =	vld [tilespmem:s21+$0x3D20]  }
0x4c1: {  	v20 =	vld [tilespmem:s21+$0x3D30]  }
0x4c2: {  	v21 =	vld [tilespmem:s21+$0x3D40]  }
0x4c3: {  	v22 =	vld [tilespmem:s21+$0x3D50]  }
0x4c4: {  	v23 =	vld [tilespmem:s21+$0x3D60]  }
0x4c5: {  	v24 =	vld [tilespmem:s21+$0x3D70]  }
0x4c6: {  	v25 =	vld [tilespmem:s21+$0x3D80]  }
0x4c7: {  	v26 =	vld [tilespmem:s21+$0x3D90]  }
0x4c8: {  	v27 =	vld [tilespmem:s21+$0x3DA0]  }
0x4c9: {  	v28 =	vld [tilespmem:s21+$0x3DB0]  }
0x4ca: {  	v29 =	vld [tilespmem:s21+$0x3DC0]  }
0x4cb: {  	v30 =	vld [tilespmem:s21+$0x3DD0]  }
0x4cc: {  	[tilespmem:s21+$0x11EF0] =	vst.add.f32.msk $0xffff, v0  }
0x4cd: {  	v0 =	vld [tilespmem:s21+$0x3DE0]  }
0x4ce: {  	[tilespmem:s21+$0x11D00] =	vst.add.f32.msk $0xffff, v1  }
0x4cf: {  	[tilespmem:s21+$0x11D10] =	vst.add.f32.msk $0xffff, v2  }
0x4d0: {  	[tilespmem:s21+$0x11D20] =	vst.add.f32.msk $0xffff, v3  }
0x4d1: {  	[tilespmem:s21+$0x11D30] =	vst.add.f32.msk $0xffff, v4  }
0x4d2: {  	[tilespmem:s21+$0x11D40] =	vst.add.f32.msk $0xffff, v5  }
0x4d3: {  	[tilespmem:s21+$0x11D50] =	vst.add.f32.msk $0xffff, v6  }
0x4d4: {  	[tilespmem:s21+$0x11D60] =	vst.add.f32.msk $0xffff, v7  }
0x4d5: {  	[tilespmem:s21+$0x11D70] =	vst.add.f32.msk $0xffff, v8  }
0x4d6: {  	[tilespmem:s21+$0x11D80] =	vst.add.f32.msk $0xffff, v9  }
0x4d7: {  	[tilespmem:s21+$0x11D90] =	vst.add.f32.msk $0xffff, v10  }
0x4d8: {  	[tilespmem:s21+$0x11DA0] =	vst.add.f32.msk $0xffff, v11  }
0x4d9: {  	[tilespmem:s21+$0x11DB0] =	vst.add.f32.msk $0xffff, v12  }
0x4da: {  	[tilespmem:s21+$0x11DC0] =	vst.add.f32.msk $0xffff, v13  }
0x4db: {  	[tilespmem:s21+$0x11DD0] =	vst.add.f32.msk $0xffff, v14  }
0x4dc: {  	[tilespmem:s21+$0x11DE0] =	vst.add.f32.msk $0xffff, v15  }
0x4dd: {  	[tilespmem:s21+$0x11DF0] =	vst.add.f32.msk $0xffff, v16  }
0x4de: {  	[tilespmem:s21+$0x11E00] =	vst.add.f32.msk $0xffff, v17  }
0x4df: {  	[tilespmem:s21+$0x11E10] =	vst.add.f32.msk $0xffff, v18  }
0x4e0: {  	[tilespmem:s21+$0x11E20] =	vst.add.f32.msk $0xffff, v19  }
0x4e1: {  	[tilespmem:s21+$0x11E30] =	vst.add.f32.msk $0xffff, v20  }
0x4e2: {  	[tilespmem:s21+$0x11E40] =	vst.add.f32.msk $0xffff, v21  }
0x4e3: {  	[tilespmem:s21+$0x11E50] =	vst.add.f32.msk $0xffff, v22  }
0x4e4: {  	[tilespmem:s21+$0x11E60] =	vst.add.f32.msk $0xffff, v23  }
0x4e5: {  	[tilespmem:s21+$0x11E70] =	vst.add.f32.msk $0xffff, v24  }
0x4e6: {  	[tilespmem:s21+$0x11E80] =	vst.add.f32.msk $0xffff, v25  }
0x4e7: {  	[tilespmem:s21+$0x11E90] =	vst.add.f32.msk $0xffff, v26  }
0x4e8: {  	[tilespmem:s21+$0x11EA0] =	vst.add.f32.msk $0xffff, v27  }
0x4e9: {  	[tilespmem:s21+$0x11EB0] =	vst.add.f32.msk $0xffff, v28  }
0x4ea: {  	[tilespmem:s21+$0x11EC0] =	vst.add.f32.msk $0xffff, v29  }
0x4eb: {  	s30 =	simm.s32 $0x0;
	s19 =	simm.s32 $0x800;
	[tilespmem:s21+$0x11ED0] =	vst.add.f32.msk $0xffff, v30  }
.LBB2_19:
0x4ec: {  	s30 =	sadd.s32 $0x4, s30;
	[tilespmem:s21+$0x11EE0] =	vst.add.f32.msk $0xffff, v0;
	s21 =	sshra.s32 s19, $0x2  }
0x4ed: {  	v0 =	vld [tilespmem:s21+$0x3DF0];
	p1 =	slt.u32 s30, $0x24  }
0x4ee: {  	v1 =	vld [tilespmem:s21+$0x3C00]  }
0x4ef: {  	v2 =	vld [tilespmem:s21+$0x3C10]  }
0x4f0: {  	v3 =	vld [tilespmem:s21+$0x3C20]  }
0x4f1: {  	v4 =	vld [tilespmem:s21+$0x3C30]  }
0x4f2: {  	[tilespmem:s21+$0x11EF0] =	vst.add.f32.msk $0xffff, v0  }
0x4f3: {  	v5 =	vld [tilespmem:s21+$0x3C40]  }
0x4f4: {  	v6 =	vld [tilespmem:s21+$0x3C50]  }
0x4f5: {  	v7 =	vld [tilespmem:s21+$0x3C60]  }
0x4f6: {  	v8 =	vld [tilespmem:s21+$0x3C70]  }
0x4f7: {  	v9 =	vld [tilespmem:s21+$0x3C80]  }
0x4f8: {  	v10 =	vld [tilespmem:s21+$0x3C90]  }
0x4f9: {  	v11 =	vld [tilespmem:s21+$0x3CA0]  }
0x4fa: {  	v12 =	vld [tilespmem:s21+$0x3CB0]  }
0x4fb: {  	v13 =	vld [tilespmem:s21+$0x3CC0]  }
0x4fc: {  	v14 =	vld [tilespmem:s21+$0x3CD0]  }
0x4fd: {  	v15 =	vld [tilespmem:s21+$0x3CE0]  }
0x4fe: {  	v16 =	vld [tilespmem:s21+$0x3CF0]  }
0x4ff: {  	v17 =	vld [tilespmem:s21+$0x3D00]  }
0x500: {  	v18 =	vld [tilespmem:s21+$0x3D10]  }
0x501: {  	v19 =	vld [tilespmem:s21+$0x3D20]  }
0x502: {  	v20 =	vld [tilespmem:s21+$0x3D30]  }
0x503: {  	v21 =	vld [tilespmem:s21+$0x3D40]  }
0x504: {  	v22 =	vld [tilespmem:s21+$0x3D50]  }
0x505: {  	v23 =	vld [tilespmem:s21+$0x3D60]  }
0x506: {  	v24 =	vld [tilespmem:s21+$0x3D70]  }
0x507: {  	v25 =	vld [tilespmem:s21+$0x3D80]  }
0x508: {  	v26 =	vld [tilespmem:s21+$0x3D90]  }
0x509: {  	v27 =	vld [tilespmem:s21+$0x3DA0]  }
0x50a: {  	v28 =	vld [tilespmem:s21+$0x3DB0]  }
0x50b: {  	v29 =	vld [tilespmem:s21+$0x3DC0]  }
0x50c: {  	v30 =	vld [tilespmem:s21+$0x3DD0]  }
0x50d: {  	v0 =	vld [tilespmem:s21+$0x3DE0]  }
0x50e: {  	[tilespmem:s21+$0x11D00] =	vst.add.f32.msk $0xffff, v1  }
0x50f: {  	[tilespmem:s21+$0x11D10] =	vst.add.f32.msk $0xffff, v2  }
0x510: {  	[tilespmem:s21+$0x11D20] =	vst.add.f32.msk $0xffff, v3  }
0x511: {  	[tilespmem:s21+$0x11D30] =	vst.add.f32.msk $0xffff, v4  }
0x512: {  	[tilespmem:s21+$0x11D40] =	vst.add.f32.msk $0xffff, v5  }
0x513: {  	[tilespmem:s21+$0x11D50] =	vst.add.f32.msk $0xffff, v6  }
0x514: {  	[tilespmem:s21+$0x11D60] =	vst.add.f32.msk $0xffff, v7  }
0x515: {  	[tilespmem:s21+$0x11D70] =	vst.add.f32.msk $0xffff, v8  }
0x516: {  	[tilespmem:s21+$0x11D80] =	vst.add.f32.msk $0xffff, v9  }
0x517: {  	[tilespmem:s21+$0x11D90] =	vst.add.f32.msk $0xffff, v10  }
0x518: {  	[tilespmem:s21+$0x11DA0] =	vst.add.f32.msk $0xffff, v11  }
0x519: {  	[tilespmem:s21+$0x11DB0] =	vst.add.f32.msk $0xffff, v12  }
0x51a: {  	[tilespmem:s21+$0x11DC0] =	vst.add.f32.msk $0xffff, v13  }
0x51b: {  	[tilespmem:s21+$0x11DD0] =	vst.add.f32.msk $0xffff, v14  }
0x51c: {  	[tilespmem:s21+$0x11DE0] =	vst.add.f32.msk $0xffff, v15  }
0x51d: {  	[tilespmem:s21+$0x11DF0] =	vst.add.f32.msk $0xffff, v16  }
0x51e: {  	[tilespmem:s21+$0x11E00] =	vst.add.f32.msk $0xffff, v17  }
0x51f: {  	[tilespmem:s21+$0x11E10] =	vst.add.f32.msk $0xffff, v18  }
0x520: {  	[tilespmem:s21+$0x11E20] =	vst.add.f32.msk $0xffff, v19  }
0x521: {  	[tilespmem:s21+$0x11E30] =	vst.add.f32.msk $0xffff, v20  }
0x522: {  	[tilespmem:s21+$0x11E40] =	vst.add.f32.msk $0xffff, v21  }
0x523: {  	[tilespmem:s21+$0x11E50] =	vst.add.f32.msk $0xffff, v22  }
0x524: {  	[tilespmem:s21+$0x11E60] =	vst.add.f32.msk $0xffff, v23  }
0x525: {  	[tilespmem:s21+$0x11E70] =	vst.add.f32.msk $0xffff, v24  }
0x526: {  	[tilespmem:s21+$0x11E80] =	vst.add.f32.msk $0xffff, v25  }
.Ltmp10:
0x527: {  	[tilespmem:s21+$0x11E90] =	vst.add.f32.msk $0xffff, v26;
	(pc) =	sbr.rel @p1 .LBB2_19-.Ltmp10, $4  }
0x528: {  	[tilespmem:s21+$0x11EA0] =	vst.add.f32.msk $0xffff, v27  }
0x529: {  	[tilespmem:s21+$0x11EB0] =	vst.add.f32.msk $0xffff, v28  }
0x52a: {  	[tilespmem:s21+$0x11EC0] =	vst.add.f32.msk $0xffff, v29  }
0x52b: {  	s19 =	sadd.s32 $0x800, s19;
	[tilespmem:s21+$0x11ED0] =	vst.add.f32.msk $0xffff, v30  }
0x52c: {  	s19 =	sadd.s32 s16, s31  }
0x52d: {  	s19 =	sshll.u32 s19, $0x4  }
0x52e: {  	[tilespmem:s21+$0x11EE0] =	vst.add.f32.msk $0xffff, v0;
	s19 =	sadd.s32 s4, s19  }
0x52f: {  	[hbm4b:s19+s6] =	stream.linear.scatter [tilespmem:s25], [sflag:$0x13], $0x1400, $0x38;
	[tilespmem:$0x14500] =	vst v63  }
0x530: {  	s19 =	simm.s32 @!p0 $0x12  }
0x531: {  	_ =	swait.ge @!p0 [sflag:s19], $0x1400  }
0x532: {  	s0 =	sadd.s32 @!p0 $0x66A8, s0;
	[sflag:s19] =	ssyncset.done @!p0 $0x0  }
0x533: {  	s21 =	simm.s32 @!p0 $0x10900;
	[sflag:s19] =	ssyncadd.s32 @!p0 $0xFFFFEC00;
	s19 =	simm.s32 @!p0 $0x28  }
0x534: {  	[tilespmem:s21], [sflag:$0x8] =	stream.indirect.gather @!p0 [hbm4b:s1+s19], $0x80, s0, s19, $0xb8;
	[tilespmem:$0x14500] =	vst v63  }
0x535: {  	_ =	swait.ge [sflag:s22], $0x1400  }
0x536: {  	[sflag:s22] =	ssyncset.done $0x0  }
0x537: {  	s0 =	simm.s32 $0x0;
	[sflag:s22] =	ssyncadd.s32 $0xFFFFEC00  }
0x538: {  	v0 =	vld [tilespmem:s0+$0x51F0]  }
0x539: {  	v1 =	vld [tilespmem:s0+$0x5000]  }
0x53a: {  	v2 =	vld [tilespmem:s0+$0x5010]  }
0x53b: {  	v3 =	vld [tilespmem:s0+$0x5020]  }
0x53c: {  	v4 =	vld [tilespmem:s0+$0x5030]  }
0x53d: {  	v5 =	vld [tilespmem:s0+$0x5040]  }
0x53e: {  	v6 =	vld [tilespmem:s0+$0x5050]  }
0x53f: {  	v7 =	vld [tilespmem:s0+$0x5060]  }
0x540: {  	v8 =	vld [tilespmem:s0+$0x5070]  }
0x541: {  	v9 =	vld [tilespmem:s0+$0x5080]  }
0x542: {  	v10 =	vld [tilespmem:s0+$0x5090]  }
0x543: {  	v11 =	vld [tilespmem:s0+$0x50A0]  }
0x544: {  	v12 =	vld [tilespmem:s0+$0x50B0]  }
0x545: {  	v13 =	vld [tilespmem:s0+$0x50C0]  }
0x546: {  	v14 =	vld [tilespmem:s0+$0x50D0]  }
0x547: {  	v15 =	vld [tilespmem:s0+$0x50E0]  }
0x548: {  	v16 =	vld [tilespmem:s0+$0x50F0]  }
0x549: {  	v17 =	vld [tilespmem:s0+$0x5100]  }
0x54a: {  	v18 =	vld [tilespmem:s0+$0x5110]  }
0x54b: {  	v19 =	vld [tilespmem:s0+$0x5120]  }
0x54c: {  	v20 =	vld [tilespmem:s0+$0x5130]  }
0x54d: {  	v21 =	vld [tilespmem:s0+$0x5140]  }
0x54e: {  	v22 =	vld [tilespmem:s0+$0x5150]  }
0x54f: {  	v23 =	vld [tilespmem:s0+$0x5160]  }
0x550: {  	v24 =	vld [tilespmem:s0+$0x5170]  }
0x551: {  	v25 =	vld [tilespmem:s0+$0x5180]  }
0x552: {  	v26 =	vld [tilespmem:s0+$0x5190]  }
0x553: {  	v27 =	vld [tilespmem:s0+$0x51A0]  }
0x554: {  	v28 =	vld [tilespmem:s0+$0x51B0]  }
0x555: {  	v29 =	vld [tilespmem:s0+$0x51C0]  }
0x556: {  	v30 =	vld [tilespmem:s0+$0x51D0]  }
0x557: {  	[tilespmem:s0+$0x132F0] =	vst.add.f32.msk $0xffff, v0  }
0x558: {  	v0 =	vld [tilespmem:s0+$0x51E0]  }
0x559: {  	[tilespmem:s0+$0x13100] =	vst.add.f32.msk $0xffff, v1  }
0x55a: {  	[tilespmem:s0+$0x13110] =	vst.add.f32.msk $0xffff, v2  }
0x55b: {  	[tilespmem:s0+$0x13120] =	vst.add.f32.msk $0xffff, v3  }
0x55c: {  	[tilespmem:s0+$0x13130] =	vst.add.f32.msk $0xffff, v4  }
0x55d: {  	[tilespmem:s0+$0x13140] =	vst.add.f32.msk $0xffff, v5  }
0x55e: {  	[tilespmem:s0+$0x13150] =	vst.add.f32.msk $0xffff, v6  }
0x55f: {  	[tilespmem:s0+$0x13160] =	vst.add.f32.msk $0xffff, v7  }
0x560: {  	[tilespmem:s0+$0x13170] =	vst.add.f32.msk $0xffff, v8  }
0x561: {  	[tilespmem:s0+$0x13180] =	vst.add.f32.msk $0xffff, v9  }
0x562: {  	[tilespmem:s0+$0x13190] =	vst.add.f32.msk $0xffff, v10  }
0x563: {  	[tilespmem:s0+$0x131A0] =	vst.add.f32.msk $0xffff, v11  }
0x564: {  	[tilespmem:s0+$0x131B0] =	vst.add.f32.msk $0xffff, v12  }
0x565: {  	[tilespmem:s0+$0x131C0] =	vst.add.f32.msk $0xffff, v13  }
0x566: {  	[tilespmem:s0+$0x131D0] =	vst.add.f32.msk $0xffff, v14  }
0x567: {  	[tilespmem:s0+$0x131E0] =	vst.add.f32.msk $0xffff, v15  }
0x568: {  	[tilespmem:s0+$0x131F0] =	vst.add.f32.msk $0xffff, v16  }
0x569: {  	[tilespmem:s0+$0x13200] =	vst.add.f32.msk $0xffff, v17  }
0x56a: {  	[tilespmem:s0+$0x13210] =	vst.add.f32.msk $0xffff, v18  }
0x56b: {  	[tilespmem:s0+$0x13220] =	vst.add.f32.msk $0xffff, v19  }
0x56c: {  	[tilespmem:s0+$0x13230] =	vst.add.f32.msk $0xffff, v20  }
0x56d: {  	[tilespmem:s0+$0x13240] =	vst.add.f32.msk $0xffff, v21  }
0x56e: {  	[tilespmem:s0+$0x13250] =	vst.add.f32.msk $0xffff, v22  }
0x56f: {  	[tilespmem:s0+$0x13260] =	vst.add.f32.msk $0xffff, v23  }
0x570: {  	[tilespmem:s0+$0x13270] =	vst.add.f32.msk $0xffff, v24  }
0x571: {  	[tilespmem:s0+$0x13280] =	vst.add.f32.msk $0xffff, v25  }
0x572: {  	[tilespmem:s0+$0x13290] =	vst.add.f32.msk $0xffff, v26  }
0x573: {  	[tilespmem:s0+$0x132A0] =	vst.add.f32.msk $0xffff, v27  }
0x574: {  	[tilespmem:s0+$0x132B0] =	vst.add.f32.msk $0xffff, v28  }
0x575: {  	[tilespmem:s0+$0x132C0] =	vst.add.f32.msk $0xffff, v29  }
0x576: {  	s21 =	smul.u32 $0x28, s29;
	s29 =	simm.s32 $0x0;
	s19 =	simm.s32 $0x800;
	[tilespmem:s0+$0x132D0] =	vst.add.f32.msk $0xffff, v30  }
.LBB2_21:
0x577: {  	s29 =	sadd.s32 $0x4, s29;
	[tilespmem:s0+$0x132E0] =	vst.add.f32.msk $0xffff, v0;
	s0 =	sshra.s32 s19, $0x2  }
0x578: {  	v0 =	vld [tilespmem:s0+$0x51F0];
	p1 =	slt.u32 s29, $0x24  }
0x579: {  	v1 =	vld [tilespmem:s0+$0x5000]  }
0x57a: {  	v2 =	vld [tilespmem:s0+$0x5010]  }
0x57b: {  	v3 =	vld [tilespmem:s0+$0x5020]  }
0x57c: {  	v4 =	vld [tilespmem:s0+$0x5030]  }
0x57d: {  	[tilespmem:s0+$0x132F0] =	vst.add.f32.msk $0xffff, v0  }
0x57e: {  	v5 =	vld [tilespmem:s0+$0x5040]  }
0x57f: {  	v6 =	vld [tilespmem:s0+$0x5050]  }
0x580: {  	v7 =	vld [tilespmem:s0+$0x5060]  }
0x581: {  	v8 =	vld [tilespmem:s0+$0x5070]  }
0x582: {  	v9 =	vld [tilespmem:s0+$0x5080]  }
0x583: {  	v10 =	vld [tilespmem:s0+$0x5090]  }
0x584: {  	v11 =	vld [tilespmem:s0+$0x50A0]  }
0x585: {  	v12 =	vld [tilespmem:s0+$0x50B0]  }
0x586: {  	v13 =	vld [tilespmem:s0+$0x50C0]  }
0x587: {  	v14 =	vld [tilespmem:s0+$0x50D0]  }
0x588: {  	v15 =	vld [tilespmem:s0+$0x50E0]  }
0x589: {  	v16 =	vld [tilespmem:s0+$0x50F0]  }
0x58a: {  	v17 =	vld [tilespmem:s0+$0x5100]  }
0x58b: {  	v18 =	vld [tilespmem:s0+$0x5110]  }
0x58c: {  	v19 =	vld [tilespmem:s0+$0x5120]  }
0x58d: {  	v20 =	vld [tilespmem:s0+$0x5130]  }
0x58e: {  	v21 =	vld [tilespmem:s0+$0x5140]  }
0x58f: {  	v22 =	vld [tilespmem:s0+$0x5150]  }
0x590: {  	v23 =	vld [tilespmem:s0+$0x5160]  }
0x591: {  	v24 =	vld [tilespmem:s0+$0x5170]  }
0x592: {  	v25 =	vld [tilespmem:s0+$0x5180]  }
0x593: {  	v26 =	vld [tilespmem:s0+$0x5190]  }
0x594: {  	v27 =	vld [tilespmem:s0+$0x51A0]  }
0x595: {  	v28 =	vld [tilespmem:s0+$0x51B0]  }
0x596: {  	v29 =	vld [tilespmem:s0+$0x51C0]  }
0x597: {  	v30 =	vld [tilespmem:s0+$0x51D0]  }
0x598: {  	v0 =	vld [tilespmem:s0+$0x51E0]  }
0x599: {  	[tilespmem:s0+$0x13100] =	vst.add.f32.msk $0xffff, v1  }
0x59a: {  	[tilespmem:s0+$0x13110] =	vst.add.f32.msk $0xffff, v2  }
0x59b: {  	[tilespmem:s0+$0x13120] =	vst.add.f32.msk $0xffff, v3  }
0x59c: {  	[tilespmem:s0+$0x13130] =	vst.add.f32.msk $0xffff, v4  }
0x59d: {  	[tilespmem:s0+$0x13140] =	vst.add.f32.msk $0xffff, v5  }
0x59e: {  	[tilespmem:s0+$0x13150] =	vst.add.f32.msk $0xffff, v6  }
0x59f: {  	[tilespmem:s0+$0x13160] =	vst.add.f32.msk $0xffff, v7  }
0x5a0: {  	[tilespmem:s0+$0x13170] =	vst.add.f32.msk $0xffff, v8  }
0x5a1: {  	[tilespmem:s0+$0x13180] =	vst.add.f32.msk $0xffff, v9  }
0x5a2: {  	[tilespmem:s0+$0x13190] =	vst.add.f32.msk $0xffff, v10  }
0x5a3: {  	[tilespmem:s0+$0x131A0] =	vst.add.f32.msk $0xffff, v11  }
0x5a4: {  	[tilespmem:s0+$0x131B0] =	vst.add.f32.msk $0xffff, v12  }
0x5a5: {  	[tilespmem:s0+$0x131C0] =	vst.add.f32.msk $0xffff, v13  }
0x5a6: {  	[tilespmem:s0+$0x131D0] =	vst.add.f32.msk $0xffff, v14  }
0x5a7: {  	[tilespmem:s0+$0x131E0] =	vst.add.f32.msk $0xffff, v15  }
0x5a8: {  	[tilespmem:s0+$0x131F0] =	vst.add.f32.msk $0xffff, v16  }
0x5a9: {  	[tilespmem:s0+$0x13200] =	vst.add.f32.msk $0xffff, v17  }
0x5aa: {  	[tilespmem:s0+$0x13210] =	vst.add.f32.msk $0xffff, v18  }
0x5ab: {  	[tilespmem:s0+$0x13220] =	vst.add.f32.msk $0xffff, v19  }
0x5ac: {  	[tilespmem:s0+$0x13230] =	vst.add.f32.msk $0xffff, v20  }
0x5ad: {  	[tilespmem:s0+$0x13240] =	vst.add.f32.msk $0xffff, v21  }
0x5ae: {  	[tilespmem:s0+$0x13250] =	vst.add.f32.msk $0xffff, v22  }
0x5af: {  	[tilespmem:s0+$0x13260] =	vst.add.f32.msk $0xffff, v23  }
0x5b0: {  	[tilespmem:s0+$0x13270] =	vst.add.f32.msk $0xffff, v24  }
0x5b1: {  	[tilespmem:s0+$0x13280] =	vst.add.f32.msk $0xffff, v25  }
.Ltmp11:
0x5b2: {  	[tilespmem:s0+$0x13290] =	vst.add.f32.msk $0xffff, v26;
	(pc) =	sbr.rel @p1 .LBB2_21-.Ltmp11, $4  }
0x5b3: {  	[tilespmem:s0+$0x132A0] =	vst.add.f32.msk $0xffff, v27  }
0x5b4: {  	[tilespmem:s0+$0x132B0] =	vst.add.f32.msk $0xffff, v28  }
0x5b5: {  	[tilespmem:s0+$0x132C0] =	vst.add.f32.msk $0xffff, v29  }
0x5b6: {  	s19 =	sadd.s32 $0x800, s19;
	[tilespmem:s0+$0x132D0] =	vst.add.f32.msk $0xffff, v30  }
.Ltmp12:
0x5b7: {  	(pc) =	sbr.rel @p0 .LBB2_24-.Ltmp12, $4  }
0x5b8: {  	s19 =	sadd.s32 s5, s21  }
0x5b9: {  	s19 =	sshll.u32 s19, $0x4  }
0x5ba: {  	[tilespmem:s0+$0x132E0] =	vst.add.f32.msk $0xffff, v0;
	s31 =	simm.s32 $0x13100;
	s30 =	sadd.s32 s4, s19  }
0x5bb: {  	[hbm4b:s30+s6] =	stream.linear.scatter [tilespmem:s31], [sflag:$0x14], $0x1400, $0x38;
	[tilespmem:$0x14500] =	vst v63  }
0x5bc: {  	s0 =	smul.u32 $0x640, s26  }
.Ltmp13:
0x5bd: {  	_ = 	snop;
	(pc) =	sbr.rel .LBB2_2-.Ltmp13, $4  }
0x5be: {  	_ =	swait.ge [sflag:s24], $0x1400  }
0x5bf: {  	s19 =	simm.s32 $0x28;
	[sflag:s24] =	ssyncset.done $0x0;
	s0 =	sshra.s32 s0, $0x2  }
0x5c0: {  	s26 =	sadd.s32 $0x1, s26;
	[sflag:s24] =	ssyncadd.s32 $0xFFFFEC00;
	s0 =	sadd.s32 $0x66D0, s0  }
0x5c1: {  	[tilespmem:s25], [sflag:$0x9] =	stream.indirect.gather [hbm4b:s1+s19], $0x80, s0, s19, $0xb8;
	[tilespmem:$0x14500] =	vst v63  }
.LBB2_25:
0x5c2: {  	_ =	sfence.sel $0x180000  }
0x5c3: {  	[bflag:$0x0] =	sbarrier.arrive $0xFFFF  }
0x5c4: {  	_ =	strace $0x90000047  }
0x5c5: {  	s0 =	stileid.u32;
	[bflag:$0x2] =	sbarrier.arrive $0xFFFF  }
0x5c6: {  	p0 =	sne.s32 s0, $0x0;
	s0 =	rddreg [dreg:$0x4]  }
0x5c7: {  	s0 =	sadd.s32 @!p0 $0x100000, s0  }
0x5c8: {  	[sflag:s0] =	ssyncadd.tile.s32 @!p0 $0x1;
	_ =	shalt  }
.Lfunc_end2:
_tile_overlayer_lowered:
.L_overlay_start_2:
0x5c9: {  	(tag) =	ssettag $0x2  }
0x5ca: {  	s0 =	rddreg [dreg:$0x0];
	s2 =	stileid.u32  }
0x5cb: {  	s1 =	rddreg [dreg:$0x1];
	p0 =	sne.s32 s2, $0x0  }
0x5cc: {  	s3 =	rddreg [dreg:$0x2];
	[bflag:$0x3] =	sbarrier.arrive $0xFFFF;
	s2 =	simm.s32 @!p0 $0x1C15  }
0x5cd: {  	[timem:s3], [sflag:s2] =	dma.local @!p0 [hbm:s0], s1  }
0x5ce: {  	s0 =	simm.s32 @!p0 $0x15  }
0x5cf: {  	_ =	swait.ge @!p0 [sflag:s0], s1  }
0x5d0: {  	s1 =	ssub.s32 @!p0 $0x0, s1;
	[sflag:s0] =	ssyncset.done @!p0 $0x0  }
0x5d1: {  	[sflag:s0] =	ssyncadd.s32 @!p0 s1  }
0x5d2: {  	[bflag:$0x3] =	sbarrier.arrive $0xFFFF  }
0x5d3: {  	_ =	shalt  }

</sc_bundles>
